<compile_context>
chip_gen: v7x
topology: tpu7x:2x2x1
jax: 0.10.2.dev20260603
libtpu: 0.0.44.dev20260713+nightly
codegen_flags: <defaults>
</compile_context>

<pallas_src>
import functools

import jax
import jax.numpy as jnp
from jax import lax
from jax.experimental import pallas as pl
from jax.experimental.pallas import tpu as pltpu
from jax.experimental.pallas import tpu_sc as plsc

NUM_LAYER = 5
EMB = 300
NUM_GRAPHS = 256
OUT_DIM = 256

NC = 2
NS = 16
L = 16
K = 128

NPAD = 10240
NT = 4
TW = 80
SPLITS = (80, 160, 240, 300)
ROWS_PER_TILE = NPAD // NS
ZCH = 64
CW = 32
SLAB = 8192


def _spmm_body(nchunks, h_hbm, src_hbm, dst_hbm, zero_hbm, out_hbm,
               src_v, dst_v, msg_v, acc, sem):
    c = lax.axis_index("c")
    s = lax.axis_index("s")
    pltpu.sync_copy(dst_hbm.at[pl.ds(s * nchunks, nchunks)], dst_v)
    for phase in range(NT // NC):
        pltpu.sync_copy(zero_hbm,
                        acc.at[pl.ds(s * ROWS_PER_TILE, ROWS_PER_TILE)])
        plsc.subcore_barrier()
        t = c + NC * phase
        pltpu.sync_copy(src_hbm.at[t, pl.ds(s * nchunks, nchunks)], src_v)

        def chunk(j, carry):
            pltpu.async_copy(h_hbm.at[src_v.at[j]], msg_v, sem).wait()
            pltpu.sync_copy(msg_v, acc.at[dst_v.at[j]], add=True)
            return carry

        lax.fori_loop(0, nchunks, chunk, 0)
        plsc.subcore_barrier()
        r = s * ROWS_PER_TILE
        pltpu.sync_copy(acc.at[pl.ds(r, ROWS_PER_TILE)],
                        out_hbm.at[pl.ds(t * NPAD + r, ROWS_PER_TILE)])
        plsc.subcore_barrier()


def _make_spmm(nchunks):
    mesh = plsc.VectorSubcoreMesh(core_axis_name="c", subcore_axis_name="s")
    return pl.kernel(
        functools.partial(_spmm_body, nchunks),
        out_type=jax.ShapeDtypeStruct((NT * NPAD, TW), jnp.float32),
        mesh=mesh,
        compiler_params=pltpu.CompilerParams(use_tc_tiling_on_sc=False),
        scratch_types=[
            pltpu.VMEM((nchunks, K), jnp.int32),
            pltpu.VMEM((nchunks, K), jnp.int32),
            pltpu.VMEM((K, TW), jnp.float32),
            pltpu.VMEM_SHARED((NPAD, TW), jnp.float32),
            pltpu.SemaphoreType.DMA,
        ],
    )


def _counts_body(nslabs, dst_hbm, code_hbm, out_hbm, dslab_v, cslab_v, cnt_v):
    c = lax.axis_index("c")
    s = lax.axis_index("s")
    base = s * ROWS_PER_TILE
    zeros16 = jnp.zeros((L,), jnp.float32)
    ones16 = jnp.ones((L,), jnp.float32)

    def zstep(i, carry):
        cnt_v[pl.ds(i * L, L)] = zeros16
        return carry

    lax.fori_loop(0, ROWS_PER_TILE * CW // L, zstep, 0)

    def slab(sl, carry):
        off = (c * nslabs + sl) * SLAB
        pltpu.sync_copy(dst_hbm.at[pl.ds(off, SLAB)], dslab_v)
        pltpu.sync_copy(code_hbm.at[pl.ds(off, SLAB)], cslab_v)

        def step(i, carry2):
            d = dslab_v[pl.ds(i * L, L)]
            cd = cslab_v[pl.ds(i * L, L)]
            m = (d >= base) & (d < base + ROWS_PER_TILE)
            lidx = jnp.where(m, (d - base) * CW + cd, 0)
            plsc.addupdate_scatter(cnt_v, [lidx], ones16, mask=m)
            return carry2

        lax.fori_loop(0, SLAB // L, step, 0)
        return carry

    lax.fori_loop(0, nslabs, slab, 0)
    pltpu.sync_copy(cnt_v,
                    out_hbm.at[pl.ds((c * NPAD + base) * CW,
                                     ROWS_PER_TILE * CW)])


def _make_counts(nslabs):
    mesh = plsc.VectorSubcoreMesh(core_axis_name="c", subcore_axis_name="s")
    return pl.kernel(
        functools.partial(_counts_body, nslabs),
        out_type=jax.ShapeDtypeStruct((NC * NPAD * CW,), jnp.float32),
        mesh=mesh,
        compiler_params=pltpu.CompilerParams(use_tc_tiling_on_sc=False,
                                             needs_layout_passes=False),
        scratch_types=[
            pltpu.VMEM((SLAB,), jnp.int32),
            pltpu.VMEM((SLAB,), jnp.int32),
            pltpu.VMEM((ROWS_PER_TILE * CW,), jnp.float32),
        ],
    )


BLK = 1024
NBLK = NPAD // BLK


def _join_tables(ref):
    parts = [ref[0], ref[1], ref[2], ref[3][:, :EMB - SPLITS[2]]]
    return jnp.concatenate(parts, axis=1)


def _split_tables(v):
    lo = 0
    outs = []
    for t in range(NT):
        hi = SPLITS[t]
        part = v[:, lo:hi]
        if hi - lo < TW:
            part = jnp.concatenate(
                [part, jnp.zeros((v.shape[0], TW - (hi - lo)), v.dtype)], axis=1)
        outs.append(part)
        lo = hi
    return jnp.stack(outs)


def _init_body(x0_ref, x1_ref, e1_ref, e2_ref, out_ref):
    x0 = x0_ref[...]
    x1 = x1_ref[...]
    oh1 = (lax.broadcasted_iota(jnp.int32, (BLK, e1_ref.shape[0]), 1)
           == x0[:, None]).astype(jnp.float32)
    oh2 = (lax.broadcasted_iota(jnp.int32, (BLK, e2_ref.shape[0]), 1)
           == x1[:, None]).astype(jnp.float32)
    h = (jnp.dot(oh1, e1_ref[...], preferred_element_type=jnp.float32)
         + jnp.dot(oh2, e2_ref[...], preferred_element_type=jnp.float32))
    out_ref[...] = _split_tables(h)


def _mlp_body(last, agg_ref, h_ref, cnt_ref, t_ref, w1_ref, b1_ref, w2_ref,
              b2_ref, g_ref, be_ref, out_ref):
    agg = _join_tables(agg_ref)
    hh = _join_tables(h_ref)
    cnt = cnt_ref[0] + cnt_ref[1]
    t = t_ref[...]
    a = agg + hh + jnp.dot(cnt, t, preferred_element_type=jnp.float32) + t[12:13, :]
    hid = jnp.maximum(jnp.dot(a, w1_ref[...], preferred_element_type=jnp.float32)
                      + b1_ref[...], 0.0)
    o = jnp.dot(hid, w2_ref[...], preferred_element_type=jnp.float32) + b2_ref[...]
    scale = g_ref[...] * (1.0 / jnp.sqrt(1.0 + 1e-5))
    o = o * scale + be_ref[...]
    if not last:
        o = jnp.maximum(o, 0.0)
    out_ref[...] = _split_tables(o)


def _pool_body(h_ref, batch_ref, pw_ref, pb_ref, out_ref, acc_ref):
    i = pl.program_id(0)
    hh = jnp.concatenate([_join_tables(h_ref),
                          jnp.ones((BLK, 4), jnp.float32)], axis=1)
    oh = (lax.broadcasted_iota(jnp.int32, (BLK, NUM_GRAPHS), 1)
          == batch_ref[...][:, None]).astype(jnp.float32)
    part = lax.dot_general(oh, hh, (((0,), (0,)), ((), ())),
                           preferred_element_type=jnp.float32)

    @pl.when(i == 0)
    def _():
        acc_ref[...] = part

    @pl.when(i > 0)
    def _():
        acc_ref[...] += part

    @pl.when(i == NBLK - 1)
    def _():
        acc = acc_ref[...]
        rep = acc[:, :EMB] / jnp.clip(acc[:, EMB:EMB + 1], 1.0, None)
        out_ref[...] = (jnp.dot(rep, pw_ref[...],
                                preferred_element_type=jnp.float32) + pb_ref[...])


def kernel(x, edge_index, edge_attr, batch, atom_emb1, atom_emb2, edge_emb1,
           edge_emb2, W1, b1, W2, b2, bn_gamma, bn_beta, proj_W, proj_b):
    N = x.shape[0]
    E = edge_index.shape[1]

    nchunks = ((-(-E // (NS * K)) + 7) // 8) * 8
    epad = NS * K * nchunks
    nslabs = -(-E // (NC * SLAB))
    cpad = NC * SLAB * nslabs

    src = edge_index[0].astype(jnp.int32)
    dst = edge_index[1].astype(jnp.int32)
    code = (edge_attr[:, 0] * 3 + edge_attr[:, 1]).astype(jnp.int32)

    pad_to = max(epad, cpad)
    src_p = jnp.full((pad_to,), N, jnp.int32).at[:E].set(src)
    dst_p = jnp.full((pad_to,), N, jnp.int32).at[:E].set(dst)
    code_p = jnp.full((pad_to,), CW - 1, jnp.int32).at[:E].set(code)

    src_r = src_p[:epad].reshape(NS * nchunks, K)
    src4 = jnp.stack([src_r + t * NPAD for t in range(NT)])
    dst_r = dst_p[:epad].reshape(NS * nchunks, K)

    zero_t = jnp.zeros((ROWS_PER_TILE, TW), jnp.float32)

    x0 = jnp.full((NPAD,), 127, jnp.int32).at[:N].set(x[:, 0].astype(jnp.int32))
    x1 = jnp.full((NPAD,), 127, jnp.int32).at[:N].set(x[:, 1].astype(jnp.int32))
    batch_p = jnp.full((NPAD,), NUM_GRAPHS + 7, jnp.int32).at[:N].set(
        batch.astype(jnp.int32))

    T = (edge_emb1[:, :, None, :] + edge_emb2[:, None, :, :]).reshape(
        NUM_LAYER, 18, EMB)
    T = jnp.concatenate(
        [T, jnp.zeros((NUM_LAYER, CW - 18, EMB), jnp.float32)], axis=1)

    counts2 = _make_counts(nslabs)(dst_p[:cpad], code_p[:cpad])
    cnt3 = counts2.reshape(NC, NPAD, CW)

    h4 = pl.pallas_call(
        _init_body,
        grid=(NBLK,),
        in_specs=[
            pl.BlockSpec((BLK,), lambda i: (i,)),
            pl.BlockSpec((BLK,), lambda i: (i,)),
            pl.BlockSpec(atom_emb1.shape, lambda i: (0, 0)),
            pl.BlockSpec(atom_emb2.shape, lambda i: (0, 0)),
        ],
        out_specs=pl.BlockSpec((NT, BLK, TW), lambda i: (0, i, 0)),
        out_shape=jax.ShapeDtypeStruct((NT, NPAD, TW), jnp.float32),
    )(x0, x1, atom_emb1, atom_emb2)

    spmm = _make_spmm(nchunks)
    b1_2 = b1.reshape(NUM_LAYER, 1, 2 * EMB)
    b2_2 = b2.reshape(NUM_LAYER, 1, EMB)
    g_2 = bn_gamma.reshape(NUM_LAYER, 1, EMB)
    be_2 = bn_beta.reshape(NUM_LAYER, 1, EMB)

    for l in range(NUM_LAYER):
        agg4 = spmm(h4.reshape(NT * NPAD, TW), src4, dst_r, zero_t)
        h4 = pl.pallas_call(
            functools.partial(_mlp_body, l == NUM_LAYER - 1),
            grid=(NBLK,),
            in_specs=[
                pl.BlockSpec((NT, BLK, TW), lambda i: (0, i, 0)),
                pl.BlockSpec((NT, BLK, TW), lambda i: (0, i, 0)),
                pl.BlockSpec((NC, BLK, CW), lambda i: (0, i, 0)),
                pl.BlockSpec((CW, EMB), lambda i: (0, 0)),
                pl.BlockSpec((EMB, 2 * EMB), lambda i: (0, 0)),
                pl.BlockSpec((1, 2 * EMB), lambda i: (0, 0)),
                pl.BlockSpec((2 * EMB, EMB), lambda i: (0, 0)),
                pl.BlockSpec((1, EMB), lambda i: (0, 0)),
                pl.BlockSpec((1, EMB), lambda i: (0, 0)),
                pl.BlockSpec((1, EMB), lambda i: (0, 0)),
            ],
            out_specs=pl.BlockSpec((NT, BLK, TW), lambda i: (0, i, 0)),
            out_shape=jax.ShapeDtypeStruct((NT, NPAD, TW), jnp.float32),
        )(agg4.reshape(NT, NPAD, TW), h4, cnt3, T[l], W1[l], b1_2[l], W2[l],
          b2_2[l], g_2[l], be_2[l])

    out = pl.pallas_call(
        _pool_body,
        grid=(NBLK,),
        in_specs=[
            pl.BlockSpec((NT, BLK, TW), lambda i: (0, i, 0)),
            pl.BlockSpec((BLK,), lambda i: (i,)),
            pl.BlockSpec((EMB, OUT_DIM), lambda i: (0, 0)),
            pl.BlockSpec((1, OUT_DIM), lambda i: (0, 0)),
        ],
        out_specs=pl.BlockSpec((NUM_GRAPHS, OUT_DIM), lambda i: (0, 0)),
        out_shape=jax.ShapeDtypeStruct((NUM_GRAPHS, OUT_DIM), jnp.float32),
        scratch_shapes=[pltpu.VMEM((NUM_GRAPHS, EMB + 4), jnp.float32)],
    )(h4, batch_p, proj_W, proj_b.reshape(1, OUT_DIM))
    return out

# --- scband reference (transcript-rebuilt; emitter-appended) ---
"""Pipeline reference for scband-mol-encoder-76991583748183 (READ-ONLY COPY).

The authoritative reference and input builder live on the scoring server;
editing this copy changes nothing except your own understanding.
"""

import jax, jax.numpy as jnp
import numpy as np

NUM_LAYER = 5
EMB = 300
NUM_GRAPHS = 256
N = 10000
E = 160000
OUT_DIM = 256
NUM_ATOM_TYPE = 120
NUM_CHIRALITY = 3
NUM_BOND_TYPE = 6
NUM_BOND_DIR = 3


def setup_inputs(seed: int = 0):
    key = jax.random.key(seed)
    ks = jax.random.split(key, 18)
    x = jax.random.randint(ks[0], (N, 2), 0, 3)
    edge_index = jax.random.randint(ks[1], (2, E), 0, N)
    edge_attr = jax.random.randint(ks[2], (E, 2), 0, 3)
    batch = jnp.sort(jax.random.randint(ks[3], (N,), 0, NUM_GRAPHS))
    s = 0.1
    atom_emb1 = s * jax.random.normal(ks[4], (NUM_ATOM_TYPE, EMB), dtype=jnp.float32)
    atom_emb2 = s * jax.random.normal(ks[5], (NUM_CHIRALITY, EMB), dtype=jnp.float32)
    edge_emb1 = s * jax.random.normal(ks[6], (NUM_LAYER, NUM_BOND_TYPE, EMB), dtype=jnp.float32)
    edge_emb2 = s * jax.random.normal(ks[7], (NUM_LAYER, NUM_BOND_DIR, EMB), dtype=jnp.float32)
    W1 = s * jax.random.normal(ks[8], (NUM_LAYER, EMB, 2 * EMB), dtype=jnp.float32)
    b1 = jnp.zeros((NUM_LAYER, 2 * EMB), dtype=jnp.float32)
    W2 = s * jax.random.normal(ks[9], (NUM_LAYER, 2 * EMB, EMB), dtype=jnp.float32)
    b2 = jnp.zeros((NUM_LAYER, EMB), dtype=jnp.float32)
    bn_gamma = jnp.ones((NUM_LAYER, EMB), dtype=jnp.float32)
    bn_beta = jnp.zeros((NUM_LAYER, EMB), dtype=jnp.float32)
    proj_W = s * jax.random.normal(ks[10], (EMB, OUT_DIM), dtype=jnp.float32)
    proj_b = jnp.zeros((OUT_DIM,), dtype=jnp.float32)
    return {"x": x, "edge_index": edge_index, "edge_attr": edge_attr, "batch": batch,
            "atom_emb1": atom_emb1, "atom_emb2": atom_emb2,
            "edge_emb1": edge_emb1, "edge_emb2": edge_emb2,
            "W1": W1, "b1": b1, "W2": W2, "b2": b2,
            "bn_gamma": bn_gamma, "bn_beta": bn_beta,
            "proj_W": proj_W, "proj_b": proj_b}


def reference(x, edge_index, edge_attr, batch, atom_emb1, atom_emb2, edge_emb1, edge_emb2,
              W1, b1, W2, b2, bn_gamma, bn_beta, proj_W, proj_b):
    n = x.shape[0]
    # initial node embedding (atom type + chirality)
    h = atom_emb1[x[:, 0]] + atom_emb2[x[:, 1]]
    # add self loops (PyG GINConv in pretrain-gnns style): self-loop bond type = 4, direction = 0
    loop_idx = jnp.arange(n)
    src_full = jnp.concatenate([edge_index[0], loop_idx])
    dst_full = jnp.concatenate([edge_index[1], loop_idx])
    loop_attr = jnp.zeros((n, 2), dtype=edge_attr.dtype).at[:, 0].set(4)
    ea_full = jnp.concatenate([edge_attr, loop_attr], axis=0)
    eps = 1e-5
    for l in range(NUM_LAYER):
        e_emb = edge_emb1[l][ea_full[:, 0]] + edge_emb2[l][ea_full[:, 1]]
        msg = h[src_full] + e_emb
        agg = jax.ops.segment_sum(msg, dst_full, num_segments=n)
        hidden = jnp.maximum(agg @ W1[l] + b1[l], 0.0)
        h_new = hidden @ W2[l] + b2[l]
        # BatchNorm eval mode: running_mean=0, running_var=1
        h_new = h_new / jnp.sqrt(1.0 + eps) * bn_gamma[l] + bn_beta[l]
        if l < NUM_LAYER - 1:
            h_new = jnp.maximum(h_new, 0.0)
        h = h_new
    # JK = 'last' -> node_representation = h; graph_pooling = 'mean'
    counts = jax.ops.segment_sum(jnp.ones((n,), dtype=jnp.float32), batch, num_segments=NUM_GRAPHS)
    summed = jax.ops.segment_sum(h, batch, num_segments=NUM_GRAPHS)
    graph_rep = summed / jnp.clip(counts, 1.0, None)[:, None]
    # fix_gnn = False -> apply projector
    out = graph_rep @ proj_W + proj_b
    return out

if __name__ == "__main__":
    import jax
    _d = setup_inputs()
    print(jax.jit(kernel)(*tuple(_d.values())))

</pallas_src>

<mosaic_0001>
#map = affine_map<(d0, d1) -> (0, 0)>
#map1 = affine_map<(d0, d1) -> (0, 0, 0)>
module attributes {stable_mosaic.version = 14 : i64} {
  func.func @_spmm_body(%arg0: i32, %arg1: i32, %arg2: memref<40960x80xf32, #tpu.memory_space<hbm>>, %arg3: memref<4x1280x128xi32, #tpu.memory_space<hbm>>, %arg4: memref<1280x128xi32, #tpu.memory_space<hbm>>, %arg5: memref<640x80xf32, #tpu.memory_space<hbm>>, %arg6: memref<40960x80xf32, #tpu.memory_space<hbm>>, %arg7: memref<80x128xi32, #tpu.memory_space<vmem>>, %arg8: memref<80x128xi32, #tpu.memory_space<vmem>>, %arg9: memref<128x80xf32, #tpu.memory_space<vmem>>, %arg10: memref<10240x80xf32, #tpu.memory_space<vmem_shared>>, %arg11: memref<!tpu.dma_semaphore, #tpu.memory_space<semaphore_mem>>) attributes {dimension_semantics = [#tpu.dimension_semantics<core_parallel>, #tpu.dimension_semantics<subcore_parallel>], iteration_bounds = array<i64: 2, 16>, scalar_prefetch = 0 : i64, scratch_operands = 5 : i64, tpu.core_type = #tpu.core_type<sc_vector_subcore>, window_params = [{transform_indices = #map}, {transform_indices = #map1}, {transform_indices = #map}, {transform_indices = #map}, {transform_indices = #map}]} {
    %mul3A = arith.constant 80 : i32
    %mul3A_0 = arith.muli %arg1, %mul3A : i32
    "tpu.region"() ({
      %run_scoped3A = tpu.sem_alloc : memref<!tpu.dma_semaphore, #tpu.memory_space<semaphore_mem>>
      %dma_start3A = arith.constant 0 : i32
      %dma_start3A_38 = tpu.memref_slice %arg4[%mul3A_0, %dma_start3A] : memref<1280x128xi32, #tpu.memory_space<hbm>> -> memref<80x128xi32, #tpu.memory_space<hbm>>
      %dma_start3A_39 = arith.constant 0 : i32
      %dma_start3A_40 = tpu.memref_slice %arg4[%mul3A_0, %dma_start3A_39] : memref<1280x128xi32, #tpu.memory_space<hbm>> -> memref<80x128xi32, #tpu.memory_space<hbm>>
      tpu.enqueue_dma source(%dma_start3A_40 : memref<80x128xi32, #tpu.memory_space<hbm>>) target(%arg8 : memref<80x128xi32, #tpu.memory_space<vmem>>) target_semaphore(%run_scoped3A : memref<!tpu.dma_semaphore, #tpu.memory_space<semaphore_mem>>)
      %dma_wait3A = arith.constant 0 : i32
      %dma_wait3A_41 = tpu.memref_slice %arg4[%mul3A_0, %dma_wait3A] : memref<1280x128xi32, #tpu.memory_space<hbm>> -> memref<80x128xi32, #tpu.memory_space<hbm>>
      %dma_wait3A_42 = arith.constant 0 : i32
      %dma_wait3A_43 = tpu.memref_slice %arg4[%mul3A_0, %dma_wait3A_42] : memref<1280x128xi32, #tpu.memory_space<hbm>> -> memref<80x128xi32, #tpu.memory_space<hbm>>
      tpu.wait_dma2 semaphore(%run_scoped3A : memref<!tpu.dma_semaphore, #tpu.memory_space<semaphore_mem>>) src(%dma_wait3A_43 : memref<80x128xi32, #tpu.memory_space<hbm>>) dst(%arg8 : memref<80x128xi32, #tpu.memory_space<vmem>>)
      tpu.yield
    }) : () -> ()
    %mul3A_1 = arith.constant 640 : i32
    %mul3A_2 = arith.muli %arg1, %mul3A_1 : i32
    "tpu.region"() ({
      %run_scoped3A = tpu.sem_alloc : memref<!tpu.dma_semaphore, #tpu.memory_space<semaphore_mem>>
      %dma_start3A = arith.constant 0 : i32
      %dma_start3A_38 = tpu.memref_slice %arg10[%mul3A_2, %dma_start3A] : memref<10240x80xf32, #tpu.memory_space<vmem_shared>> -> memref<640x80xf32, #tpu.memory_space<vmem_shared>>
      tpu.enqueue_dma source(%arg5 : memref<640x80xf32, #tpu.memory_space<hbm>>) target(%dma_start3A_38 : memref<640x80xf32, #tpu.memory_space<vmem_shared>>) target_semaphore(%run_scoped3A : memref<!tpu.dma_semaphore, #tpu.memory_space<semaphore_mem>>)
      %dma_wait3A = arith.constant 0 : i32
      %dma_wait3A_39 = tpu.memref_slice %arg10[%mul3A_2, %dma_wait3A] : memref<10240x80xf32, #tpu.memory_space<vmem_shared>> -> memref<640x80xf32, #tpu.memory_space<vmem_shared>>
      tpu.wait_dma2 semaphore(%run_scoped3A : memref<!tpu.dma_semaphore, #tpu.memory_space<semaphore_mem>>) src(%arg5 : memref<640x80xf32, #tpu.memory_space<hbm>>) dst(%dma_wait3A_39 : memref<640x80xf32, #tpu.memory_space<vmem_shared>>)
      tpu.yield
    }) : () -> ()
    %barrier3A = arith.constant 0 : index
    tpu.barrier barrier_id(%barrier3A)
    %add3A = arith.constant 0 : i32
    %add3A_3 = arith.addi %arg0, %add3A : i32
    %mul3A_4 = arith.constant 80 : i32
    %mul3A_5 = arith.muli %arg1, %mul3A_4 : i32
    "tpu.region"() ({
      %run_scoped3A = tpu.sem_alloc : memref<!tpu.dma_semaphore, #tpu.memory_space<semaphore_mem>>
      %dma_start3A = arith.constant 0 : i32
      %dma_start3A_38 = tpu.memref_slice %arg3[%add3A_3, %mul3A_5, %dma_start3A] : memref<4x1280x128xi32, #tpu.memory_space<hbm>> -> memref<1x80x128xi32, #tpu.memory_space<hbm>>
      %dma_start3A_39 = tpu.memref_squeeze %dma_start3A_38 : memref<1x80x128xi32, #tpu.memory_space<hbm>> -> memref<80x128xi32, #tpu.memory_space<hbm>>
      %dma_start3A_40 = arith.constant 0 : i32
      %dma_start3A_41 = tpu.memref_slice %arg3[%add3A_3, %mul3A_5, %dma_start3A_40] : memref<4x1280x128xi32, #tpu.memory_space<hbm>> -> memref<1x80x128xi32, #tpu.memory_space<hbm>>
      %dma_start3A_42 = tpu.memref_squeeze %dma_start3A_41 : memref<1x80x128xi32, #tpu.memory_space<hbm>> -> memref<80x128xi32, #tpu.memory_space<hbm>>
      tpu.enqueue_dma source(%dma_start3A_42 : memref<80x128xi32, #tpu.memory_space<hbm>>) target(%arg7 : memref<80x128xi32, #tpu.memory_space<vmem>>) target_semaphore(%run_scoped3A : memref<!tpu.dma_semaphore, #tpu.memory_space<semaphore_mem>>)
      %dma_wait3A = arith.constant 0 : i32
      %dma_wait3A_43 = tpu.memref_slice %arg3[%add3A_3, %mul3A_5, %dma_wait3A] : memref<4x1280x128xi32, #tpu.memory_space<hbm>> -> memref<1x80x128xi32, #tpu.memory_space<hbm>>
      %dma_wait3A_44 = tpu.memref_squeeze %dma_wait3A_43 : memref<1x80x128xi32, #tpu.memory_space<hbm>> -> memref<80x128xi32, #tpu.memory_space<hbm>>
      %dma_wait3A_45 = arith.constant 0 : i32
      %dma_wait3A_46 = tpu.memref_slice %arg3[%add3A_3, %mul3A_5, %dma_wait3A_45] : memref<4x1280x128xi32, #tpu.memory_space<hbm>> -> memref<1x80x128xi32, #tpu.memory_space<hbm>>
      %dma_wait3A_47 = tpu.memref_squeeze %dma_wait3A_46 : memref<1x80x128xi32, #tpu.memory_space<hbm>> -> memref<80x128xi32, #tpu.memory_space<hbm>>
      tpu.wait_dma2 semaphore(%run_scoped3A : memref<!tpu.dma_semaphore, #tpu.memory_space<semaphore_mem>>) src(%dma_wait3A_47 : memref<80x128xi32, #tpu.memory_space<hbm>>) dst(%arg7 : memref<80x128xi32, #tpu.memory_space<vmem>>)
      tpu.yield
    }) : () -> ()
    %scan3A = arith.constant 0 : i32
    %scan3A_6 = arith.constant 0 : i32
    %scan3A_7 = arith.constant 80 : i32
    %scan3A_8 = arith.addi %scan3A_6, %scan3A_7 : i32
    %scan3A_9 = arith.constant 1 : i32
    scf.for %scan3A_38 = %scan3A_6 to %scan3A_8 step %scan3A_9  : i32 {
      %dma_start3A = arith.constant 0 : i32
      %dma_start3A_39 = tpu.memref_slice %arg7[%scan3A_38, %dma_start3A] : memref<80x128xi32, #tpu.memory_space<vmem>> -> memref<1x128xi32, #tpu.memory_space<vmem>>
      %dma_start3A_40 = tpu.memref_squeeze %dma_start3A_39 : memref<1x128xi32, #tpu.memory_space<vmem>> -> memref<128xi32, #tpu.memory_space<vmem>>
      %dma_start3A_41 = arith.constant 0 : i32
      %dma_start3A_42 = arith.constant 0 : i32
      %dma_start3A_43 = tpu.memref_slice %arg2[%dma_start3A_41, %dma_start3A_42] : memref<40960x80xf32, #tpu.memory_space<hbm>> -> memref<40960x80xf32, #tpu.memory_space<hbm>>
      tpu.enqueue_indirect_dma source(%dma_start3A_43 : memref<40960x80xf32, #tpu.memory_space<hbm>>) target(%arg9 : memref<128x80xf32, #tpu.memory_space<vmem>>) offsets(%dma_start3A_40 : memref<128xi32, #tpu.memory_space<vmem>>) semaphore(%arg11 : memref<!tpu.dma_semaphore, #tpu.memory_space<semaphore_mem>>)
      %dma_wait3A = arith.constant 0 : i32
      %dma_wait3A_44 = tpu.memref_slice %arg7[%scan3A_38, %dma_wait3A] : memref<80x128xi32, #tpu.memory_space<vmem>> -> memref<1x128xi32, #tpu.memory_space<vmem>>
      %dma_wait3A_45 = tpu.memref_squeeze %dma_wait3A_44 : memref<1x128xi32, #tpu.memory_space<vmem>> -> memref<128xi32, #tpu.memory_space<vmem>>
      %dma_wait3A_46 = arith.constant 0 : i32
      %dma_wait3A_47 = arith.constant 0 : i32
      %dma_wait3A_48 = tpu.memref_slice %arg2[%dma_wait3A_46, %dma_wait3A_47] : memref<40960x80xf32, #tpu.memory_space<hbm>> -> memref<40960x80xf32, #tpu.memory_space<hbm>>
      tpu.wait_indirect_dma semaphore(%arg11 : memref<!tpu.dma_semaphore, #tpu.memory_space<semaphore_mem>>) src(%dma_wait3A_48 : memref<40960x80xf32, #tpu.memory_space<hbm>>) dst(%arg9 : memref<128x80xf32, #tpu.memory_space<vmem>>)
      "tpu.region"() ({
        %run_scoped3A = tpu.sem_alloc : memref<!tpu.dma_semaphore, #tpu.memory_space<semaphore_mem>>
        %dma_start3A_49 = arith.constant 0 : i32
        %dma_start3A_50 = tpu.memref_slice %arg8[%scan3A_38, %dma_start3A_49] : memref<80x128xi32, #tpu.memory_space<vmem>> -> memref<1x128xi32, #tpu.memory_space<vmem>>
        %dma_start3A_51 = tpu.memref_squeeze %dma_start3A_50 : memref<1x128xi32, #tpu.memory_space<vmem>> -> memref<128xi32, #tpu.memory_space<vmem>>
        %dma_start3A_52 = arith.constant 0 : i32
        %dma_start3A_53 = arith.constant 0 : i32
        %dma_start3A_54 = tpu.memref_slice %arg10[%dma_start3A_52, %dma_start3A_53] : memref<10240x80xf32, #tpu.memory_space<vmem_shared>> -> memref<10240x80xf32, #tpu.memory_space<vmem_shared>>
        tpu.enqueue_indirect_dma source(%arg9 : memref<128x80xf32, #tpu.memory_space<vmem>>) target(%dma_start3A_54 : memref<10240x80xf32, #tpu.memory_space<vmem_shared>>) offsets(%dma_start3A_51 : memref<128xi32, #tpu.memory_space<vmem>>) semaphore(%run_scoped3A : memref<!tpu.dma_semaphore, #tpu.memory_space<semaphore_mem>>) {add = true}
        %dma_wait3A_55 = arith.constant 0 : i32
        %dma_wait3A_56 = tpu.memref_slice %arg8[%scan3A_38, %dma_wait3A_55] : memref<80x128xi32, #tpu.memory_space<vmem>> -> memref<1x128xi32, #tpu.memory_space<vmem>>
        %dma_wait3A_57 = tpu.memref_squeeze %dma_wait3A_56 : memref<1x128xi32, #tpu.memory_space<vmem>> -> memref<128xi32, #tpu.memory_space<vmem>>
        %dma_wait3A_58 = arith.constant 0 : i32
        %dma_wait3A_59 = arith.constant 0 : i32
        %dma_wait3A_60 = tpu.memref_slice %arg10[%dma_wait3A_58, %dma_wait3A_59] : memref<10240x80xf32, #tpu.memory_space<vmem_shared>> -> memref<10240x80xf32, #tpu.memory_space<vmem_shared>>
        tpu.wait_indirect_dma semaphore(%run_scoped3A : memref<!tpu.dma_semaphore, #tpu.memory_space<semaphore_mem>>) src(%arg9 : memref<128x80xf32, #tpu.memory_space<vmem>>) dst(%dma_wait3A_60 : memref<10240x80xf32, #tpu.memory_space<vmem_shared>>)
        tpu.yield
      }) : () -> ()
    }
    %scan3A_10 = arith.constant 80 : i32
    %barrier3A_11 = arith.constant 0 : index
    tpu.barrier barrier_id(%barrier3A_11)
    %mul3A_12 = arith.constant 640 : i32
    %mul3A_13 = arith.muli %arg1, %mul3A_12 : i32
    %mul3A_14 = arith.constant 10240 : i32
    %mul3A_15 = arith.muli %add3A_3, %mul3A_14 : i32
    %add3A_16 = arith.addi %mul3A_15, %mul3A_13 : i32
    "tpu.region"() ({
      %run_scoped3A = tpu.sem_alloc : memref<!tpu.dma_semaphore, #tpu.memory_space<semaphore_mem>>
      %dma_start3A = arith.constant 0 : i32
      %dma_start3A_38 = tpu.memref_slice %arg6[%add3A_16, %dma_start3A] : memref<40960x80xf32, #tpu.memory_space<hbm>> -> memref<640x80xf32, #tpu.memory_space<hbm>>
      %dma_start3A_39 = arith.constant 0 : i32
      %dma_start3A_40 = tpu.memref_slice %arg10[%mul3A_13, %dma_start3A_39] : memref<10240x80xf32, #tpu.memory_space<vmem_shared>> -> memref<640x80xf32, #tpu.memory_space<vmem_shared>>
      tpu.enqueue_dma source(%dma_start3A_40 : memref<640x80xf32, #tpu.memory_space<vmem_shared>>) target(%dma_start3A_38 : memref<640x80xf32, #tpu.memory_space<hbm>>) target_semaphore(%run_scoped3A : memref<!tpu.dma_semaphore, #tpu.memory_space<semaphore_mem>>)
      %dma_wait3A = arith.constant 0 : i32
      %dma_wait3A_41 = tpu.memref_slice %arg6[%add3A_16, %dma_wait3A] : memref<40960x80xf32, #tpu.memory_space<hbm>> -> memref<640x80xf32, #tpu.memory_space<hbm>>
      %dma_wait3A_42 = arith.constant 0 : i32
      %dma_wait3A_43 = tpu.memref_slice %arg10[%mul3A_13, %dma_wait3A_42] : memref<10240x80xf32, #tpu.memory_space<vmem_shared>> -> memref<640x80xf32, #tpu.memory_space<vmem_shared>>
      tpu.wait_dma2 semaphore(%run_scoped3A : memref<!tpu.dma_semaphore, #tpu.memory_space<semaphore_mem>>) src(%dma_wait3A_43 : memref<640x80xf32, #tpu.memory_space<vmem_shared>>) dst(%dma_wait3A_41 : memref<640x80xf32, #tpu.memory_space<hbm>>)
      tpu.yield
    }) : () -> ()
    %barrier3A_17 = arith.constant 0 : index
    tpu.barrier barrier_id(%barrier3A_17)
    %mul3A_18 = arith.constant 640 : i32
    %mul3A_19 = arith.muli %arg1, %mul3A_18 : i32
    "tpu.region"() ({
      %run_scoped3A = tpu.sem_alloc : memref<!tpu.dma_semaphore, #tpu.memory_space<semaphore_mem>>
      %dma_start3A = arith.constant 0 : i32
      %dma_start3A_38 = tpu.memref_slice %arg10[%mul3A_19, %dma_start3A] : memref<10240x80xf32, #tpu.memory_space<vmem_shared>> -> memref<640x80xf32, #tpu.memory_space<vmem_shared>>
      tpu.enqueue_dma source(%arg5 : memref<640x80xf32, #tpu.memory_space<hbm>>) target(%dma_start3A_38 : memref<640x80xf32, #tpu.memory_space<vmem_shared>>) target_semaphore(%run_scoped3A : memref<!tpu.dma_semaphore, #tpu.memory_space<semaphore_mem>>)
      %dma_wait3A = arith.constant 0 : i32
      %dma_wait3A_39 = tpu.memref_slice %arg10[%mul3A_19, %dma_wait3A] : memref<10240x80xf32, #tpu.memory_space<vmem_shared>> -> memref<640x80xf32, #tpu.memory_space<vmem_shared>>
      tpu.wait_dma2 semaphore(%run_scoped3A : memref<!tpu.dma_semaphore, #tpu.memory_space<semaphore_mem>>) src(%arg5 : memref<640x80xf32, #tpu.memory_space<hbm>>) dst(%dma_wait3A_39 : memref<640x80xf32, #tpu.memory_space<vmem_shared>>)
      tpu.yield
    }) : () -> ()
    %barrier3A_20 = arith.constant 0 : index
    tpu.barrier barrier_id(%barrier3A_20)
    %add3A_21 = arith.constant 2 : i32
    %add3A_22 = arith.addi %arg0, %add3A_21 : i32
    %mul3A_23 = arith.constant 80 : i32
    %mul3A_24 = arith.muli %arg1, %mul3A_23 : i32
    "tpu.region"() ({
      %run_scoped3A = tpu.sem_alloc : memref<!tpu.dma_semaphore, #tpu.memory_space<semaphore_mem>>
      %dma_start3A = arith.constant 0 : i32
      %dma_start3A_38 = tpu.memref_slice %arg3[%add3A_22, %mul3A_24, %dma_start3A] : memref<4x1280x128xi32, #tpu.memory_space<hbm>> -> memref<1x80x128xi32, #tpu.memory_space<hbm>>
      %dma_start3A_39 = tpu.memref_squeeze %dma_start3A_38 : memref<1x80x128xi32, #tpu.memory_space<hbm>> -> memref<80x128xi32, #tpu.memory_space<hbm>>
      %dma_start3A_40 = arith.constant 0 : i32
      %dma_start3A_41 = tpu.memref_slice %arg3[%add3A_22, %mul3A_24, %dma_start3A_40] : memref<4x1280x128xi32, #tpu.memory_space<hbm>> -> memref<1x80x128xi32, #tpu.memory_space<hbm>>
      %dma_start3A_42 = tpu.memref_squeeze %dma_start3A_41 : memref<1x80x128xi32, #tpu.memory_space<hbm>> -> memref<80x128xi32, #tpu.memory_space<hbm>>
      tpu.enqueue_dma source(%dma_start3A_42 : memref<80x128xi32, #tpu.memory_space<hbm>>) target(%arg7 : memref<80x128xi32, #tpu.memory_space<vmem>>) target_semaphore(%run_scoped3A : memref<!tpu.dma_semaphore, #tpu.memory_space<semaphore_mem>>)
      %dma_wait3A = arith.constant 0 : i32
      %dma_wait3A_43 = tpu.memref_slice %arg3[%add3A_22, %mul3A_24, %dma_wait3A] : memref<4x1280x128xi32, #tpu.memory_space<hbm>> -> memref<1x80x128xi32, #tpu.memory_space<hbm>>
      %dma_wait3A_44 = tpu.memref_squeeze %dma_wait3A_43 : memref<1x80x128xi32, #tpu.memory_space<hbm>> -> memref<80x128xi32, #tpu.memory_space<hbm>>
      %dma_wait3A_45 = arith.constant 0 : i32
      %dma_wait3A_46 = tpu.memref_slice %arg3[%add3A_22, %mul3A_24, %dma_wait3A_45] : memref<4x1280x128xi32, #tpu.memory_space<hbm>> -> memref<1x80x128xi32, #tpu.memory_space<hbm>>
      %dma_wait3A_47 = tpu.memref_squeeze %dma_wait3A_46 : memref<1x80x128xi32, #tpu.memory_space<hbm>> -> memref<80x128xi32, #tpu.memory_space<hbm>>
      tpu.wait_dma2 semaphore(%run_scoped3A : memref<!tpu.dma_semaphore, #tpu.memory_space<semaphore_mem>>) src(%dma_wait3A_47 : memref<80x128xi32, #tpu.memory_space<hbm>>) dst(%arg7 : memref<80x128xi32, #tpu.memory_space<vmem>>)
      tpu.yield
    }) : () -> ()
    %scan3A_25 = arith.constant 0 : i32
    %scan3A_26 = arith.constant 0 : i32
    %scan3A_27 = arith.constant 80 : i32
    %scan3A_28 = arith.addi %scan3A_26, %scan3A_27 : i32
    %scan3A_29 = arith.constant 1 : i32
    scf.for %scan3A_38 = %scan3A_26 to %scan3A_28 step %scan3A_29  : i32 {
      %dma_start3A = arith.constant 0 : i32
      %dma_start3A_39 = tpu.memref_slice %arg7[%scan3A_38, %dma_start3A] : memref<80x128xi32, #tpu.memory_space<vmem>> -> memref<1x128xi32, #tpu.memory_space<vmem>>
      %dma_start3A_40 = tpu.memref_squeeze %dma_start3A_39 : memref<1x128xi32, #tpu.memory_space<vmem>> -> memref<128xi32, #tpu.memory_space<vmem>>
      %dma_start3A_41 = arith.constant 0 : i32
      %dma_start3A_42 = arith.constant 0 : i32
      %dma_start3A_43 = tpu.memref_slice %arg2[%dma_start3A_41, %dma_start3A_42] : memref<40960x80xf32, #tpu.memory_space<hbm>> -> memref<40960x80xf32, #tpu.memory_space<hbm>>
      tpu.enqueue_indirect_dma source(%dma_start3A_43 : memref<40960x80xf32, #tpu.memory_space<hbm>>) target(%arg9 : memref<128x80xf32, #tpu.memory_space<vmem>>) offsets(%dma_start3A_40 : memref<128xi32, #tpu.memory_space<vmem>>) semaphore(%arg11 : memref<!tpu.dma_semaphore, #tpu.memory_space<semaphore_mem>>)
      %dma_wait3A = arith.constant 0 : i32
      %dma_wait3A_44 = tpu.memref_slice %arg7[%scan3A_38, %dma_wait3A] : memref<80x128xi32, #tpu.memory_space<vmem>> -> memref<1x128xi32, #tpu.memory_space<vmem>>
      %dma_wait3A_45 = tpu.memref_squeeze %dma_wait3A_44 : memref<1x128xi32, #tpu.memory_space<vmem>> -> memref<128xi32, #tpu.memory_space<vmem>>
      %dma_wait3A_46 = arith.constant 0 : i32
      %dma_wait3A_47 = arith.constant 0 : i32
      %dma_wait3A_48 = tpu.memref_slice %arg2[%dma_wait3A_46, %dma_wait3A_47] : memref<40960x80xf32, #tpu.memory_space<hbm>> -> memref<40960x80xf32, #tpu.memory_space<hbm>>
      tpu.wait_indirect_dma semaphore(%arg11 : memref<!tpu.dma_semaphore, #tpu.memory_space<semaphore_mem>>) src(%dma_wait3A_48 : memref<40960x80xf32, #tpu.memory_space<hbm>>) dst(%arg9 : memref<128x80xf32, #tpu.memory_space<vmem>>)
      "tpu.region"() ({
        %run_scoped3A = tpu.sem_alloc : memref<!tpu.dma_semaphore, #tpu.memory_space<semaphore_mem>>
        %dma_start3A_49 = arith.constant 0 : i32
        %dma_start3A_50 = tpu.memref_slice %arg8[%scan3A_38, %dma_start3A_49] : memref<80x128xi32, #tpu.memory_space<vmem>> -> memref<1x128xi32, #tpu.memory_space<vmem>>
        %dma_start3A_51 = tpu.memref_squeeze %dma_start3A_50 : memref<1x128xi32, #tpu.memory_space<vmem>> -> memref<128xi32, #tpu.memory_space<vmem>>
        %dma_start3A_52 = arith.constant 0 : i32
        %dma_start3A_53 = arith.constant 0 : i32
        %dma_start3A_54 = tpu.memref_slice %arg10[%dma_start3A_52, %dma_start3A_53] : memref<10240x80xf32, #tpu.memory_space<vmem_shared>> -> memref<10240x80xf32, #tpu.memory_space<vmem_shared>>
        tpu.enqueue_indirect_dma source(%arg9 : memref<128x80xf32, #tpu.memory_space<vmem>>) target(%dma_start3A_54 : memref<10240x80xf32, #tpu.memory_space<vmem_shared>>) offsets(%dma_start3A_51 : memref<128xi32, #tpu.memory_space<vmem>>) semaphore(%run_scoped3A : memref<!tpu.dma_semaphore, #tpu.memory_space<semaphore_mem>>) {add = true}
        %dma_wait3A_55 = arith.constant 0 : i32
        %dma_wait3A_56 = tpu.memref_slice %arg8[%scan3A_38, %dma_wait3A_55] : memref<80x128xi32, #tpu.memory_space<vmem>> -> memref<1x128xi32, #tpu.memory_space<vmem>>
        %dma_wait3A_57 = tpu.memref_squeeze %dma_wait3A_56 : memref<1x128xi32, #tpu.memory_space<vmem>> -> memref<128xi32, #tpu.memory_space<vmem>>
        %dma_wait3A_58 = arith.constant 0 : i32
        %dma_wait3A_59 = arith.constant 0 : i32
        %dma_wait3A_60 = tpu.memref_slice %arg10[%dma_wait3A_58, %dma_wait3A_59] : memref<10240x80xf32, #tpu.memory_space<vmem_shared>> -> memref<10240x80xf32, #tpu.memory_space<vmem_shared>>
        tpu.wait_indirect_dma semaphore(%run_scoped3A : memref<!tpu.dma_semaphore, #tpu.memory_space<semaphore_mem>>) src(%arg9 : memref<128x80xf32, #tpu.memory_space<vmem>>) dst(%dma_wait3A_60 : memref<10240x80xf32, #tpu.memory_space<vmem_shared>>)
        tpu.yield
      }) : () -> ()
    }
    %scan3A_30 = arith.constant 80 : i32
    %barrier3A_31 = arith.constant 0 : index
    tpu.barrier barrier_id(%barrier3A_31)
    %mul3A_32 = arith.constant 640 : i32
    %mul3A_33 = arith.muli %arg1, %mul3A_32 : i32
    %mul3A_34 = arith.constant 10240 : i32
    %mul3A_35 = arith.muli %add3A_22, %mul3A_34 : i32
    %add3A_36 = arith.addi %mul3A_35, %mul3A_33 : i32
    "tpu.region"() ({
      %run_scoped3A = tpu.sem_alloc : memref<!tpu.dma_semaphore, #tpu.memory_space<semaphore_mem>>
      %dma_start3A = arith.constant 0 : i32
      %dma_start3A_38 = tpu.memref_slice %arg6[%add3A_36, %dma_start3A] : memref<40960x80xf32, #tpu.memory_space<hbm>> -> memref<640x80xf32, #tpu.memory_space<hbm>>
      %dma_start3A_39 = arith.constant 0 : i32
      %dma_start3A_40 = tpu.memref_slice %arg10[%mul3A_33, %dma_start3A_39] : memref<10240x80xf32, #tpu.memory_space<vmem_shared>> -> memref<640x80xf32, #tpu.memory_space<vmem_shared>>
      tpu.enqueue_dma source(%dma_start3A_40 : memref<640x80xf32, #tpu.memory_space<vmem_shared>>) target(%dma_start3A_38 : memref<640x80xf32, #tpu.memory_space<hbm>>) target_semaphore(%run_scoped3A : memref<!tpu.dma_semaphore, #tpu.memory_space<semaphore_mem>>)
      %dma_wait3A = arith.constant 0 : i32
      %dma_wait3A_41 = tpu.memref_slice %arg6[%add3A_36, %dma_wait3A] : memref<40960x80xf32, #tpu.memory_space<hbm>> -> memref<640x80xf32, #tpu.memory_space<hbm>>
      %dma_wait3A_42 = arith.constant 0 : i32
      %dma_wait3A_43 = tpu.memref_slice %arg10[%mul3A_33, %dma_wait3A_42] : memref<10240x80xf32, #tpu.memory_space<vmem_shared>> -> memref<640x80xf32, #tpu.memory_space<vmem_shared>>
      tpu.wait_dma2 semaphore(%run_scoped3A : memref<!tpu.dma_semaphore, #tpu.memory_space<semaphore_mem>>) src(%dma_wait3A_43 : memref<640x80xf32, #tpu.memory_space<vmem_shared>>) dst(%dma_wait3A_41 : memref<640x80xf32, #tpu.memory_space<hbm>>)
      tpu.yield
    }) : () -> ()
    %barrier3A_37 = arith.constant 0 : index
    tpu.barrier barrier_id(%barrier3A_37)
    return
  }
}

#map = affine_map<(d0, d1) -> (0, 0)>
#map1 = affine_map<(d0, d1) -> (0, 0, 0)>
module attributes {stable_mosaic.version = 14 : i64} {
  func.func @_spmm_body(%arg0: i32, %arg1: i32, %arg2: memref<40960x80xf32, #tpu.memory_space<hbm>>, %arg3: memref<4x1280x128xi32, #tpu.memory_space<hbm>>, %arg4: memref<1280x128xi32, #tpu.memory_space<hbm>>, %arg5: memref<640x80xf32, #tpu.memory_space<hbm>>, %arg6: memref<40960x80xf32, #tpu.memory_space<hbm>>, %arg7: memref<80x128xi32, #tpu.memory_space<vmem>>, %arg8: memref<80x128xi32, #tpu.memory_space<vmem>>, %arg9: memref<128x80xf32, #tpu.memory_space<vmem>>, %arg10: memref<10240x80xf32, #tpu.memory_space<vmem_shared>>, %arg11: memref<!tpu.dma_semaphore, #tpu.memory_space<semaphore_mem>>) attributes {dimension_semantics = [#tpu.dimension_semantics<core_parallel>, #tpu.dimension_semantics<subcore_parallel>], iteration_bounds = array<i64: 2, 16>, scalar_prefetch = 0 : i64, scratch_operands = 5 : i64, tpu.core_type = #tpu.core_type<sc_vector_subcore>, window_params = [{transform_indices = #map}, {transform_indices = #map1}, {transform_indices = #map}, {transform_indices = #map}, {transform_indices = #map}]} {
    %mul3A = arith.constant 80 : i32
    %mul3A_0 = arith.muli %arg1, %mul3A : i32
    "tpu.region"() ({
      %run_scoped3A = tpu.sem_alloc : memref<!tpu.dma_semaphore, #tpu.memory_space<semaphore_mem>>
      %dma_start3A = arith.constant 0 : i32
      %dma_start3A_38 = tpu.memref_slice %arg4[%mul3A_0, %dma_start3A] : memref<1280x128xi32, #tpu.memory_space<hbm>> -> memref<80x128xi32, #tpu.memory_space<hbm>>
      %dma_start3A_39 = arith.constant 0 : i32
      %dma_start3A_40 = tpu.memref_slice %arg4[%mul3A_0, %dma_start3A_39] : memref<1280x128xi32, #tpu.memory_space<hbm>> -> memref<80x128xi32, #tpu.memory_space<hbm>>
      tpu.enqueue_dma source(%dma_start3A_40 : memref<80x128xi32, #tpu.memory_space<hbm>>) target(%arg8 : memref<80x128xi32, #tpu.memory_space<vmem>>) target_semaphore(%run_scoped3A : memref<!tpu.dma_semaphore, #tpu.memory_space<semaphore_mem>>)
      %dma_wait3A = arith.constant 0 : i32
      %dma_wait3A_41 = tpu.memref_slice %arg4[%mul3A_0, %dma_wait3A] : memref<1280x128xi32, #tpu.memory_space<hbm>> -> memref<80x128xi32, #tpu.memory_space<hbm>>
      %dma_wait3A_42 = arith.constant 0 : i32
      %dma_wait3A_43 = tpu.memref_slice %arg4[%mul3A_0, %dma_wait3A_42] : memref<1280x128xi32, #tpu.memory_space<hbm>> -> memref<80x128xi32, #tpu.memory_space<hbm>>
      tpu.wait_dma2 semaphore(%run_scoped3A : memref<!tpu.dma_semaphore, #tpu.memory_space<semaphore_mem>>) src(%dma_wait3A_43 : memref<80x128xi32, #tpu.memory_space<hbm>>) dst(%arg8 : memref<80x128xi32, #tpu.memory_space<vmem>>)
      tpu.yield
    }) : () -> ()
    %mul3A_1 = arith.constant 640 : i32
    %mul3A_2 = arith.muli %arg1, %mul3A_1 : i32
    "tpu.region"() ({
      %run_scoped3A = tpu.sem_alloc : memref<!tpu.dma_semaphore, #tpu.memory_space<semaphore_mem>>
      %dma_start3A = arith.constant 0 : i32
      %dma_start3A_38 = tpu.memref_slice %arg10[%mul3A_2, %dma_start3A] : memref<10240x80xf32, #tpu.memory_space<vmem_shared>> -> memref<640x80xf32, #tpu.memory_space<vmem_shared>>
      tpu.enqueue_dma source(%arg5 : memref<640x80xf32, #tpu.memory_space<hbm>>) target(%dma_start3A_38 : memref<640x80xf32, #tpu.memory_space<vmem_shared>>) target_semaphore(%run_scoped3A : memref<!tpu.dma_semaphore, #tpu.memory_space<semaphore_mem>>)
      %dma_wait3A = arith.constant 0 : i32
      %dma_wait3A_39 = tpu.memref_slice %arg10[%mul3A_2, %dma_wait3A] : memref<10240x80xf32, #tpu.memory_space<vmem_shared>> -> memref<640x80xf32, #tpu.memory_space<vmem_shared>>
      tpu.wait_dma2 semaphore(%run_scoped3A : memref<!tpu.dma_semaphore, #tpu.memory_space<semaphore_mem>>) src(%arg5 : memref<640x80xf32, #tpu.memory_space<hbm>>) dst(%dma_wait3A_39 : memref<640x80xf32, #tpu.memory_space<vmem_shared>>)
      tpu.yield
    }) : () -> ()
    %barrier3A = arith.constant 0 : index
    tpu.barrier barrier_id(%barrier3A)
    %add3A = arith.constant 0 : i32
    %add3A_3 = arith.addi %arg0, %add3A : i32
    %mul3A_4 = arith.constant 80 : i32
    %mul3A_5 = arith.muli %arg1, %mul3A_4 : i32
    "tpu.region"() ({
      %run_scoped3A = tpu.sem_alloc : memref<!tpu.dma_semaphore, #tpu.memory_space<semaphore_mem>>
      %dma_start3A = arith.constant 0 : i32
      %dma_start3A_38 = tpu.memref_slice %arg3[%add3A_3, %mul3A_5, %dma_start3A] : memref<4x1280x128xi32, #tpu.memory_space<hbm>> -> memref<1x80x128xi32, #tpu.memory_space<hbm>>
      %dma_start3A_39 = tpu.memref_squeeze %dma_start3A_38 : memref<1x80x128xi32, #tpu.memory_space<hbm>> -> memref<80x128xi32, #tpu.memory_space<hbm>>
      %dma_start3A_40 = arith.constant 0 : i32
      %dma_start3A_41 = tpu.memref_slice %arg3[%add3A_3, %mul3A_5, %dma_start3A_40] : memref<4x1280x128xi32, #tpu.memory_space<hbm>> -> memref<1x80x128xi32, #tpu.memory_space<hbm>>
      %dma_start3A_42 = tpu.memref_squeeze %dma_start3A_41 : memref<1x80x128xi32, #tpu.memory_space<hbm>> -> memref<80x128xi32, #tpu.memory_space<hbm>>
      tpu.enqueue_dma source(%dma_start3A_42 : memref<80x128xi32, #tpu.memory_space<hbm>>) target(%arg7 : memref<80x128xi32, #tpu.memory_space<vmem>>) target_semaphore(%run_scoped3A : memref<!tpu.dma_semaphore, #tpu.memory_space<semaphore_mem>>)
      %dma_wait3A = arith.constant 0 : i32
      %dma_wait3A_43 = tpu.memref_slice %arg3[%add3A_3, %mul3A_5, %dma_wait3A] : memref<4x1280x128xi32, #tpu.memory_space<hbm>> -> memref<1x80x128xi32, #tpu.memory_space<hbm>>
      %dma_wait3A_44 = tpu.memref_squeeze %dma_wait3A_43 : memref<1x80x128xi32, #tpu.memory_space<hbm>> -> memref<80x128xi32, #tpu.memory_space<hbm>>
      %dma_wait3A_45 = arith.constant 0 : i32
      %dma_wait3A_46 = tpu.memref_slice %arg3[%add3A_3, %mul3A_5, %dma_wait3A_45] : memref<4x1280x128xi32, #tpu.memory_space<hbm>> -> memref<1x80x128xi32, #tpu.memory_space<hbm>>
      %dma_wait3A_47 = tpu.memref_squeeze %dma_wait3A_46 : memref<1x80x128xi32, #tpu.memory_space<hbm>> -> memref<80x128xi32, #tpu.memory_space<hbm>>
      tpu.wait_dma2 semaphore(%run_scoped3A : memref<!tpu.dma_semaphore, #tpu.memory_space<semaphore_mem>>) src(%dma_wait3A_47 : memref<80x128xi32, #tpu.memory_space<hbm>>) dst(%arg7 : memref<80x128xi32, #tpu.memory_space<vmem>>)
      tpu.yield
    }) : () -> ()
    %scan3A = arith.constant 0 : i32
    %scan3A_6 = arith.constant 0 : i32
    %scan3A_7 = arith.constant 80 : i32
    %scan3A_8 = arith.addi %scan3A_6, %scan3A_7 : i32
    %scan3A_9 = arith.constant 1 : i32
    scf.for %scan3A_38 = %scan3A_6 to %scan3A_8 step %scan3A_9  : i32 {
      %dma_start3A = arith.constant 0 : i32
      %dma_start3A_39 = tpu.memref_slice %arg7[%scan3A_38, %dma_start3A] : memref<80x128xi32, #tpu.memory_space<vmem>> -> memref<1x128xi32, #tpu.memory_space<vmem>>
      %dma_start3A_40 = tpu.memref_squeeze %dma_start3A_39 : memref<1x128xi32, #tpu.memory_space<vmem>> -> memref<128xi32, #tpu.memory_space<vmem>>
      %dma_start3A_41 = arith.constant 0 : i32
      %dma_start3A_42 = arith.constant 0 : i32
      %dma_start3A_43 = tpu.memref_slice %arg2[%dma_start3A_41, %dma_start3A_42] : memref<40960x80xf32, #tpu.memory_space<hbm>> -> memref<40960x80xf32, #tpu.memory_space<hbm>>
      tpu.enqueue_indirect_dma source(%dma_start3A_43 : memref<40960x80xf32, #tpu.memory_space<hbm>>) target(%arg9 : memref<128x80xf32, #tpu.memory_space<vmem>>) offsets(%dma_start3A_40 : memref<128xi32, #tpu.memory_space<vmem>>) semaphore(%arg11 : memref<!tpu.dma_semaphore, #tpu.memory_space<semaphore_mem>>)
      %dma_wait3A = arith.constant 0 : i32
      %dma_wait3A_44 = tpu.memref_slice %arg7[%scan3A_38, %dma_wait3A] : memref<80x128xi32, #tpu.memory_space<vmem>> -> memref<1x128xi32, #tpu.memory_space<vmem>>
      %dma_wait3A_45 = tpu.memref_squeeze %dma_wait3A_44 : memref<1x128xi32, #tpu.memory_space<vmem>> -> memref<128xi32, #tpu.memory_space<vmem>>
      %dma_wait3A_46 = arith.constant 0 : i32
      %dma_wait3A_47 = arith.constant 0 : i32
      %dma_wait3A_48 = tpu.memref_slice %arg2[%dma_wait3A_46, %dma_wait3A_47] : memref<40960x80xf32, #tpu.memory_space<hbm>> -> memref<40960x80xf32, #tpu.memory_space<hbm>>
      tpu.wait_indirect_dma semaphore(%arg11 : memref<!tpu.dma_semaphore, #tpu.memory_space<semaphore_mem>>) src(%dma_wait3A_48 : memref<40960x80xf32, #tpu.memory_space<hbm>>) dst(%arg9 : memref<128x80xf32, #tpu.memory_space<vmem>>)
      "tpu.region"() ({
        %run_scoped3A = tpu.sem_alloc : memref<!tpu.dma_semaphore, #tpu.memory_space<semaphore_mem>>
        %dma_start3A_49 = arith.constant 0 : i32
        %dma_start3A_50 = tpu.memref_slice %arg8[%scan3A_38, %dma_start3A_49] : memref<80x128xi32, #tpu.memory_space<vmem>> -> memref<1x128xi32, #tpu.memory_space<vmem>>
        %dma_start3A_51 = tpu.memref_squeeze %dma_start3A_50 : memref<1x128xi32, #tpu.memory_space<vmem>> -> memref<128xi32, #tpu.memory_space<vmem>>
        %dma_start3A_52 = arith.constant 0 : i32
        %dma_start3A_53 = arith.constant 0 : i32
        %dma_start3A_54 = tpu.memref_slice %arg10[%dma_start3A_52, %dma_start3A_53] : memref<10240x80xf32, #tpu.memory_space<vmem_shared>> -> memref<10240x80xf32, #tpu.memory_space<vmem_shared>>
        tpu.enqueue_indirect_dma source(%arg9 : memref<128x80xf32, #tpu.memory_space<vmem>>) target(%dma_start3A_54 : memref<10240x80xf32, #tpu.memory_space<vmem_shared>>) offsets(%dma_start3A_51 : memref<128xi32, #tpu.memory_space<vmem>>) semaphore(%run_scoped3A : memref<!tpu.dma_semaphore, #tpu.memory_space<semaphore_mem>>) {add = true}
        %dma_wait3A_55 = arith.constant 0 : i32
        %dma_wait3A_56 = tpu.memref_slice %arg8[%scan3A_38, %dma_wait3A_55] : memref<80x128xi32, #tpu.memory_space<vmem>> -> memref<1x128xi32, #tpu.memory_space<vmem>>
        %dma_wait3A_57 = tpu.memref_squeeze %dma_wait3A_56 : memref<1x128xi32, #tpu.memory_space<vmem>> -> memref<128xi32, #tpu.memory_space<vmem>>
        %dma_wait3A_58 = arith.constant 0 : i32
        %dma_wait3A_59 = arith.constant 0 : i32
        %dma_wait3A_60 = tpu.memref_slice %arg10[%dma_wait3A_58, %dma_wait3A_59] : memref<10240x80xf32, #tpu.memory_space<vmem_shared>> -> memref<10240x80xf32, #tpu.memory_space<vmem_shared>>
        tpu.wait_indirect_dma semaphore(%run_scoped3A : memref<!tpu.dma_semaphore, #tpu.memory_space<semaphore_mem>>) src(%arg9 : memref<128x80xf32, #tpu.memory_space<vmem>>) dst(%dma_wait3A_60 : memref<10240x80xf32, #tpu.memory_space<vmem_shared>>)
        tpu.yield
      }) : () -> ()
    }
    %scan3A_10 = arith.constant 80 : i32
    %barrier3A_11 = arith.constant 0 : index
    tpu.barrier barrier_id(%barrier3A_11)
    %mul3A_12 = arith.constant 640 : i32
    %mul3A_13 = arith.muli %arg1, %mul3A_12 : i32
    %mul3A_14 = arith.constant 10240 : i32
    %mul3A_15 = arith.muli %add3A_3, %mul3A_14 : i32
    %add3A_16 = arith.addi %mul3A_15, %mul3A_13 : i32
    "tpu.region"() ({
      %run_scoped3A = tpu.sem_alloc : memref<!tpu.dma_semaphore, #tpu.memory_space<semaphore_mem>>
      %dma_start3A = arith.constant 0 : i32
      %dma_start3A_38 = tpu.memref_slice %arg6[%add3A_16, %dma_start3A] : memref<40960x80xf32, #tpu.memory_space<hbm>> -> memref<640x80xf32, #tpu.memory_space<hbm>>
      %dma_start3A_39 = arith.constant 0 : i32
      %dma_start3A_40 = tpu.memref_slice %arg10[%mul3A_13, %dma_start3A_39] : memref<10240x80xf32, #tpu.memory_space<vmem_shared>> -> memref<640x80xf32, #tpu.memory_space<vmem_shared>>
      tpu.enqueue_dma source(%dma_start3A_40 : memref<640x80xf32, #tpu.memory_space<vmem_shared>>) target(%dma_start3A_38 : memref<640x80xf32, #tpu.memory_space<hbm>>) target_semaphore(%run_scoped3A : memref<!tpu.dma_semaphore, #tpu.memory_space<semaphore_mem>>)
      %dma_wait3A = arith.constant 0 : i32
      %dma_wait3A_41 = tpu.memref_slice %arg6[%add3A_16, %dma_wait3A] : memref<40960x80xf32, #tpu.memory_space<hbm>> -> memref<640x80xf32, #tpu.memory_space<hbm>>
      %dma_wait3A_42 = arith.constant 0 : i32
      %dma_wait3A_43 = tpu.memref_slice %arg10[%mul3A_13, %dma_wait3A_42] : memref<10240x80xf32, #tpu.memory_space<vmem_shared>> -> memref<640x80xf32, #tpu.memory_space<vmem_shared>>
      tpu.wait_dma2 semaphore(%run_scoped3A : memref<!tpu.dma_semaphore, #tpu.memory_space<semaphore_mem>>) src(%dma_wait3A_43 : memref<640x80xf32, #tpu.memory_space<vmem_shared>>) dst(%dma_wait3A_41 : memref<640x80xf32, #tpu.memory_space<hbm>>)
      tpu.yield
    }) : () -> ()
    %barrier3A_17 = arith.constant 0 : index
    tpu.barrier barrier_id(%barrier3A_17)
    %mul3A_18 = arith.constant 640 : i32
    %mul3A_19 = arith.muli %arg1, %mul3A_18 : i32
    "tpu.region"() ({
      %run_scoped3A = tpu.sem_alloc : memref<!tpu.dma_semaphore, #tpu.memory_space<semaphore_mem>>
      %dma_start3A = arith.constant 0 : i32
      %dma_start3A_38 = tpu.memref_slice %arg10[%mul3A_19, %dma_start3A] : memref<10240x80xf32, #tpu.memory_space<vmem_shared>> -> memref<640x80xf32, #tpu.memory_space<vmem_shared>>
      tpu.enqueue_dma source(%arg5 : memref<640x80xf32, #tpu.memory_space<hbm>>) target(%dma_start3A_38 : memref<640x80xf32, #tpu.memory_space<vmem_shared>>) target_semaphore(%run_scoped3A : memref<!tpu.dma_semaphore, #tpu.memory_space<semaphore_mem>>)
      %dma_wait3A = arith.constant 0 : i32
      %dma_wait3A_39 = tpu.memref_slice %arg10[%mul3A_19, %dma_wait3A] : memref<10240x80xf32, #tpu.memory_space<vmem_shared>> -> memref<640x80xf32, #tpu.memory_space<vmem_shared>>
      tpu.wait_dma2 semaphore(%run_scoped3A : memref<!tpu.dma_semaphore, #tpu.memory_space<semaphore_mem>>) src(%arg5 : memref<640x80xf32, #tpu.memory_space<hbm>>) dst(%dma_wait3A_39 : memref<640x80xf32, #tpu.memory_space<vmem_shared>>)
      tpu.yield
    }) : () -> ()
    %barrier3A_20 = arith.constant 0 : index
    tpu.barrier barrier_id(%barrier3A_20)
    %add3A_21 = arith.constant 2 : i32
    %add3A_22 = arith.addi %arg0, %add3A_21 : i32
    %mul3A_23 = arith.constant 80 : i32
    %mul3A_24 = arith.muli %arg1, %mul3A_23 : i32
    "tpu.region"() ({
      %run_scoped3A = tpu.sem_alloc : memref<!tpu.dma_semaphore, #tpu.memory_space<semaphore_mem>>
      %dma_start3A = arith.constant 0 : i32
      %dma_start3A_38 = tpu.memref_slice %arg3[%add3A_22, %mul3A_24, %dma_start3A] : memref<4x1280x128xi32, #tpu.memory_space<hbm>> -> memref<1x80x128xi32, #tpu.memory_space<hbm>>
      %dma_start3A_39 = tpu.memref_squeeze %dma_start3A_38 : memref<1x80x128xi32, #tpu.memory_space<hbm>> -> memref<80x128xi32, #tpu.memory_space<hbm>>
      %dma_start3A_40 = arith.constant 0 : i32
      %dma_start3A_41 = tpu.memref_slice %arg3[%add3A_22, %mul3A_24, %dma_start3A_40] : memref<4x1280x128xi32, #tpu.memory_space<hbm>> -> memref<1x80x128xi32, #tpu.memory_space<hbm>>
      %dma_start3A_42 = tpu.memref_squeeze %dma_start3A_41 : memref<1x80x128xi32, #tpu.memory_space<hbm>> -> memref<80x128xi32, #tpu.memory_space<hbm>>
      tpu.enqueue_dma source(%dma_start3A_42 : memref<80x128xi32, #tpu.memory_space<hbm>>) target(%arg7 : memref<80x128xi32, #tpu.memory_space<vmem>>) target_semaphore(%run_scoped3A : memref<!tpu.dma_semaphore, #tpu.memory_space<semaphore_mem>>)
      %dma_wait3A = arith.constant 0 : i32
      %dma_wait3A_43 = tpu.memref_slice %arg3[%add3A_22, %mul3A_24, %dma_wait3A] : memref<4x1280x128xi32, #tpu.memory_space<hbm>> -> memref<1x80x128xi32, #tpu.memory_space<hbm>>
      %dma_wait3A_44 = tpu.memref_squeeze %dma_wait3A_43 : memref<1x80x128xi32, #tpu.memory_space<hbm>> -> memref<80x128xi32, #tpu.memory_space<hbm>>
      %dma_wait3A_45 = arith.constant 0 : i32
      %dma_wait3A_46 = tpu.memref_slice %arg3[%add3A_22, %mul3A_24, %dma_wait3A_45] : memref<4x1280x128xi32, #tpu.memory_space<hbm>> -> memref<1x80x128xi32, #tpu.memory_space<hbm>>
      %dma_wait3A_47 = tpu.memref_squeeze %dma_wait3A_46 : memref<1x80x128xi32, #tpu.memory_space<hbm>> -> memref<80x128xi32, #tpu.memory_space<hbm>>
      tpu.wait_dma2 semaphore(%run_scoped3A : memref<!tpu.dma_semaphore, #tpu.memory_space<semaphore_mem>>) src(%dma_wait3A_47 : memref<80x128xi32, #tpu.memory_space<hbm>>) dst(%arg7 : memref<80x128xi32, #tpu.memory_space<vmem>>)
      tpu.yield
    }) : () -> ()
    %scan3A_25 = arith.constant 0 : i32
    %scan3A_26 = arith.constant 0 : i32
    %scan3A_27 = arith.constant 80 : i32
    %scan3A_28 = arith.addi %scan3A_26, %scan3A_27 : i32
    %scan3A_29 = arith.constant 1 : i32
    scf.for %scan3A_38 = %scan3A_26 to %scan3A_28 step %scan3A_29  : i32 {
      %dma_start3A = arith.constant 0 : i32
      %dma_start3A_39 = tpu.memref_slice %arg7[%scan3A_38, %dma_start3A] : memref<80x128xi32, #tpu.memory_space<vmem>> -> memref<1x128xi32, #tpu.memory_space<vmem>>
      %dma_start3A_40 = tpu.memref_squeeze %dma_start3A_39 : memref<1x128xi32, #tpu.memory_space<vmem>> -> memref<128xi32, #tpu.memory_space<vmem>>
      %dma_start3A_41 = arith.constant 0 : i32
      %dma_start3A_42 = arith.constant 0 : i32
      %dma_start3A_43 = tpu.memref_slice %arg2[%dma_start3A_41, %dma_start3A_42] : memref<40960x80xf32, #tpu.memory_space<hbm>> -> memref<40960x80xf32, #tpu.memory_space<hbm>>
      tpu.enqueue_indirect_dma source(%dma_start3A_43 : memref<40960x80xf32, #tpu.memory_space<hbm>>) target(%arg9 : memref<128x80xf32, #tpu.memory_space<vmem>>) offsets(%dma_start3A_40 : memref<128xi32, #tpu.memory_space<vmem>>) semaphore(%arg11 : memref<!tpu.dma_semaphore, #tpu.memory_space<semaphore_mem>>)
      %dma_wait3A = arith.constant 0 : i32
      %dma_wait3A_44 = tpu.memref_slice %arg7[%scan3A_38, %dma_wait3A] : memref<80x128xi32, #tpu.memory_space<vmem>> -> memref<1x128xi32, #tpu.memory_space<vmem>>
      %dma_wait3A_45 = tpu.memref_squeeze %dma_wait3A_44 : memref<1x128xi32, #tpu.memory_space<vmem>> -> memref<128xi32, #tpu.memory_space<vmem>>
      %dma_wait3A_46 = arith.constant 0 : i32
      %dma_wait3A_47 = arith.constant 0 : i32
      %dma_wait3A_48 = tpu.memref_slice %arg2[%dma_wait3A_46, %dma_wait3A_47] : memref<40960x80xf32, #tpu.memory_space<hbm>> -> memref<40960x80xf32, #tpu.memory_space<hbm>>
      tpu.wait_indirect_dma semaphore(%arg11 : memref<!tpu.dma_semaphore, #tpu.memory_space<semaphore_mem>>) src(%dma_wait3A_48 : memref<40960x80xf32, #tpu.memory_space<hbm>>) dst(%arg9 : memref<128x80xf32, #tpu.memory_space<vmem>>)
      "tpu.region"() ({
        %run_scoped3A = tpu.sem_alloc : memref<!tpu.dma_semaphore, #tpu.memory_space<semaphore_mem>>
        %dma_start3A_49 = arith.constant 0 : i32
        %dma_start3A_50 = tpu.memref_slice %arg8[%scan3A_38, %dma_start3A_49] : memref<80x128xi32, #tpu.memory_space<vmem>> -> memref<1x128xi32, #tpu.memory_space<vmem>>
        %dma_start3A_51 = tpu.memref_squeeze %dma_start3A_50 : memref<1x128xi32, #tpu.memory_space<vmem>> -> memref<128xi32, #tpu.memory_space<vmem>>
        %dma_start3A_52 = arith.constant 0 : i32
        %dma_start3A_53 = arith.constant 0 : i32
        %dma_start3A_54 = tpu.memref_slice %arg10[%dma_start3A_52, %dma_start3A_53] : memref<10240x80xf32, #tpu.memory_space<vmem_shared>> -> memref<10240x80xf32, #tpu.memory_space<vmem_shared>>
        tpu.enqueue_indirect_dma source(%arg9 : memref<128x80xf32, #tpu.memory_space<vmem>>) target(%dma_start3A_54 : memref<10240x80xf32, #tpu.memory_space<vmem_shared>>) offsets(%dma_start3A_51 : memref<128xi32, #tpu.memory_space<vmem>>) semaphore(%run_scoped3A : memref<!tpu.dma_semaphore, #tpu.memory_space<semaphore_mem>>) {add = true}
        %dma_wait3A_55 = arith.constant 0 : i32
        %dma_wait3A_56 = tpu.memref_slice %arg8[%scan3A_38, %dma_wait3A_55] : memref<80x128xi32, #tpu.memory_space<vmem>> -> memref<1x128xi32, #tpu.memory_space<vmem>>
        %dma_wait3A_57 = tpu.memref_squeeze %dma_wait3A_56 : memref<1x128xi32, #tpu.memory_space<vmem>> -> memref<128xi32, #tpu.memory_space<vmem>>
        %dma_wait3A_58 = arith.constant 0 : i32
        %dma_wait3A_59 = arith.constant 0 : i32
        %dma_wait3A_60 = tpu.memref_slice %arg10[%dma_wait3A_58, %dma_wait3A_59] : memref<10240x80xf32, #tpu.memory_space<vmem_shared>> -> memref<10240x80xf32, #tpu.memory_space<vmem_shared>>
        tpu.wait_indirect_dma semaphore(%run_scoped3A : memref<!tpu.dma_semaphore, #tpu.memory_space<semaphore_mem>>) src(%arg9 : memref<128x80xf32, #tpu.memory_space<vmem>>) dst(%dma_wait3A_60 : memref<10240x80xf32, #tpu.memory_space<vmem_shared>>)
        tpu.yield
      }) : () -> ()
    }
    %scan3A_30 = arith.constant 80 : i32
    %barrier3A_31 = arith.constant 0 : index
    tpu.barrier barrier_id(%barrier3A_31)
    %mul3A_32 = arith.constant 640 : i32
    %mul3A_33 = arith.muli %arg1, %mul3A_32 : i32
    %mul3A_34 = arith.constant 10240 : i32
    %mul3A_35 = arith.muli %add3A_22, %mul3A_34 : i32
    %add3A_36 = arith.addi %mul3A_35, %mul3A_33 : i32
    "tpu.region"() ({
      %run_scoped3A = tpu.sem_alloc : memref<!tpu.dma_semaphore, #tpu.memory_space<semaphore_mem>>
      %dma_start3A = arith.constant 0 : i32
      %dma_start3A_38 = tpu.memref_slice %arg6[%add3A_36, %dma_start3A] : memref<40960x80xf32, #tpu.memory_space<hbm>> -> memref<640x80xf32, #tpu.memory_space<hbm>>
      %dma_start3A_39 = arith.constant 0 : i32
      %dma_start3A_40 = tpu.memref_slice %arg10[%mul3A_33, %dma_start3A_39] : memref<10240x80xf32, #tpu.memory_space<vmem_shared>> -> memref<640x80xf32, #tpu.memory_space<vmem_shared>>
      tpu.enqueue_dma source(%dma_start3A_40 : memref<640x80xf32, #tpu.memory_space<vmem_shared>>) target(%dma_start3A_38 : memref<640x80xf32, #tpu.memory_space<hbm>>) target_semaphore(%run_scoped3A : memref<!tpu.dma_semaphore, #tpu.memory_space<semaphore_mem>>)
      %dma_wait3A = arith.constant 0 : i32
      %dma_wait3A_41 = tpu.memref_slice %arg6[%add3A_36, %dma_wait3A] : memref<40960x80xf32, #tpu.memory_space<hbm>> -> memref<640x80xf32, #tpu.memory_space<hbm>>
      %dma_wait3A_42 = arith.constant 0 : i32
      %dma_wait3A_43 = tpu.memref_slice %arg10[%mul3A_33, %dma_wait3A_42] : memref<10240x80xf32, #tpu.memory_space<vmem_shared>> -> memref<640x80xf32, #tpu.memory_space<vmem_shared>>
      tpu.wait_dma2 semaphore(%run_scoped3A : memref<!tpu.dma_semaphore, #tpu.memory_space<semaphore_mem>>) src(%dma_wait3A_43 : memref<640x80xf32, #tpu.memory_space<vmem_shared>>) dst(%dma_wait3A_41 : memref<640x80xf32, #tpu.memory_space<hbm>>)
      tpu.yield
    }) : () -> ()
    %barrier3A_37 = arith.constant 0 : index
    tpu.barrier barrier_id(%barrier3A_37)
    return
  }
}

#map = affine_map<(d0, d1) -> (0, 0)>
#map1 = affine_map<(d0, d1) -> (0, 0, 0)>
module attributes {stable_mosaic.version = 14 : i64} {
  func.func @_spmm_body(%arg0: i32, %arg1: i32, %arg2: memref<40960x80xf32, #tpu.memory_space<hbm>>, %arg3: memref<4x1280x128xi32, #tpu.memory_space<hbm>>, %arg4: memref<1280x128xi32, #tpu.memory_space<hbm>>, %arg5: memref<640x80xf32, #tpu.memory_space<hbm>>, %arg6: memref<40960x80xf32, #tpu.memory_space<hbm>>, %arg7: memref<80x128xi32, #tpu.memory_space<vmem>>, %arg8: memref<80x128xi32, #tpu.memory_space<vmem>>, %arg9: memref<128x80xf32, #tpu.memory_space<vmem>>, %arg10: memref<10240x80xf32, #tpu.memory_space<vmem_shared>>, %arg11: memref<!tpu.dma_semaphore, #tpu.memory_space<semaphore_mem>>) attributes {dimension_semantics = [#tpu.dimension_semantics<core_parallel>, #tpu.dimension_semantics<subcore_parallel>], iteration_bounds = array<i64: 2, 16>, scalar_prefetch = 0 : i64, scratch_operands = 5 : i64, tpu.core_type = #tpu.core_type<sc_vector_subcore>, window_params = [{transform_indices = #map}, {transform_indices = #map1}, {transform_indices = #map}, {transform_indices = #map}, {transform_indices = #map}]} {
    %mul3A = arith.constant 80 : i32
    %mul3A_0 = arith.muli %arg1, %mul3A : i32
    "tpu.region"() ({
      %run_scoped3A = tpu.sem_alloc : memref<!tpu.dma_semaphore, #tpu.memory_space<semaphore_mem>>
      %dma_start3A = arith.constant 0 : i32
      %dma_start3A_38 = tpu.memref_slice %arg4[%mul3A_0, %dma_start3A] : memref<1280x128xi32, #tpu.memory_space<hbm>> -> memref<80x128xi32, #tpu.memory_space<hbm>>
      %dma_start3A_39 = arith.constant 0 : i32
      %dma_start3A_40 = tpu.memref_slice %arg4[%mul3A_0, %dma_start3A_39] : memref<1280x128xi32, #tpu.memory_space<hbm>> -> memref<80x128xi32, #tpu.memory_space<hbm>>
      tpu.enqueue_dma source(%dma_start3A_40 : memref<80x128xi32, #tpu.memory_space<hbm>>) target(%arg8 : memref<80x128xi32, #tpu.memory_space<vmem>>) target_semaphore(%run_scoped3A : memref<!tpu.dma_semaphore, #tpu.memory_space<semaphore_mem>>)
      %dma_wait3A = arith.constant 0 : i32
      %dma_wait3A_41 = tpu.memref_slice %arg4[%mul3A_0, %dma_wait3A] : memref<1280x128xi32, #tpu.memory_space<hbm>> -> memref<80x128xi32, #tpu.memory_space<hbm>>
      %dma_wait3A_42 = arith.constant 0 : i32
      %dma_wait3A_43 = tpu.memref_slice %arg4[%mul3A_0, %dma_wait3A_42] : memref<1280x128xi32, #tpu.memory_space<hbm>> -> memref<80x128xi32, #tpu.memory_space<hbm>>
      tpu.wait_dma2 semaphore(%run_scoped3A : memref<!tpu.dma_semaphore, #tpu.memory_space<semaphore_mem>>) src(%dma_wait3A_43 : memref<80x128xi32, #tpu.memory_space<hbm>>) dst(%arg8 : memref<80x128xi32, #tpu.memory_space<vmem>>)
      tpu.yield
    }) : () -> ()
    %mul3A_1 = arith.constant 640 : i32
    %mul3A_2 = arith.muli %arg1, %mul3A_1 : i32
    "tpu.region"() ({
      %run_scoped3A = tpu.sem_alloc : memref<!tpu.dma_semaphore, #tpu.memory_space<semaphore_mem>>
      %dma_start3A = arith.constant 0 : i32
      %dma_start3A_38 = tpu.memref_slice %arg10[%mul3A_2, %dma_start3A] : memref<10240x80xf32, #tpu.memory_space<vmem_shared>> -> memref<640x80xf32, #tpu.memory_space<vmem_shared>>
      tpu.enqueue_dma source(%arg5 : memref<640x80xf32, #tpu.memory_space<hbm>>) target(%dma_start3A_38 : memref<640x80xf32, #tpu.memory_space<vmem_shared>>) target_semaphore(%run_scoped3A : memref<!tpu.dma_semaphore, #tpu.memory_space<semaphore_mem>>)
      %dma_wait3A = arith.constant 0 : i32
      %dma_wait3A_39 = tpu.memref_slice %arg10[%mul3A_2, %dma_wait3A] : memref<10240x80xf32, #tpu.memory_space<vmem_shared>> -> memref<640x80xf32, #tpu.memory_space<vmem_shared>>
      tpu.wait_dma2 semaphore(%run_scoped3A : memref<!tpu.dma_semaphore, #tpu.memory_space<semaphore_mem>>) src(%arg5 : memref<640x80xf32, #tpu.memory_space<hbm>>) dst(%dma_wait3A_39 : memref<640x80xf32, #tpu.memory_space<vmem_shared>>)
      tpu.yield
    }) : () -> ()
    %barrier3A = arith.constant 0 : index
    tpu.barrier barrier_id(%barrier3A)
    %add3A = arith.constant 0 : i32
    %add3A_3 = arith.addi %arg0, %add3A : i32
    %mul3A_4 = arith.constant 80 : i32
    %mul3A_5 = arith.muli %arg1, %mul3A_4 : i32
    "tpu.region"() ({
      %run_scoped3A = tpu.sem_alloc : memref<!tpu.dma_semaphore, #tpu.memory_space<semaphore_mem>>
      %dma_start3A = arith.constant 0 : i32
      %dma_start3A_38 = tpu.memref_slice %arg3[%add3A_3, %mul3A_5, %dma_start3A] : memref<4x1280x128xi32, #tpu.memory_space<hbm>> -> memref<1x80x128xi32, #tpu.memory_space<hbm>>
      %dma_start3A_39 = tpu.memref_squeeze %dma_start3A_38 : memref<1x80x128xi32, #tpu.memory_space<hbm>> -> memref<80x128xi32, #tpu.memory_space<hbm>>
      %dma_start3A_40 = arith.constant 0 : i32
      %dma_start3A_41 = tpu.memref_slice %arg3[%add3A_3, %mul3A_5, %dma_start3A_40] : memref<4x1280x128xi32, #tpu.memory_space<hbm>> -> memref<1x80x128xi32, #tpu.memory_space<hbm>>
      %dma_start3A_42 = tpu.memref_squeeze %dma_start3A_41 : memref<1x80x128xi32, #tpu.memory_space<hbm>> -> memref<80x128xi32, #tpu.memory_space<hbm>>
      tpu.enqueue_dma source(%dma_start3A_42 : memref<80x128xi32, #tpu.memory_space<hbm>>) target(%arg7 : memref<80x128xi32, #tpu.memory_space<vmem>>) target_semaphore(%run_scoped3A : memref<!tpu.dma_semaphore, #tpu.memory_space<semaphore_mem>>)
      %dma_wait3A = arith.constant 0 : i32
      %dma_wait3A_43 = tpu.memref_slice %arg3[%add3A_3, %mul3A_5, %dma_wait3A] : memref<4x1280x128xi32, #tpu.memory_space<hbm>> -> memref<1x80x128xi32, #tpu.memory_space<hbm>>
      %dma_wait3A_44 = tpu.memref_squeeze %dma_wait3A_43 : memref<1x80x128xi32, #tpu.memory_space<hbm>> -> memref<80x128xi32, #tpu.memory_space<hbm>>
      %dma_wait3A_45 = arith.constant 0 : i32
      %dma_wait3A_46 = tpu.memref_slice %arg3[%add3A_3, %mul3A_5, %dma_wait3A_45] : memref<4x1280x128xi32, #tpu.memory_space<hbm>> -> memref<1x80x128xi32, #tpu.memory_space<hbm>>
      %dma_wait3A_47 = tpu.memref_squeeze %dma_wait3A_46 : memref<1x80x128xi32, #tpu.memory_space<hbm>> -> memref<80x128xi32, #tpu.memory_space<hbm>>
      tpu.wait_dma2 semaphore(%run_scoped3A : memref<!tpu.dma_semaphore, #tpu.memory_space<semaphore_mem>>) src(%dma_wait3A_47 : memref<80x128xi32, #tpu.memory_space<hbm>>) dst(%arg7 : memref<80x128xi32, #tpu.memory_space<vmem>>)
      tpu.yield
    }) : () -> ()
    %scan3A = arith.constant 0 : i32
    %scan3A_6 = arith.constant 0 : i32
    %scan3A_7 = arith.constant 80 : i32
    %scan3A_8 = arith.addi %scan3A_6, %scan3A_7 : i32
    %scan3A_9 = arith.constant 1 : i32
    scf.for %scan3A_38 = %scan3A_6 to %scan3A_8 step %scan3A_9  : i32 {
      %dma_start3A = arith.constant 0 : i32
      %dma_start3A_39 = tpu.memref_slice %arg7[%scan3A_38, %dma_start3A] : memref<80x128xi32, #tpu.memory_space<vmem>> -> memref<1x128xi32, #tpu.memory_space<vmem>>
      %dma_start3A_40 = tpu.memref_squeeze %dma_start3A_39 : memref<1x128xi32, #tpu.memory_space<vmem>> -> memref<128xi32, #tpu.memory_space<vmem>>
      %dma_start3A_41 = arith.constant 0 : i32
      %dma_start3A_42 = arith.constant 0 : i32
      %dma_start3A_43 = tpu.memref_slice %arg2[%dma_start3A_41, %dma_start3A_42] : memref<40960x80xf32, #tpu.memory_space<hbm>> -> memref<40960x80xf32, #tpu.memory_space<hbm>>
      tpu.enqueue_indirect_dma source(%dma_start3A_43 : memref<40960x80xf32, #tpu.memory_space<hbm>>) target(%arg9 : memref<128x80xf32, #tpu.memory_space<vmem>>) offsets(%dma_start3A_40 : memref<128xi32, #tpu.memory_space<vmem>>) semaphore(%arg11 : memref<!tpu.dma_semaphore, #tpu.memory_space<semaphore_mem>>)
      %dma_wait3A = arith.constant 0 : i32
      %dma_wait3A_44 = tpu.memref_slice %arg7[%scan3A_38, %dma_wait3A] : memref<80x128xi32, #tpu.memory_space<vmem>> -> memref<1x128xi32, #tpu.memory_space<vmem>>
      %dma_wait3A_45 = tpu.memref_squeeze %dma_wait3A_44 : memref<1x128xi32, #tpu.memory_space<vmem>> -> memref<128xi32, #tpu.memory_space<vmem>>
      %dma_wait3A_46 = arith.constant 0 : i32
      %dma_wait3A_47 = arith.constant 0 : i32
      %dma_wait3A_48 = tpu.memref_slice %arg2[%dma_wait3A_46, %dma_wait3A_47] : memref<40960x80xf32, #tpu.memory_space<hbm>> -> memref<40960x80xf32, #tpu.memory_space<hbm>>
      tpu.wait_indirect_dma semaphore(%arg11 : memref<!tpu.dma_semaphore, #tpu.memory_space<semaphore_mem>>) src(%dma_wait3A_48 : memref<40960x80xf32, #tpu.memory_space<hbm>>) dst(%arg9 : memref<128x80xf32, #tpu.memory_space<vmem>>)
      "tpu.region"() ({
        %run_scoped3A = tpu.sem_alloc : memref<!tpu.dma_semaphore, #tpu.memory_space<semaphore_mem>>
        %dma_start3A_49 = arith.constant 0 : i32
        %dma_start3A_50 = tpu.memref_slice %arg8[%scan3A_38, %dma_start3A_49] : memref<80x128xi32, #tpu.memory_space<vmem>> -> memref<1x128xi32, #tpu.memory_space<vmem>>
        %dma_start3A_51 = tpu.memref_squeeze %dma_start3A_50 : memref<1x128xi32, #tpu.memory_space<vmem>> -> memref<128xi32, #tpu.memory_space<vmem>>
        %dma_start3A_52 = arith.constant 0 : i32
        %dma_start3A_53 = arith.constant 0 : i32
        %dma_start3A_54 = tpu.memref_slice %arg10[%dma_start3A_52, %dma_start3A_53] : memref<10240x80xf32, #tpu.memory_space<vmem_shared>> -> memref<10240x80xf32, #tpu.memory_space<vmem_shared>>
        tpu.enqueue_indirect_dma source(%arg9 : memref<128x80xf32, #tpu.memory_space<vmem>>) target(%dma_start3A_54 : memref<10240x80xf32, #tpu.memory_space<vmem_shared>>) offsets(%dma_start3A_51 : memref<128xi32, #tpu.memory_space<vmem>>) semaphore(%run_scoped3A : memref<!tpu.dma_semaphore, #tpu.memory_space<semaphore_mem>>) {add = true}
        %dma_wait3A_55 = arith.constant 0 : i32
        %dma_wait3A_56 = tpu.memref_slice %arg8[%scan3A_38, %dma_wait3A_55] : memref<80x128xi32, #tpu.memory_space<vmem>> -> memref<1x128xi32, #tpu.memory_space<vmem>>
        %dma_wait3A_57 = tpu.memref_squeeze %dma_wait3A_56 : memref<1x128xi32, #tpu.memory_space<vmem>> -> memref<128xi32, #tpu.memory_space<vmem>>
        %dma_wait3A_58 = arith.constant 0 : i32
        %dma_wait3A_59 = arith.constant 0 : i32
        %dma_wait3A_60 = tpu.memref_slice %arg10[%dma_wait3A_58, %dma_wait3A_59] : memref<10240x80xf32, #tpu.memory_space<vmem_shared>> -> memref<10240x80xf32, #tpu.memory_space<vmem_shared>>
        tpu.wait_indirect_dma semaphore(%run_scoped3A : memref<!tpu.dma_semaphore, #tpu.memory_space<semaphore_mem>>) src(%arg9 : memref<128x80xf32, #tpu.memory_space<vmem>>) dst(%dma_wait3A_60 : memref<10240x80xf32, #tpu.memory_space<vmem_shared>>)
        tpu.yield
      }) : () -> ()
    }
    %scan3A_10 = arith.constant 80 : i32
    %barrier3A_11 = arith.constant 0 : index
    tpu.barrier barrier_id(%barrier3A_11)
    %mul3A_12 = arith.constant 640 : i32
    %mul3A_13 = arith.muli %arg1, %mul3A_12 : i32
    %mul3A_14 = arith.constant 10240 : i32
    %mul3A_15 = arith.muli %add3A_3, %mul3A_14 : i32
    %add3A_16 = arith.addi %mul3A_15, %mul3A_13 : i32
    "tpu.region"() ({
      %run_scoped3A = tpu.sem_alloc : memref<!tpu.dma_semaphore, #tpu.memory_space<semaphore_mem>>
      %dma_start3A = arith.constant 0 : i32
      %dma_start3A_38 = tpu.memref_slice %arg6[%add3A_16, %dma_start3A] : memref<40960x80xf32, #tpu.memory_space<hbm>> -> memref<640x80xf32, #tpu.memory_space<hbm>>
      %dma_start3A_39 = arith.constant 0 : i32
      %dma_start3A_40 = tpu.memref_slice %arg10[%mul3A_13, %dma_start3A_39] : memref<10240x80xf32, #tpu.memory_space<vmem_shared>> -> memref<640x80xf32, #tpu.memory_space<vmem_shared>>
      tpu.enqueue_dma source(%dma_start3A_40 : memref<640x80xf32, #tpu.memory_space<vmem_shared>>) target(%dma_start3A_38 : memref<640x80xf32, #tpu.memory_space<hbm>>) target_semaphore(%run_scoped3A : memref<!tpu.dma_semaphore, #tpu.memory_space<semaphore_mem>>)
      %dma_wait3A = arith.constant 0 : i32
      %dma_wait3A_41 = tpu.memref_slice %arg6[%add3A_16, %dma_wait3A] : memref<40960x80xf32, #tpu.memory_space<hbm>> -> memref<640x80xf32, #tpu.memory_space<hbm>>
      %dma_wait3A_42 = arith.constant 0 : i32
      %dma_wait3A_43 = tpu.memref_slice %arg10[%mul3A_13, %dma_wait3A_42] : memref<10240x80xf32, #tpu.memory_space<vmem_shared>> -> memref<640x80xf32, #tpu.memory_space<vmem_shared>>
      tpu.wait_dma2 semaphore(%run_scoped3A : memref<!tpu.dma_semaphore, #tpu.memory_space<semaphore_mem>>) src(%dma_wait3A_43 : memref<640x80xf32, #tpu.memory_space<vmem_shared>>) dst(%dma_wait3A_41 : memref<640x80xf32, #tpu.memory_space<hbm>>)
      tpu.yield
    }) : () -> ()
    %barrier3A_17 = arith.constant 0 : index
    tpu.barrier barrier_id(%barrier3A_17)
    %mul3A_18 = arith.constant 640 : i32
    %mul3A_19 = arith.muli %arg1, %mul3A_18 : i32
    "tpu.region"() ({
      %run_scoped3A = tpu.sem_alloc : memref<!tpu.dma_semaphore, #tpu.memory_space<semaphore_mem>>
      %dma_start3A = arith.constant 0 : i32
      %dma_start3A_38 = tpu.memref_slice %arg10[%mul3A_19, %dma_start3A] : memref<10240x80xf32, #tpu.memory_space<vmem_shared>> -> memref<640x80xf32, #tpu.memory_space<vmem_shared>>
      tpu.enqueue_dma source(%arg5 : memref<640x80xf32, #tpu.memory_space<hbm>>) target(%dma_start3A_38 : memref<640x80xf32, #tpu.memory_space<vmem_shared>>) target_semaphore(%run_scoped3A : memref<!tpu.dma_semaphore, #tpu.memory_space<semaphore_mem>>)
      %dma_wait3A = arith.constant 0 : i32
      %dma_wait3A_39 = tpu.memref_slice %arg10[%mul3A_19, %dma_wait3A] : memref<10240x80xf32, #tpu.memory_space<vmem_shared>> -> memref<640x80xf32, #tpu.memory_space<vmem_shared>>
      tpu.wait_dma2 semaphore(%run_scoped3A : memref<!tpu.dma_semaphore, #tpu.memory_space<semaphore_mem>>) src(%arg5 : memref<640x80xf32, #tpu.memory_space<hbm>>) dst(%dma_wait3A_39 : memref<640x80xf32, #tpu.memory_space<vmem_shared>>)
      tpu.yield
    }) : () -> ()
    %barrier3A_20 = arith.constant 0 : index
    tpu.barrier barrier_id(%barrier3A_20)
    %add3A_21 = arith.constant 2 : i32
    %add3A_22 = arith.addi %arg0, %add3A_21 : i32
    %mul3A_23 = arith.constant 80 : i32
    %mul3A_24 = arith.muli %arg1, %mul3A_23 : i32
    "tpu.region"() ({
      %run_scoped3A = tpu.sem_alloc : memref<!tpu.dma_semaphore, #tpu.memory_space<semaphore_mem>>
      %dma_start3A = arith.constant 0 : i32
      %dma_start3A_38 = tpu.memref_slice %arg3[%add3A_22, %mul3A_24, %dma_start3A] : memref<4x1280x128xi32, #tpu.memory_space<hbm>> -> memref<1x80x128xi32, #tpu.memory_space<hbm>>
      %dma_start3A_39 = tpu.memref_squeeze %dma_start3A_38 : memref<1x80x128xi32, #tpu.memory_space<hbm>> -> memref<80x128xi32, #tpu.memory_space<hbm>>
      %dma_start3A_40 = arith.constant 0 : i32
      %dma_start3A_41 = tpu.memref_slice %arg3[%add3A_22, %mul3A_24, %dma_start3A_40] : memref<4x1280x128xi32, #tpu.memory_space<hbm>> -> memref<1x80x128xi32, #tpu.memory_space<hbm>>
      %dma_start3A_42 = tpu.memref_squeeze %dma_start3A_41 : memref<1x80x128xi32, #tpu.memory_space<hbm>> -> memref<80x128xi32, #tpu.memory_space<hbm>>
      tpu.enqueue_dma source(%dma_start3A_42 : memref<80x128xi32, #tpu.memory_space<hbm>>) target(%arg7 : memref<80x128xi32, #tpu.memory_space<vmem>>) target_semaphore(%run_scoped3A : memref<!tpu.dma_semaphore, #tpu.memory_space<semaphore_mem>>)
      %dma_wait3A = arith.constant 0 : i32
      %dma_wait3A_43 = tpu.memref_slice %arg3[%add3A_22, %mul3A_24, %dma_wait3A] : memref<4x1280x128xi32, #tpu.memory_space<hbm>> -> memref<1x80x128xi32, #tpu.memory_space<hbm>>
      %dma_wait3A_44 = tpu.memref_squeeze %dma_wait3A_43 : memref<1x80x128xi32, #tpu.memory_space<hbm>> -> memref<80x128xi32, #tpu.memory_space<hbm>>
      %dma_wait3A_45 = arith.constant 0 : i32
      %dma_wait3A_46 = tpu.memref_slice %arg3[%add3A_22, %mul3A_24, %dma_wait3A_45] : memref<4x1280x128xi32, #tpu.memory_space<hbm>> -> memref<1x80x128xi32, #tpu.memory_space<hbm>>
      %dma_wait3A_47 = tpu.memref_squeeze %dma_wait3A_46 : memref<1x80x128xi32, #tpu.memory_space<hbm>> -> memref<80x128xi32, #tpu.memory_space<hbm>>
      tpu.wait_dma2 semaphore(%run_scoped3A : memref<!tpu.dma_semaphore, #tpu.memory_space<semaphore_mem>>) src(%dma_wait3A_47 : memref<80x128xi32, #tpu.memory_space<hbm>>) dst(%arg7 : memref<80x128xi32, #tpu.memory_space<vmem>>)
      tpu.yield
    }) : () -> ()
    %scan3A_25 = arith.constant 0 : i32
    %scan3A_26 = arith.constant 0 : i32
    %scan3A_27 = arith.constant 80 : i32
    %scan3A_28 = arith.addi %scan3A_26, %scan3A_27 : i32
    %scan3A_29 = arith.constant 1 : i32
    scf.for %scan3A_38 = %scan3A_26 to %scan3A_28 step %scan3A_29  : i32 {
      %dma_start3A = arith.constant 0 : i32
      %dma_start3A_39 = tpu.memref_slice %arg7[%scan3A_38, %dma_start3A] : memref<80x128xi32, #tpu.memory_space<vmem>> -> memref<1x128xi32, #tpu.memory_space<vmem>>
      %dma_start3A_40 = tpu.memref_squeeze %dma_start3A_39 : memref<1x128xi32, #tpu.memory_space<vmem>> -> memref<128xi32, #tpu.memory_space<vmem>>
      %dma_start3A_41 = arith.constant 0 : i32
      %dma_start3A_42 = arith.constant 0 : i32
      %dma_start3A_43 = tpu.memref_slice %arg2[%dma_start3A_41, %dma_start3A_42] : memref<40960x80xf32, #tpu.memory_space<hbm>> -> memref<40960x80xf32, #tpu.memory_space<hbm>>
      tpu.enqueue_indirect_dma source(%dma_start3A_43 : memref<40960x80xf32, #tpu.memory_space<hbm>>) target(%arg9 : memref<128x80xf32, #tpu.memory_space<vmem>>) offsets(%dma_start3A_40 : memref<128xi32, #tpu.memory_space<vmem>>) semaphore(%arg11 : memref<!tpu.dma_semaphore, #tpu.memory_space<semaphore_mem>>)
      %dma_wait3A = arith.constant 0 : i32
      %dma_wait3A_44 = tpu.memref_slice %arg7[%scan3A_38, %dma_wait3A] : memref<80x128xi32, #tpu.memory_space<vmem>> -> memref<1x128xi32, #tpu.memory_space<vmem>>
      %dma_wait3A_45 = tpu.memref_squeeze %dma_wait3A_44 : memref<1x128xi32, #tpu.memory_space<vmem>> -> memref<128xi32, #tpu.memory_space<vmem>>
      %dma_wait3A_46 = arith.constant 0 : i32
      %dma_wait3A_47 = arith.constant 0 : i32
      %dma_wait3A_48 = tpu.memref_slice %arg2[%dma_wait3A_46, %dma_wait3A_47] : memref<40960x80xf32, #tpu.memory_space<hbm>> -> memref<40960x80xf32, #tpu.memory_space<hbm>>
      tpu.wait_indirect_dma semaphore(%arg11 : memref<!tpu.dma_semaphore, #tpu.memory_space<semaphore_mem>>) src(%dma_wait3A_48 : memref<40960x80xf32, #tpu.memory_space<hbm>>) dst(%arg9 : memref<128x80xf32, #tpu.memory_space<vmem>>)
      "tpu.region"() ({
        %run_scoped3A = tpu.sem_alloc : memref<!tpu.dma_semaphore, #tpu.memory_space<semaphore_mem>>
        %dma_start3A_49 = arith.constant 0 : i32
        %dma_start3A_50 = tpu.memref_slice %arg8[%scan3A_38, %dma_start3A_49] : memref<80x128xi32, #tpu.memory_space<vmem>> -> memref<1x128xi32, #tpu.memory_space<vmem>>
        %dma_start3A_51 = tpu.memref_squeeze %dma_start3A_50 : memref<1x128xi32, #tpu.memory_space<vmem>> -> memref<128xi32, #tpu.memory_space<vmem>>
        %dma_start3A_52 = arith.constant 0 : i32
        %dma_start3A_53 = arith.constant 0 : i32
        %dma_start3A_54 = tpu.memref_slice %arg10[%dma_start3A_52, %dma_start3A_53] : memref<10240x80xf32, #tpu.memory_space<vmem_shared>> -> memref<10240x80xf32, #tpu.memory_space<vmem_shared>>
        tpu.enqueue_indirect_dma source(%arg9 : memref<128x80xf32, #tpu.memory_space<vmem>>) target(%dma_start3A_54 : memref<10240x80xf32, #tpu.memory_space<vmem_shared>>) offsets(%dma_start3A_51 : memref<128xi32, #tpu.memory_space<vmem>>) semaphore(%run_scoped3A : memref<!tpu.dma_semaphore, #tpu.memory_space<semaphore_mem>>) {add = true}
        %dma_wait3A_55 = arith.constant 0 : i32
        %dma_wait3A_56 = tpu.memref_slice %arg8[%scan3A_38, %dma_wait3A_55] : memref<80x128xi32, #tpu.memory_space<vmem>> -> memref<1x128xi32, #tpu.memory_space<vmem>>
        %dma_wait3A_57 = tpu.memref_squeeze %dma_wait3A_56 : memref<1x128xi32, #tpu.memory_space<vmem>> -> memref<128xi32, #tpu.memory_space<vmem>>
        %dma_wait3A_58 = arith.constant 0 : i32
        %dma_wait3A_59 = arith.constant 0 : i32
        %dma_wait3A_60 = tpu.memref_slice %arg10[%dma_wait3A_58, %dma_wait3A_59] : memref<10240x80xf32, #tpu.memory_space<vmem_shared>> -> memref<10240x80xf32, #tpu.memory_space<vmem_shared>>
        tpu.wait_indirect_dma semaphore(%run_scoped3A : memref<!tpu.dma_semaphore, #tpu.memory_space<semaphore_mem>>) src(%arg9 : memref<128x80xf32, #tpu.memory_space<vmem>>) dst(%dma_wait3A_60 : memref<10240x80xf32, #tpu.memory_space<vmem_shared>>)
        tpu.yield
      }) : () -> ()
    }
    %scan3A_30 = arith.constant 80 : i32
    %barrier3A_31 = arith.constant 0 : index
    tpu.barrier barrier_id(%barrier3A_31)
    %mul3A_32 = arith.constant 640 : i32
    %mul3A_33 = arith.muli %arg1, %mul3A_32 : i32
    %mul3A_34 = arith.constant 10240 : i32
    %mul3A_35 = arith.muli %add3A_22, %mul3A_34 : i32
    %add3A_36 = arith.addi %mul3A_35, %mul3A_33 : i32
    "tpu.region"() ({
      %run_scoped3A = tpu.sem_alloc : memref<!tpu.dma_semaphore, #tpu.memory_space<semaphore_mem>>
      %dma_start3A = arith.constant 0 : i32
      %dma_start3A_38 = tpu.memref_slice %arg6[%add3A_36, %dma_start3A] : memref<40960x80xf32, #tpu.memory_space<hbm>> -> memref<640x80xf32, #tpu.memory_space<hbm>>
      %dma_start3A_39 = arith.constant 0 : i32
      %dma_start3A_40 = tpu.memref_slice %arg10[%mul3A_33, %dma_start3A_39] : memref<10240x80xf32, #tpu.memory_space<vmem_shared>> -> memref<640x80xf32, #tpu.memory_space<vmem_shared>>
      tpu.enqueue_dma source(%dma_start3A_40 : memref<640x80xf32, #tpu.memory_space<vmem_shared>>) target(%dma_start3A_38 : memref<640x80xf32, #tpu.memory_space<hbm>>) target_semaphore(%run_scoped3A : memref<!tpu.dma_semaphore, #tpu.memory_space<semaphore_mem>>)
      %dma_wait3A = arith.constant 0 : i32
      %dma_wait3A_41 = tpu.memref_slice %arg6[%add3A_36, %dma_wait3A] : memref<40960x80xf32, #tpu.memory_space<hbm>> -> memref<640x80xf32, #tpu.memory_space<hbm>>
      %dma_wait3A_42 = arith.constant 0 : i32
      %dma_wait3A_43 = tpu.memref_slice %arg10[%mul3A_33, %dma_wait3A_42] : memref<10240x80xf32, #tpu.memory_space<vmem_shared>> -> memref<640x80xf32, #tpu.memory_space<vmem_shared>>
      tpu.wait_dma2 semaphore(%run_scoped3A : memref<!tpu.dma_semaphore, #tpu.memory_space<semaphore_mem>>) src(%dma_wait3A_43 : memref<640x80xf32, #tpu.memory_space<vmem_shared>>) dst(%dma_wait3A_41 : memref<640x80xf32, #tpu.memory_space<hbm>>)
      tpu.yield
    }) : () -> ()
    %barrier3A_37 = arith.constant 0 : index
    tpu.barrier barrier_id(%barrier3A_37)
    return
  }
}

#map = affine_map<(d0, d1) -> (0)>
module attributes {stable_mosaic.version = 14 : i64} {
  func.func @_counts_body(%arg0: i32, %arg1: i32, %arg2: memref<163840xi32, #tpu.memory_space<hbm>>, %arg3: memref<163840xi32, #tpu.memory_space<hbm>>, %arg4: memref<655360xf32, #tpu.memory_space<hbm>>, %arg5: memref<8192xi32, #tpu.memory_space<vmem>>, %arg6: memref<8192xi32, #tpu.memory_space<vmem>>, %arg7: memref<20480xf32, #tpu.memory_space<vmem>>) attributes {dimension_semantics = [#tpu.dimension_semantics<core_parallel>, #tpu.dimension_semantics<subcore_parallel>], iteration_bounds = array<i64: 2, 16>, scalar_prefetch = 0 : i64, scratch_operands = 3 : i64, tpu.core_type = #tpu.core_type<sc_vector_subcore>, window_params = [{transform_indices = #map}, {transform_indices = #map}, {transform_indices = #map}]} {
    %mul3A = arith.constant 640 : i32
    %mul3A_0 = arith.muli %arg1, %mul3A : i32
    %broadcast_in_dim3A = arith.constant 0.000000e+00 : f32
    %broadcast_in_dim3A_1 = vector.broadcast %broadcast_in_dim3A : f32 to vector<16xf32>
    %broadcast_in_dim3A_2 = arith.constant 1.000000e+00 : f32
    %broadcast_in_dim3A_3 = vector.broadcast %broadcast_in_dim3A_2 : f32 to vector<16xf32>
    %scan3A = arith.constant 0 : i32
    %scan3A_4 = arith.constant 0 : i32
    %scan3A_5 = arith.constant 1280 : i32
    %scan3A_6 = arith.addi %scan3A_4, %scan3A_5 : i32
    %scan3A_7 = arith.constant 1 : i32
    scf.for %scan3A_19 = %scan3A_4 to %scan3A_6 step %scan3A_7  : i32 {
      %mul3A_20 = arith.constant 16 : i32
      %mul3A_21 = arith.muli %scan3A_19, %mul3A_20 : i32
      %swap3A = arith.index_cast %mul3A_21 : i32 to index
      %swap3A_22 = tpu.vector_load %arg7[%swap3A] {strides = array<i32>} : memref<20480xf32, #tpu.memory_space<vmem>>, vector<16xf32>,
      tpu.vector_store %arg7[%swap3A], %broadcast_in_dim3A_1 {strides = array<i32>} : memref<20480xf32, #tpu.memory_space<vmem>>, vector<16xf32>,
    }
    %scan3A_8 = arith.constant 1280 : i32
    %scan3A_9 = arith.constant 0 : i32
    %scan3A_10 = arith.constant 0 : i32
    %scan3A_11 = arith.constant 10 : i32
    %scan3A_12 = arith.addi %scan3A_10, %scan3A_11 : i32
    %scan3A_13 = arith.constant 1 : i32
    scf.for %scan3A_19 = %scan3A_10 to %scan3A_12 step %scan3A_13  : i32 {
      %mul3A_20 = arith.constant 10 : i32
      %mul3A_21 = arith.muli %arg0, %mul3A_20 : i32
      %add3A_22 = arith.addi %mul3A_21, %scan3A_19 : i32
      %mul3A_23 = arith.constant 8192 : i32
      %mul3A_24 = arith.muli %add3A_22, %mul3A_23 : i32
      "tpu.region"() ({
        %run_scoped3A = tpu.sem_alloc : memref<!tpu.dma_semaphore, #tpu.memory_space<semaphore_mem>>
        %dma_start3A = tpu.memref_slice %arg2[%mul3A_24] : memref<163840xi32, #tpu.memory_space<hbm>> -> memref<8192xi32, #tpu.memory_space<hbm>>
        %dma_start3A_31 = tpu.memref_slice %arg2[%mul3A_24] : memref<163840xi32, #tpu.memory_space<hbm>> -> memref<8192xi32, #tpu.memory_space<hbm>>
        tpu.enqueue_dma source(%dma_start3A_31 : memref<8192xi32, #tpu.memory_space<hbm>>) target(%arg5 : memref<8192xi32, #tpu.memory_space<vmem>>) target_semaphore(%run_scoped3A : memref<!tpu.dma_semaphore, #tpu.memory_space<semaphore_mem>>)
        %dma_wait3A = tpu.memref_slice %arg2[%mul3A_24] : memref<163840xi32, #tpu.memory_space<hbm>> -> memref<8192xi32, #tpu.memory_space<hbm>>
        %dma_wait3A_32 = tpu.memref_slice %arg2[%mul3A_24] : memref<163840xi32, #tpu.memory_space<hbm>> -> memref<8192xi32, #tpu.memory_space<hbm>>
        tpu.wait_dma2 semaphore(%run_scoped3A : memref<!tpu.dma_semaphore, #tpu.memory_space<semaphore_mem>>) src(%dma_wait3A_32 : memref<8192xi32, #tpu.memory_space<hbm>>) dst(%arg5 : memref<8192xi32, #tpu.memory_space<vmem>>)
        tpu.yield
      }) : () -> ()
      "tpu.region"() ({
        %run_scoped3A = tpu.sem_alloc : memref<!tpu.dma_semaphore, #tpu.memory_space<semaphore_mem>>
        %dma_start3A = tpu.memref_slice %arg3[%mul3A_24] : memref<163840xi32, #tpu.memory_space<hbm>> -> memref<8192xi32, #tpu.memory_space<hbm>>
        %dma_start3A_31 = tpu.memref_slice %arg3[%mul3A_24] : memref<163840xi32, #tpu.memory_space<hbm>> -> memref<8192xi32, #tpu.memory_space<hbm>>
        tpu.enqueue_dma source(%dma_start3A_31 : memref<8192xi32, #tpu.memory_space<hbm>>) target(%arg6 : memref<8192xi32, #tpu.memory_space<vmem>>) target_semaphore(%run_scoped3A : memref<!tpu.dma_semaphore, #tpu.memory_space<semaphore_mem>>)
        %dma_wait3A = tpu.memref_slice %arg3[%mul3A_24] : memref<163840xi32, #tpu.memory_space<hbm>> -> memref<8192xi32, #tpu.memory_space<hbm>>
        %dma_wait3A_32 = tpu.memref_slice %arg3[%mul3A_24] : memref<163840xi32, #tpu.memory_space<hbm>> -> memref<8192xi32, #tpu.memory_space<hbm>>
        tpu.wait_dma2 semaphore(%run_scoped3A : memref<!tpu.dma_semaphore, #tpu.memory_space<semaphore_mem>>) src(%dma_wait3A_32 : memref<8192xi32, #tpu.memory_space<hbm>>) dst(%arg6 : memref<8192xi32, #tpu.memory_space<vmem>>)
        tpu.yield
      }) : () -> ()
      %scan3A_25 = arith.constant 0 : i32
      %scan3A_26 = arith.constant 0 : i32
      %scan3A_27 = arith.constant 512 : i32
      %scan3A_28 = arith.addi %scan3A_26, %scan3A_27 : i32
      %scan3A_29 = arith.constant 1 : i32
      scf.for %scan3A_31 = %scan3A_26 to %scan3A_28 step %scan3A_29  : i32 {
        %mul3A_32 = arith.constant 16 : i32
        %mul3A_33 = arith.muli %scan3A_31, %mul3A_32 : i32
        %get3A = arith.index_cast %mul3A_33 : i32 to index
        %get3A_34 = tpu.vector_load %arg5[%get3A] {strides = array<i32>} : memref<8192xi32, #tpu.memory_space<vmem>>, vector<16xi32>,
        %mul3A_35 = arith.constant 16 : i32
        %mul3A_36 = arith.muli %scan3A_31, %mul3A_35 : i32
        %get3A_37 = arith.index_cast %mul3A_36 : i32 to index
        %get3A_38 = tpu.vector_load %arg6[%get3A_37] {strides = array<i32>} : memref<8192xi32, #tpu.memory_space<vmem>>, vector<16xi32>,
        %ge3A = vector.broadcast %mul3A_0 : i32 to vector<16xi32>
        %ge3A_39 = arith.cmpi sge, %get3A_34, %ge3A : vector<16xi32>
        %add3A_40 = arith.constant 640 : i32
        %add3A_41 = arith.addi %mul3A_0, %add3A_40 : i32
        %lt3A = vector.broadcast %add3A_41 : i32 to vector<16xi32>
        %lt3A_42 = arith.cmpi slt, %get3A_34, %lt3A : vector<16xi32>
        %and3A = arith.andi %ge3A_39, %lt3A_42 : vector<16xi1>
        %sub3A = vector.broadcast %mul3A_0 : i32 to vector<16xi32>
        %sub3A_43 = arith.subi %get3A_34, %sub3A : vector<16xi32>
        %mul3A_44 = arith.constant 32 : i32
        %mul3A_45 = vector.broadcast %mul3A_44 : i32 to vector<16xi32>
        %mul3A_46 = arith.muli %sub3A_43, %mul3A_45 : vector<16xi32>
        %add3A_47 = arith.addi %mul3A_46, %get3A_38 : vector<16xi32>
        %jit3A = arith.constant 0 : i32
        %broadcast_in_dim3A_48 = vector.broadcast %jit3A : i32 to vector<16xi32>
        %select_n3A = arith.select %and3A, %add3A_47, %broadcast_in_dim3A_48 : vector<16xi1>, vector<16xi32>
        tpu.vector_store_idx %arg7[%select_n3A], %broadcast_in_dim3A_3 masked %and3A {add = true} : memref<20480xf32, #tpu.memory_space<vmem>>[vector<16xi32>], vector<16xf32>, vector<16xi1>
      }
      %scan3A_30 = arith.constant 512 : i32
    }
    %scan3A_14 = arith.constant 10 : i32
    %mul3A_15 = arith.constant 10240 : i32
    %mul3A_16 = arith.muli %arg0, %mul3A_15 : i32
    %add3A = arith.addi %mul3A_16, %mul3A_0 : i32
    %mul3A_17 = arith.constant 32 : i32
    %mul3A_18 = arith.muli %add3A, %mul3A_17 : i32
    "tpu.region"() ({
      %run_scoped3A = tpu.sem_alloc : memref<!tpu.dma_semaphore, #tpu.memory_space<semaphore_mem>>
      %dma_start3A = tpu.memref_slice %arg4[%mul3A_18] : memref<655360xf32, #tpu.memory_space<hbm>> -> memref<20480xf32, #tpu.memory_space<hbm>>
      %dma_start3A_19 = tpu.memref_slice %arg4[%mul3A_18] : memref<655360xf32, #tpu.memory_space<hbm>> -> memref<20480xf32, #tpu.memory_space<hbm>>
      tpu.enqueue_dma source(%arg7 : memref<20480xf32, #tpu.memory_space<vmem>>) target(%dma_start3A_19 : memref<20480xf32, #tpu.memory_space<hbm>>) target_semaphore(%run_scoped3A : memref<!tpu.dma_semaphore, #tpu.memory_space<semaphore_mem>>)
      %dma_wait3A = tpu.memref_slice %arg4[%mul3A_18] : memref<655360xf32, #tpu.memory_space<hbm>> -> memref<20480xf32, #tpu.memory_space<hbm>>
      %dma_wait3A_20 = tpu.memref_slice %arg4[%mul3A_18] : memref<655360xf32, #tpu.memory_space<hbm>> -> memref<20480xf32, #tpu.memory_space<hbm>>
      tpu.wait_dma2 semaphore(%run_scoped3A : memref<!tpu.dma_semaphore, #tpu.memory_space<semaphore_mem>>) src(%arg7 : memref<20480xf32, #tpu.memory_space<vmem>>) dst(%dma_wait3A_20 : memref<20480xf32, #tpu.memory_space<hbm>>)
      tpu.yield
    }) : () -> ()
    return
  }
}

#map = affine_map<(d0, d1) -> (0, 0)>
#map1 = affine_map<(d0, d1) -> (0, 0, 0)>
module attributes {stable_mosaic.version = 14 : i64} {
  func.func @_spmm_body(%arg0: i32, %arg1: i32, %arg2: memref<40960x80xf32, #tpu.memory_space<hbm>>, %arg3: memref<4x1280x128xi32, #tpu.memory_space<hbm>>, %arg4: memref<1280x128xi32, #tpu.memory_space<hbm>>, %arg5: memref<640x80xf32, #tpu.memory_space<hbm>>, %arg6: memref<40960x80xf32, #tpu.memory_space<hbm>>, %arg7: memref<80x128xi32, #tpu.memory_space<vmem>>, %arg8: memref<80x128xi32, #tpu.memory_space<vmem>>, %arg9: memref<128x80xf32, #tpu.memory_space<vmem>>, %arg10: memref<10240x80xf32, #tpu.memory_space<vmem_shared>>, %arg11: memref<!tpu.dma_semaphore, #tpu.memory_space<semaphore_mem>>) attributes {dimension_semantics = [#tpu.dimension_semantics<core_parallel>, #tpu.dimension_semantics<subcore_parallel>], iteration_bounds = array<i64: 2, 16>, scalar_prefetch = 0 : i64, scratch_operands = 5 : i64, tpu.core_type = #tpu.core_type<sc_vector_subcore>, window_params = [{transform_indices = #map}, {transform_indices = #map1}, {transform_indices = #map}, {transform_indices = #map}, {transform_indices = #map}]} {
    %mul3A = arith.constant 80 : i32
    %mul3A_0 = arith.muli %arg1, %mul3A : i32
    "tpu.region"() ({
      %run_scoped3A = tpu.sem_alloc : memref<!tpu.dma_semaphore, #tpu.memory_space<semaphore_mem>>
      %dma_start3A = arith.constant 0 : i32
      %dma_start3A_38 = tpu.memref_slice %arg4[%mul3A_0, %dma_start3A] : memref<1280x128xi32, #tpu.memory_space<hbm>> -> memref<80x128xi32, #tpu.memory_space<hbm>>
      %dma_start3A_39 = arith.constant 0 : i32
      %dma_start3A_40 = tpu.memref_slice %arg4[%mul3A_0, %dma_start3A_39] : memref<1280x128xi32, #tpu.memory_space<hbm>> -> memref<80x128xi32, #tpu.memory_space<hbm>>
      tpu.enqueue_dma source(%dma_start3A_40 : memref<80x128xi32, #tpu.memory_space<hbm>>) target(%arg8 : memref<80x128xi32, #tpu.memory_space<vmem>>) target_semaphore(%run_scoped3A : memref<!tpu.dma_semaphore, #tpu.memory_space<semaphore_mem>>)
      %dma_wait3A = arith.constant 0 : i32
      %dma_wait3A_41 = tpu.memref_slice %arg4[%mul3A_0, %dma_wait3A] : memref<1280x128xi32, #tpu.memory_space<hbm>> -> memref<80x128xi32, #tpu.memory_space<hbm>>
      %dma_wait3A_42 = arith.constant 0 : i32
      %dma_wait3A_43 = tpu.memref_slice %arg4[%mul3A_0, %dma_wait3A_42] : memref<1280x128xi32, #tpu.memory_space<hbm>> -> memref<80x128xi32, #tpu.memory_space<hbm>>
      tpu.wait_dma2 semaphore(%run_scoped3A : memref<!tpu.dma_semaphore, #tpu.memory_space<semaphore_mem>>) src(%dma_wait3A_43 : memref<80x128xi32, #tpu.memory_space<hbm>>) dst(%arg8 : memref<80x128xi32, #tpu.memory_space<vmem>>)
      tpu.yield
    }) : () -> ()
    %mul3A_1 = arith.constant 640 : i32
    %mul3A_2 = arith.muli %arg1, %mul3A_1 : i32
    "tpu.region"() ({
      %run_scoped3A = tpu.sem_alloc : memref<!tpu.dma_semaphore, #tpu.memory_space<semaphore_mem>>
      %dma_start3A = arith.constant 0 : i32
      %dma_start3A_38 = tpu.memref_slice %arg10[%mul3A_2, %dma_start3A] : memref<10240x80xf32, #tpu.memory_space<vmem_shared>> -> memref<640x80xf32, #tpu.memory_space<vmem_shared>>
      tpu.enqueue_dma source(%arg5 : memref<640x80xf32, #tpu.memory_space<hbm>>) target(%dma_start3A_38 : memref<640x80xf32, #tpu.memory_space<vmem_shared>>) target_semaphore(%run_scoped3A : memref<!tpu.dma_semaphore, #tpu.memory_space<semaphore_mem>>)
      %dma_wait3A = arith.constant 0 : i32
      %dma_wait3A_39 = tpu.memref_slice %arg10[%mul3A_2, %dma_wait3A] : memref<10240x80xf32, #tpu.memory_space<vmem_shared>> -> memref<640x80xf32, #tpu.memory_space<vmem_shared>>
      tpu.wait_dma2 semaphore(%run_scoped3A : memref<!tpu.dma_semaphore, #tpu.memory_space<semaphore_mem>>) src(%arg5 : memref<640x80xf32, #tpu.memory_space<hbm>>) dst(%dma_wait3A_39 : memref<640x80xf32, #tpu.memory_space<vmem_shared>>)
      tpu.yield
    }) : () -> ()
    %barrier3A = arith.constant 0 : index
    tpu.barrier barrier_id(%barrier3A)
    %add3A = arith.constant 0 : i32
    %add3A_3 = arith.addi %arg0, %add3A : i32
    %mul3A_4 = arith.constant 80 : i32
    %mul3A_5 = arith.muli %arg1, %mul3A_4 : i32
    "tpu.region"() ({
      %run_scoped3A = tpu.sem_alloc : memref<!tpu.dma_semaphore, #tpu.memory_space<semaphore_mem>>
      %dma_start3A = arith.constant 0 : i32
      %dma_start3A_38 = tpu.memref_slice %arg3[%add3A_3, %mul3A_5, %dma_start3A] : memref<4x1280x128xi32, #tpu.memory_space<hbm>> -> memref<1x80x128xi32, #tpu.memory_space<hbm>>
      %dma_start3A_39 = tpu.memref_squeeze %dma_start3A_38 : memref<1x80x128xi32, #tpu.memory_space<hbm>> -> memref<80x128xi32, #tpu.memory_space<hbm>>
      %dma_start3A_40 = arith.constant 0 : i32
      %dma_start3A_41 = tpu.memref_slice %arg3[%add3A_3, %mul3A_5, %dma_start3A_40] : memref<4x1280x128xi32, #tpu.memory_space<hbm>> -> memref<1x80x128xi32, #tpu.memory_space<hbm>>
      %dma_start3A_42 = tpu.memref_squeeze %dma_start3A_41 : memref<1x80x128xi32, #tpu.memory_space<hbm>> -> memref<80x128xi32, #tpu.memory_space<hbm>>
      tpu.enqueue_dma source(%dma_start3A_42 : memref<80x128xi32, #tpu.memory_space<hbm>>) target(%arg7 : memref<80x128xi32, #tpu.memory_space<vmem>>) target_semaphore(%run_scoped3A : memref<!tpu.dma_semaphore, #tpu.memory_space<semaphore_mem>>)
      %dma_wait3A = arith.constant 0 : i32
      %dma_wait3A_43 = tpu.memref_slice %arg3[%add3A_3, %mul3A_5, %dma_wait3A] : memref<4x1280x128xi32, #tpu.memory_space<hbm>> -> memref<1x80x128xi32, #tpu.memory_space<hbm>>
      %dma_wait3A_44 = tpu.memref_squeeze %dma_wait3A_43 : memref<1x80x128xi32, #tpu.memory_space<hbm>> -> memref<80x128xi32, #tpu.memory_space<hbm>>
      %dma_wait3A_45 = arith.constant 0 : i32
      %dma_wait3A_46 = tpu.memref_slice %arg3[%add3A_3, %mul3A_5, %dma_wait3A_45] : memref<4x1280x128xi32, #tpu.memory_space<hbm>> -> memref<1x80x128xi32, #tpu.memory_space<hbm>>
      %dma_wait3A_47 = tpu.memref_squeeze %dma_wait3A_46 : memref<1x80x128xi32, #tpu.memory_space<hbm>> -> memref<80x128xi32, #tpu.memory_space<hbm>>
      tpu.wait_dma2 semaphore(%run_scoped3A : memref<!tpu.dma_semaphore, #tpu.memory_space<semaphore_mem>>) src(%dma_wait3A_47 : memref<80x128xi32, #tpu.memory_space<hbm>>) dst(%arg7 : memref<80x128xi32, #tpu.memory_space<vmem>>)
      tpu.yield
    }) : () -> ()
    %scan3A = arith.constant 0 : i32
    %scan3A_6 = arith.constant 0 : i32
    %scan3A_7 = arith.constant 80 : i32
    %scan3A_8 = arith.addi %scan3A_6, %scan3A_7 : i32
    %scan3A_9 = arith.constant 1 : i32
    scf.for %scan3A_38 = %scan3A_6 to %scan3A_8 step %scan3A_9  : i32 {
      %dma_start3A = arith.constant 0 : i32
      %dma_start3A_39 = tpu.memref_slice %arg7[%scan3A_38, %dma_start3A] : memref<80x128xi32, #tpu.memory_space<vmem>> -> memref<1x128xi32, #tpu.memory_space<vmem>>
      %dma_start3A_40 = tpu.memref_squeeze %dma_start3A_39 : memref<1x128xi32, #tpu.memory_space<vmem>> -> memref<128xi32, #tpu.memory_space<vmem>>
      %dma_start3A_41 = arith.constant 0 : i32
      %dma_start3A_42 = arith.constant 0 : i32
      %dma_start3A_43 = tpu.memref_slice %arg2[%dma_start3A_41, %dma_start3A_42] : memref<40960x80xf32, #tpu.memory_space<hbm>> -> memref<40960x80xf32, #tpu.memory_space<hbm>>
      tpu.enqueue_indirect_dma source(%dma_start3A_43 : memref<40960x80xf32, #tpu.memory_space<hbm>>) target(%arg9 : memref<128x80xf32, #tpu.memory_space<vmem>>) offsets(%dma_start3A_40 : memref<128xi32, #tpu.memory_space<vmem>>) semaphore(%arg11 : memref<!tpu.dma_semaphore, #tpu.memory_space<semaphore_mem>>)
      %dma_wait3A = arith.constant 0 : i32
      %dma_wait3A_44 = tpu.memref_slice %arg7[%scan3A_38, %dma_wait3A] : memref<80x128xi32, #tpu.memory_space<vmem>> -> memref<1x128xi32, #tpu.memory_space<vmem>>
      %dma_wait3A_45 = tpu.memref_squeeze %dma_wait3A_44 : memref<1x128xi32, #tpu.memory_space<vmem>> -> memref<128xi32, #tpu.memory_space<vmem>>
      %dma_wait3A_46 = arith.constant 0 : i32
      %dma_wait3A_47 = arith.constant 0 : i32
      %dma_wait3A_48 = tpu.memref_slice %arg2[%dma_wait3A_46, %dma_wait3A_47] : memref<40960x80xf32, #tpu.memory_space<hbm>> -> memref<40960x80xf32, #tpu.memory_space<hbm>>
      tpu.wait_indirect_dma semaphore(%arg11 : memref<!tpu.dma_semaphore, #tpu.memory_space<semaphore_mem>>) src(%dma_wait3A_48 : memref<40960x80xf32, #tpu.memory_space<hbm>>) dst(%arg9 : memref<128x80xf32, #tpu.memory_space<vmem>>)
      "tpu.region"() ({
        %run_scoped3A = tpu.sem_alloc : memref<!tpu.dma_semaphore, #tpu.memory_space<semaphore_mem>>
        %dma_start3A_49 = arith.constant 0 : i32
        %dma_start3A_50 = tpu.memref_slice %arg8[%scan3A_38, %dma_start3A_49] : memref<80x128xi32, #tpu.memory_space<vmem>> -> memref<1x128xi32, #tpu.memory_space<vmem>>
        %dma_start3A_51 = tpu.memref_squeeze %dma_start3A_50 : memref<1x128xi32, #tpu.memory_space<vmem>> -> memref<128xi32, #tpu.memory_space<vmem>>
        %dma_start3A_52 = arith.constant 0 : i32
        %dma_start3A_53 = arith.constant 0 : i32
        %dma_start3A_54 = tpu.memref_slice %arg10[%dma_start3A_52, %dma_start3A_53] : memref<10240x80xf32, #tpu.memory_space<vmem_shared>> -> memref<10240x80xf32, #tpu.memory_space<vmem_shared>>
        tpu.enqueue_indirect_dma source(%arg9 : memref<128x80xf32, #tpu.memory_space<vmem>>) target(%dma_start3A_54 : memref<10240x80xf32, #tpu.memory_space<vmem_shared>>) offsets(%dma_start3A_51 : memref<128xi32, #tpu.memory_space<vmem>>) semaphore(%run_scoped3A : memref<!tpu.dma_semaphore, #tpu.memory_space<semaphore_mem>>) {add = true}
        %dma_wait3A_55 = arith.constant 0 : i32
        %dma_wait3A_56 = tpu.memref_slice %arg8[%scan3A_38, %dma_wait3A_55] : memref<80x128xi32, #tpu.memory_space<vmem>> -> memref<1x128xi32, #tpu.memory_space<vmem>>
        %dma_wait3A_57 = tpu.memref_squeeze %dma_wait3A_56 : memref<1x128xi32, #tpu.memory_space<vmem>> -> memref<128xi32, #tpu.memory_space<vmem>>
        %dma_wait3A_58 = arith.constant 0 : i32
        %dma_wait3A_59 = arith.constant 0 : i32
        %dma_wait3A_60 = tpu.memref_slice %arg10[%dma_wait3A_58, %dma_wait3A_59] : memref<10240x80xf32, #tpu.memory_space<vmem_shared>> -> memref<10240x80xf32, #tpu.memory_space<vmem_shared>>
        tpu.wait_indirect_dma semaphore(%run_scoped3A : memref<!tpu.dma_semaphore, #tpu.memory_space<semaphore_mem>>) src(%arg9 : memref<128x80xf32, #tpu.memory_space<vmem>>) dst(%dma_wait3A_60 : memref<10240x80xf32, #tpu.memory_space<vmem_shared>>)
        tpu.yield
      }) : () -> ()
    }
    %scan3A_10 = arith.constant 80 : i32
    %barrier3A_11 = arith.constant 0 : index
    tpu.barrier barrier_id(%barrier3A_11)
    %mul3A_12 = arith.constant 640 : i32
    %mul3A_13 = arith.muli %arg1, %mul3A_12 : i32
    %mul3A_14 = arith.constant 10240 : i32
    %mul3A_15 = arith.muli %add3A_3, %mul3A_14 : i32
    %add3A_16 = arith.addi %mul3A_15, %mul3A_13 : i32
    "tpu.region"() ({
      %run_scoped3A = tpu.sem_alloc : memref<!tpu.dma_semaphore, #tpu.memory_space<semaphore_mem>>
      %dma_start3A = arith.constant 0 : i32
      %dma_start3A_38 = tpu.memref_slice %arg6[%add3A_16, %dma_start3A] : memref<40960x80xf32, #tpu.memory_space<hbm>> -> memref<640x80xf32, #tpu.memory_space<hbm>>
      %dma_start3A_39 = arith.constant 0 : i32
      %dma_start3A_40 = tpu.memref_slice %arg10[%mul3A_13, %dma_start3A_39] : memref<10240x80xf32, #tpu.memory_space<vmem_shared>> -> memref<640x80xf32, #tpu.memory_space<vmem_shared>>
      tpu.enqueue_dma source(%dma_start3A_40 : memref<640x80xf32, #tpu.memory_space<vmem_shared>>) target(%dma_start3A_38 : memref<640x80xf32, #tpu.memory_space<hbm>>) target_semaphore(%run_scoped3A : memref<!tpu.dma_semaphore, #tpu.memory_space<semaphore_mem>>)
      %dma_wait3A = arith.constant 0 : i32
      %dma_wait3A_41 = tpu.memref_slice %arg6[%add3A_16, %dma_wait3A] : memref<40960x80xf32, #tpu.memory_space<hbm>> -> memref<640x80xf32, #tpu.memory_space<hbm>>
      %dma_wait3A_42 = arith.constant 0 : i32
      %dma_wait3A_43 = tpu.memref_slice %arg10[%mul3A_13, %dma_wait3A_42] : memref<10240x80xf32, #tpu.memory_space<vmem_shared>> -> memref<640x80xf32, #tpu.memory_space<vmem_shared>>
      tpu.wait_dma2 semaphore(%run_scoped3A : memref<!tpu.dma_semaphore, #tpu.memory_space<semaphore_mem>>) src(%dma_wait3A_43 : memref<640x80xf32, #tpu.memory_space<vmem_shared>>) dst(%dma_wait3A_41 : memref<640x80xf32, #tpu.memory_space<hbm>>)
      tpu.yield
    }) : () -> ()
    %barrier3A_17 = arith.constant 0 : index
    tpu.barrier barrier_id(%barrier3A_17)
    %mul3A_18 = arith.constant 640 : i32
    %mul3A_19 = arith.muli %arg1, %mul3A_18 : i32
    "tpu.region"() ({
      %run_scoped3A = tpu.sem_alloc : memref<!tpu.dma_semaphore, #tpu.memory_space<semaphore_mem>>
      %dma_start3A = arith.constant 0 : i32
      %dma_start3A_38 = tpu.memref_slice %arg10[%mul3A_19, %dma_start3A] : memref<10240x80xf32, #tpu.memory_space<vmem_shared>> -> memref<640x80xf32, #tpu.memory_space<vmem_shared>>
      tpu.enqueue_dma source(%arg5 : memref<640x80xf32, #tpu.memory_space<hbm>>) target(%dma_start3A_38 : memref<640x80xf32, #tpu.memory_space<vmem_shared>>) target_semaphore(%run_scoped3A : memref<!tpu.dma_semaphore, #tpu.memory_space<semaphore_mem>>)
      %dma_wait3A = arith.constant 0 : i32
      %dma_wait3A_39 = tpu.memref_slice %arg10[%mul3A_19, %dma_wait3A] : memref<10240x80xf32, #tpu.memory_space<vmem_shared>> -> memref<640x80xf32, #tpu.memory_space<vmem_shared>>
      tpu.wait_dma2 semaphore(%run_scoped3A : memref<!tpu.dma_semaphore, #tpu.memory_space<semaphore_mem>>) src(%arg5 : memref<640x80xf32, #tpu.memory_space<hbm>>) dst(%dma_wait3A_39 : memref<640x80xf32, #tpu.memory_space<vmem_shared>>)
      tpu.yield
    }) : () -> ()
    %barrier3A_20 = arith.constant 0 : index
    tpu.barrier barrier_id(%barrier3A_20)
    %add3A_21 = arith.constant 2 : i32
    %add3A_22 = arith.addi %arg0, %add3A_21 : i32
    %mul3A_23 = arith.constant 80 : i32
    %mul3A_24 = arith.muli %arg1, %mul3A_23 : i32
    "tpu.region"() ({
      %run_scoped3A = tpu.sem_alloc : memref<!tpu.dma_semaphore, #tpu.memory_space<semaphore_mem>>
      %dma_start3A = arith.constant 0 : i32
      %dma_start3A_38 = tpu.memref_slice %arg3[%add3A_22, %mul3A_24, %dma_start3A] : memref<4x1280x128xi32, #tpu.memory_space<hbm>> -> memref<1x80x128xi32, #tpu.memory_space<hbm>>
      %dma_start3A_39 = tpu.memref_squeeze %dma_start3A_38 : memref<1x80x128xi32, #tpu.memory_space<hbm>> -> memref<80x128xi32, #tpu.memory_space<hbm>>
      %dma_start3A_40 = arith.constant 0 : i32
      %dma_start3A_41 = tpu.memref_slice %arg3[%add3A_22, %mul3A_24, %dma_start3A_40] : memref<4x1280x128xi32, #tpu.memory_space<hbm>> -> memref<1x80x128xi32, #tpu.memory_space<hbm>>
      %dma_start3A_42 = tpu.memref_squeeze %dma_start3A_41 : memref<1x80x128xi32, #tpu.memory_space<hbm>> -> memref<80x128xi32, #tpu.memory_space<hbm>>
      tpu.enqueue_dma source(%dma_start3A_42 : memref<80x128xi32, #tpu.memory_space<hbm>>) target(%arg7 : memref<80x128xi32, #tpu.memory_space<vmem>>) target_semaphore(%run_scoped3A : memref<!tpu.dma_semaphore, #tpu.memory_space<semaphore_mem>>)
      %dma_wait3A = arith.constant 0 : i32
      %dma_wait3A_43 = tpu.memref_slice %arg3[%add3A_22, %mul3A_24, %dma_wait3A] : memref<4x1280x128xi32, #tpu.memory_space<hbm>> -> memref<1x80x128xi32, #tpu.memory_space<hbm>>
      %dma_wait3A_44 = tpu.memref_squeeze %dma_wait3A_43 : memref<1x80x128xi32, #tpu.memory_space<hbm>> -> memref<80x128xi32, #tpu.memory_space<hbm>>
      %dma_wait3A_45 = arith.constant 0 : i32
      %dma_wait3A_46 = tpu.memref_slice %arg3[%add3A_22, %mul3A_24, %dma_wait3A_45] : memref<4x1280x128xi32, #tpu.memory_space<hbm>> -> memref<1x80x128xi32, #tpu.memory_space<hbm>>
      %dma_wait3A_47 = tpu.memref_squeeze %dma_wait3A_46 : memref<1x80x128xi32, #tpu.memory_space<hbm>> -> memref<80x128xi32, #tpu.memory_space<hbm>>
      tpu.wait_dma2 semaphore(%run_scoped3A : memref<!tpu.dma_semaphore, #tpu.memory_space<semaphore_mem>>) src(%dma_wait3A_47 : memref<80x128xi32, #tpu.memory_space<hbm>>) dst(%arg7 : memref<80x128xi32, #tpu.memory_space<vmem>>)
      tpu.yield
    }) : () -> ()
    %scan3A_25 = arith.constant 0 : i32
    %scan3A_26 = arith.constant 0 : i32
    %scan3A_27 = arith.constant 80 : i32
    %scan3A_28 = arith.addi %scan3A_26, %scan3A_27 : i32
    %scan3A_29 = arith.constant 1 : i32
    scf.for %scan3A_38 = %scan3A_26 to %scan3A_28 step %scan3A_29  : i32 {
      %dma_start3A = arith.constant 0 : i32
      %dma_start3A_39 = tpu.memref_slice %arg7[%scan3A_38, %dma_start3A] : memref<80x128xi32, #tpu.memory_space<vmem>> -> memref<1x128xi32, #tpu.memory_space<vmem>>
      %dma_start3A_40 = tpu.memref_squeeze %dma_start3A_39 : memref<1x128xi32, #tpu.memory_space<vmem>> -> memref<128xi32, #tpu.memory_space<vmem>>
      %dma_start3A_41 = arith.constant 0 : i32
      %dma_start3A_42 = arith.constant 0 : i32
      %dma_start3A_43 = tpu.memref_slice %arg2[%dma_start3A_41, %dma_start3A_42] : memref<40960x80xf32, #tpu.memory_space<hbm>> -> memref<40960x80xf32, #tpu.memory_space<hbm>>
      tpu.enqueue_indirect_dma source(%dma_start3A_43 : memref<40960x80xf32, #tpu.memory_space<hbm>>) target(%arg9 : memref<128x80xf32, #tpu.memory_space<vmem>>) offsets(%dma_start3A_40 : memref<128xi32, #tpu.memory_space<vmem>>) semaphore(%arg11 : memref<!tpu.dma_semaphore, #tpu.memory_space<semaphore_mem>>)
      %dma_wait3A = arith.constant 0 : i32
      %dma_wait3A_44 = tpu.memref_slice %arg7[%scan3A_38, %dma_wait3A] : memref<80x128xi32, #tpu.memory_space<vmem>> -> memref<1x128xi32, #tpu.memory_space<vmem>>
      %dma_wait3A_45 = tpu.memref_squeeze %dma_wait3A_44 : memref<1x128xi32, #tpu.memory_space<vmem>> -> memref<128xi32, #tpu.memory_space<vmem>>
      %dma_wait3A_46 = arith.constant 0 : i32
      %dma_wait3A_47 = arith.constant 0 : i32
      %dma_wait3A_48 = tpu.memref_slice %arg2[%dma_wait3A_46, %dma_wait3A_47] : memref<40960x80xf32, #tpu.memory_space<hbm>> -> memref<40960x80xf32, #tpu.memory_space<hbm>>
      tpu.wait_indirect_dma semaphore(%arg11 : memref<!tpu.dma_semaphore, #tpu.memory_space<semaphore_mem>>) src(%dma_wait3A_48 : memref<40960x80xf32, #tpu.memory_space<hbm>>) dst(%arg9 : memref<128x80xf32, #tpu.memory_space<vmem>>)
      "tpu.region"() ({
        %run_scoped3A = tpu.sem_alloc : memref<!tpu.dma_semaphore, #tpu.memory_space<semaphore_mem>>
        %dma_start3A_49 = arith.constant 0 : i32
        %dma_start3A_50 = tpu.memref_slice %arg8[%scan3A_38, %dma_start3A_49] : memref<80x128xi32, #tpu.memory_space<vmem>> -> memref<1x128xi32, #tpu.memory_space<vmem>>
        %dma_start3A_51 = tpu.memref_squeeze %dma_start3A_50 : memref<1x128xi32, #tpu.memory_space<vmem>> -> memref<128xi32, #tpu.memory_space<vmem>>
        %dma_start3A_52 = arith.constant 0 : i32
        %dma_start3A_53 = arith.constant 0 : i32
        %dma_start3A_54 = tpu.memref_slice %arg10[%dma_start3A_52, %dma_start3A_53] : memref<10240x80xf32, #tpu.memory_space<vmem_shared>> -> memref<10240x80xf32, #tpu.memory_space<vmem_shared>>
        tpu.enqueue_indirect_dma source(%arg9 : memref<128x80xf32, #tpu.memory_space<vmem>>) target(%dma_start3A_54 : memref<10240x80xf32, #tpu.memory_space<vmem_shared>>) offsets(%dma_start3A_51 : memref<128xi32, #tpu.memory_space<vmem>>) semaphore(%run_scoped3A : memref<!tpu.dma_semaphore, #tpu.memory_space<semaphore_mem>>) {add = true}
        %dma_wait3A_55 = arith.constant 0 : i32
        %dma_wait3A_56 = tpu.memref_slice %arg8[%scan3A_38, %dma_wait3A_55] : memref<80x128xi32, #tpu.memory_space<vmem>> -> memref<1x128xi32, #tpu.memory_space<vmem>>
        %dma_wait3A_57 = tpu.memref_squeeze %dma_wait3A_56 : memref<1x128xi32, #tpu.memory_space<vmem>> -> memref<128xi32, #tpu.memory_space<vmem>>
        %dma_wait3A_58 = arith.constant 0 : i32
        %dma_wait3A_59 = arith.constant 0 : i32
        %dma_wait3A_60 = tpu.memref_slice %arg10[%dma_wait3A_58, %dma_wait3A_59] : memref<10240x80xf32, #tpu.memory_space<vmem_shared>> -> memref<10240x80xf32, #tpu.memory_space<vmem_shared>>
        tpu.wait_indirect_dma semaphore(%run_scoped3A : memref<!tpu.dma_semaphore, #tpu.memory_space<semaphore_mem>>) src(%arg9 : memref<128x80xf32, #tpu.memory_space<vmem>>) dst(%dma_wait3A_60 : memref<10240x80xf32, #tpu.memory_space<vmem_shared>>)
        tpu.yield
      }) : () -> ()
    }
    %scan3A_30 = arith.constant 80 : i32
    %barrier3A_31 = arith.constant 0 : index
    tpu.barrier barrier_id(%barrier3A_31)
    %mul3A_32 = arith.constant 640 : i32
    %mul3A_33 = arith.muli %arg1, %mul3A_32 : i32
    %mul3A_34 = arith.constant 10240 : i32
    %mul3A_35 = arith.muli %add3A_22, %mul3A_34 : i32
    %add3A_36 = arith.addi %mul3A_35, %mul3A_33 : i32
    "tpu.region"() ({
      %run_scoped3A = tpu.sem_alloc : memref<!tpu.dma_semaphore, #tpu.memory_space<semaphore_mem>>
      %dma_start3A = arith.constant 0 : i32
      %dma_start3A_38 = tpu.memref_slice %arg6[%add3A_36, %dma_start3A] : memref<40960x80xf32, #tpu.memory_space<hbm>> -> memref<640x80xf32, #tpu.memory_space<hbm>>
      %dma_start3A_39 = arith.constant 0 : i32
      %dma_start3A_40 = tpu.memref_slice %arg10[%mul3A_33, %dma_start3A_39] : memref<10240x80xf32, #tpu.memory_space<vmem_shared>> -> memref<640x80xf32, #tpu.memory_space<vmem_shared>>
      tpu.enqueue_dma source(%dma_start3A_40 : memref<640x80xf32, #tpu.memory_space<vmem_shared>>) target(%dma_start3A_38 : memref<640x80xf32, #tpu.memory_space<hbm>>) target_semaphore(%run_scoped3A : memref<!tpu.dma_semaphore, #tpu.memory_space<semaphore_mem>>)
      %dma_wait3A = arith.constant 0 : i32
      %dma_wait3A_41 = tpu.memref_slice %arg6[%add3A_36, %dma_wait3A] : memref<40960x80xf32, #tpu.memory_space<hbm>> -> memref<640x80xf32, #tpu.memory_space<hbm>>
      %dma_wait3A_42 = arith.constant 0 : i32
      %dma_wait3A_43 = tpu.memref_slice %arg10[%mul3A_33, %dma_wait3A_42] : memref<10240x80xf32, #tpu.memory_space<vmem_shared>> -> memref<640x80xf32, #tpu.memory_space<vmem_shared>>
      tpu.wait_dma2 semaphore(%run_scoped3A : memref<!tpu.dma_semaphore, #tpu.memory_space<semaphore_mem>>) src(%dma_wait3A_43 : memref<640x80xf32, #tpu.memory_space<vmem_shared>>) dst(%dma_wait3A_41 : memref<640x80xf32, #tpu.memory_space<hbm>>)
      tpu.yield
    }) : () -> ()
    %barrier3A_37 = arith.constant 0 : index
    tpu.barrier barrier_id(%barrier3A_37)
    return
  }
}

#map = affine_map<(d0, d1) -> (0, 0)>
#map1 = affine_map<(d0, d1) -> (0, 0, 0)>
module attributes {stable_mosaic.version = 14 : i64} {
  func.func @_spmm_body(%arg0: i32, %arg1: i32, %arg2: memref<40960x80xf32, #tpu.memory_space<hbm>>, %arg3: memref<4x1280x128xi32, #tpu.memory_space<hbm>>, %arg4: memref<1280x128xi32, #tpu.memory_space<hbm>>, %arg5: memref<640x80xf32, #tpu.memory_space<hbm>>, %arg6: memref<40960x80xf32, #tpu.memory_space<hbm>>, %arg7: memref<80x128xi32, #tpu.memory_space<vmem>>, %arg8: memref<80x128xi32, #tpu.memory_space<vmem>>, %arg9: memref<128x80xf32, #tpu.memory_space<vmem>>, %arg10: memref<10240x80xf32, #tpu.memory_space<vmem_shared>>, %arg11: memref<!tpu.dma_semaphore, #tpu.memory_space<semaphore_mem>>) attributes {dimension_semantics = [#tpu.dimension_semantics<core_parallel>, #tpu.dimension_semantics<subcore_parallel>], iteration_bounds = array<i64: 2, 16>, scalar_prefetch = 0 : i64, scratch_operands = 5 : i64, tpu.core_type = #tpu.core_type<sc_vector_subcore>, window_params = [{transform_indices = #map}, {transform_indices = #map1}, {transform_indices = #map}, {transform_indices = #map}, {transform_indices = #map}]} {
    %mul3A = arith.constant 80 : i32
    %mul3A_0 = arith.muli %arg1, %mul3A : i32
    "tpu.region"() ({
      %run_scoped3A = tpu.sem_alloc : memref<!tpu.dma_semaphore, #tpu.memory_space<semaphore_mem>>
      %dma_start3A = arith.constant 0 : i32
      %dma_start3A_38 = tpu.memref_slice %arg4[%mul3A_0, %dma_start3A] : memref<1280x128xi32, #tpu.memory_space<hbm>> -> memref<80x128xi32, #tpu.memory_space<hbm>>
      %dma_start3A_39 = arith.constant 0 : i32
      %dma_start3A_40 = tpu.memref_slice %arg4[%mul3A_0, %dma_start3A_39] : memref<1280x128xi32, #tpu.memory_space<hbm>> -> memref<80x128xi32, #tpu.memory_space<hbm>>
      tpu.enqueue_dma source(%dma_start3A_40 : memref<80x128xi32, #tpu.memory_space<hbm>>) target(%arg8 : memref<80x128xi32, #tpu.memory_space<vmem>>) target_semaphore(%run_scoped3A : memref<!tpu.dma_semaphore, #tpu.memory_space<semaphore_mem>>)
      %dma_wait3A = arith.constant 0 : i32
      %dma_wait3A_41 = tpu.memref_slice %arg4[%mul3A_0, %dma_wait3A] : memref<1280x128xi32, #tpu.memory_space<hbm>> -> memref<80x128xi32, #tpu.memory_space<hbm>>
      %dma_wait3A_42 = arith.constant 0 : i32
      %dma_wait3A_43 = tpu.memref_slice %arg4[%mul3A_0, %dma_wait3A_42] : memref<1280x128xi32, #tpu.memory_space<hbm>> -> memref<80x128xi32, #tpu.memory_space<hbm>>
      tpu.wait_dma2 semaphore(%run_scoped3A : memref<!tpu.dma_semaphore, #tpu.memory_space<semaphore_mem>>) src(%dma_wait3A_43 : memref<80x128xi32, #tpu.memory_space<hbm>>) dst(%arg8 : memref<80x128xi32, #tpu.memory_space<vmem>>)
      tpu.yield
    }) : () -> ()
    %mul3A_1 = arith.constant 640 : i32
    %mul3A_2 = arith.muli %arg1, %mul3A_1 : i32
    "tpu.region"() ({
      %run_scoped3A = tpu.sem_alloc : memref<!tpu.dma_semaphore, #tpu.memory_space<semaphore_mem>>
      %dma_start3A = arith.constant 0 : i32
      %dma_start3A_38 = tpu.memref_slice %arg10[%mul3A_2, %dma_start3A] : memref<10240x80xf32, #tpu.memory_space<vmem_shared>> -> memref<640x80xf32, #tpu.memory_space<vmem_shared>>
      tpu.enqueue_dma source(%arg5 : memref<640x80xf32, #tpu.memory_space<hbm>>) target(%dma_start3A_38 : memref<640x80xf32, #tpu.memory_space<vmem_shared>>) target_semaphore(%run_scoped3A : memref<!tpu.dma_semaphore, #tpu.memory_space<semaphore_mem>>)
      %dma_wait3A = arith.constant 0 : i32
      %dma_wait3A_39 = tpu.memref_slice %arg10[%mul3A_2, %dma_wait3A] : memref<10240x80xf32, #tpu.memory_space<vmem_shared>> -> memref<640x80xf32, #tpu.memory_space<vmem_shared>>
      tpu.wait_dma2 semaphore(%run_scoped3A : memref<!tpu.dma_semaphore, #tpu.memory_space<semaphore_mem>>) src(%arg5 : memref<640x80xf32, #tpu.memory_space<hbm>>) dst(%dma_wait3A_39 : memref<640x80xf32, #tpu.memory_space<vmem_shared>>)
      tpu.yield
    }) : () -> ()
    %barrier3A = arith.constant 0 : index
    tpu.barrier barrier_id(%barrier3A)
    %add3A = arith.constant 0 : i32
    %add3A_3 = arith.addi %arg0, %add3A : i32
    %mul3A_4 = arith.constant 80 : i32
    %mul3A_5 = arith.muli %arg1, %mul3A_4 : i32
    "tpu.region"() ({
      %run_scoped3A = tpu.sem_alloc : memref<!tpu.dma_semaphore, #tpu.memory_space<semaphore_mem>>
      %dma_start3A = arith.constant 0 : i32
      %dma_start3A_38 = tpu.memref_slice %arg3[%add3A_3, %mul3A_5, %dma_start3A] : memref<4x1280x128xi32, #tpu.memory_space<hbm>> -> memref<1x80x128xi32, #tpu.memory_space<hbm>>
      %dma_start3A_39 = tpu.memref_squeeze %dma_start3A_38 : memref<1x80x128xi32, #tpu.memory_space<hbm>> -> memref<80x128xi32, #tpu.memory_space<hbm>>
      %dma_start3A_40 = arith.constant 0 : i32
      %dma_start3A_41 = tpu.memref_slice %arg3[%add3A_3, %mul3A_5, %dma_start3A_40] : memref<4x1280x128xi32, #tpu.memory_space<hbm>> -> memref<1x80x128xi32, #tpu.memory_space<hbm>>
      %dma_start3A_42 = tpu.memref_squeeze %dma_start3A_41 : memref<1x80x128xi32, #tpu.memory_space<hbm>> -> memref<80x128xi32, #tpu.memory_space<hbm>>
      tpu.enqueue_dma source(%dma_start3A_42 : memref<80x128xi32, #tpu.memory_space<hbm>>) target(%arg7 : memref<80x128xi32, #tpu.memory_space<vmem>>) target_semaphore(%run_scoped3A : memref<!tpu.dma_semaphore, #tpu.memory_space<semaphore_mem>>)
      %dma_wait3A = arith.constant 0 : i32
      %dma_wait3A_43 = tpu.memref_slice %arg3[%add3A_3, %mul3A_5, %dma_wait3A] : memref<4x1280x128xi32, #tpu.memory_space<hbm>> -> memref<1x80x128xi32, #tpu.memory_space<hbm>>
      %dma_wait3A_44 = tpu.memref_squeeze %dma_wait3A_43 : memref<1x80x128xi32, #tpu.memory_space<hbm>> -> memref<80x128xi32, #tpu.memory_space<hbm>>
      %dma_wait3A_45 = arith.constant 0 : i32
      %dma_wait3A_46 = tpu.memref_slice %arg3[%add3A_3, %mul3A_5, %dma_wait3A_45] : memref<4x1280x128xi32, #tpu.memory_space<hbm>> -> memref<1x80x128xi32, #tpu.memory_space<hbm>>
      %dma_wait3A_47 = tpu.memref_squeeze %dma_wait3A_46 : memref<1x80x128xi32, #tpu.memory_space<hbm>> -> memref<80x128xi32, #tpu.memory_space<hbm>>
      tpu.wait_dma2 semaphore(%run_scoped3A : memref<!tpu.dma_semaphore, #tpu.memory_space<semaphore_mem>>) src(%dma_wait3A_47 : memref<80x128xi32, #tpu.memory_space<hbm>>) dst(%arg7 : memref<80x128xi32, #tpu.memory_space<vmem>>)
      tpu.yield
    }) : () -> ()
    %scan3A = arith.constant 0 : i32
    %scan3A_6 = arith.constant 0 : i32
    %scan3A_7 = arith.constant 80 : i32
    %scan3A_8 = arith.addi %scan3A_6, %scan3A_7 : i32
    %scan3A_9 = arith.constant 1 : i32
    scf.for %scan3A_38 = %scan3A_6 to %scan3A_8 step %scan3A_9  : i32 {
      %dma_start3A = arith.constant 0 : i32
      %dma_start3A_39 = tpu.memref_slice %arg7[%scan3A_38, %dma_start3A] : memref<80x128xi32, #tpu.memory_space<vmem>> -> memref<1x128xi32, #tpu.memory_space<vmem>>
      %dma_start3A_40 = tpu.memref_squeeze %dma_start3A_39 : memref<1x128xi32, #tpu.memory_space<vmem>> -> memref<128xi32, #tpu.memory_space<vmem>>
      %dma_start3A_41 = arith.constant 0 : i32
      %dma_start3A_42 = arith.constant 0 : i32
      %dma_start3A_43 = tpu.memref_slice %arg2[%dma_start3A_41, %dma_start3A_42] : memref<40960x80xf32, #tpu.memory_space<hbm>> -> memref<40960x80xf32, #tpu.memory_space<hbm>>
      tpu.enqueue_indirect_dma source(%dma_start3A_43 : memref<40960x80xf32, #tpu.memory_space<hbm>>) target(%arg9 : memref<128x80xf32, #tpu.memory_space<vmem>>) offsets(%dma_start3A_40 : memref<128xi32, #tpu.memory_space<vmem>>) semaphore(%arg11 : memref<!tpu.dma_semaphore, #tpu.memory_space<semaphore_mem>>)
      %dma_wait3A = arith.constant 0 : i32
      %dma_wait3A_44 = tpu.memref_slice %arg7[%scan3A_38, %dma_wait3A] : memref<80x128xi32, #tpu.memory_space<vmem>> -> memref<1x128xi32, #tpu.memory_space<vmem>>
      %dma_wait3A_45 = tpu.memref_squeeze %dma_wait3A_44 : memref<1x128xi32, #tpu.memory_space<vmem>> -> memref<128xi32, #tpu.memory_space<vmem>>
      %dma_wait3A_46 = arith.constant 0 : i32
      %dma_wait3A_47 = arith.constant 0 : i32
      %dma_wait3A_48 = tpu.memref_slice %arg2[%dma_wait3A_46, %dma_wait3A_47] : memref<40960x80xf32, #tpu.memory_space<hbm>> -> memref<40960x80xf32, #tpu.memory_space<hbm>>
      tpu.wait_indirect_dma semaphore(%arg11 : memref<!tpu.dma_semaphore, #tpu.memory_space<semaphore_mem>>) src(%dma_wait3A_48 : memref<40960x80xf32, #tpu.memory_space<hbm>>) dst(%arg9 : memref<128x80xf32, #tpu.memory_space<vmem>>)
      "tpu.region"() ({
        %run_scoped3A = tpu.sem_alloc : memref<!tpu.dma_semaphore, #tpu.memory_space<semaphore_mem>>
        %dma_start3A_49 = arith.constant 0 : i32
        %dma_start3A_50 = tpu.memref_slice %arg8[%scan3A_38, %dma_start3A_49] : memref<80x128xi32, #tpu.memory_space<vmem>> -> memref<1x128xi32, #tpu.memory_space<vmem>>
        %dma_start3A_51 = tpu.memref_squeeze %dma_start3A_50 : memref<1x128xi32, #tpu.memory_space<vmem>> -> memref<128xi32, #tpu.memory_space<vmem>>
        %dma_start3A_52 = arith.constant 0 : i32
        %dma_start3A_53 = arith.constant 0 : i32
        %dma_start3A_54 = tpu.memref_slice %arg10[%dma_start3A_52, %dma_start3A_53] : memref<10240x80xf32, #tpu.memory_space<vmem_shared>> -> memref<10240x80xf32, #tpu.memory_space<vmem_shared>>
        tpu.enqueue_indirect_dma source(%arg9 : memref<128x80xf32, #tpu.memory_space<vmem>>) target(%dma_start3A_54 : memref<10240x80xf32, #tpu.memory_space<vmem_shared>>) offsets(%dma_start3A_51 : memref<128xi32, #tpu.memory_space<vmem>>) semaphore(%run_scoped3A : memref<!tpu.dma_semaphore, #tpu.memory_space<semaphore_mem>>) {add = true}
        %dma_wait3A_55 = arith.constant 0 : i32
        %dma_wait3A_56 = tpu.memref_slice %arg8[%scan3A_38, %dma_wait3A_55] : memref<80x128xi32, #tpu.memory_space<vmem>> -> memref<1x128xi32, #tpu.memory_space<vmem>>
        %dma_wait3A_57 = tpu.memref_squeeze %dma_wait3A_56 : memref<1x128xi32, #tpu.memory_space<vmem>> -> memref<128xi32, #tpu.memory_space<vmem>>
        %dma_wait3A_58 = arith.constant 0 : i32
        %dma_wait3A_59 = arith.constant 0 : i32
        %dma_wait3A_60 = tpu.memref_slice %arg10[%dma_wait3A_58, %dma_wait3A_59] : memref<10240x80xf32, #tpu.memory_space<vmem_shared>> -> memref<10240x80xf32, #tpu.memory_space<vmem_shared>>
        tpu.wait_indirect_dma semaphore(%run_scoped3A : memref<!tpu.dma_semaphore, #tpu.memory_space<semaphore_mem>>) src(%arg9 : memref<128x80xf32, #tpu.memory_space<vmem>>) dst(%dma_wait3A_60 : memref<10240x80xf32, #tpu.memory_space<vmem_shared>>)
        tpu.yield
      }) : () -> ()
    }
    %scan3A_10 = arith.constant 80 : i32
    %barrier3A_11 = arith.constant 0 : index
    tpu.barrier barrier_id(%barrier3A_11)
    %mul3A_12 = arith.constant 640 : i32
    %mul3A_13 = arith.muli %arg1, %mul3A_12 : i32
    %mul3A_14 = arith.constant 10240 : i32
    %mul3A_15 = arith.muli %add3A_3, %mul3A_14 : i32
    %add3A_16 = arith.addi %mul3A_15, %mul3A_13 : i32
    "tpu.region"() ({
      %run_scoped3A = tpu.sem_alloc : memref<!tpu.dma_semaphore, #tpu.memory_space<semaphore_mem>>
      %dma_start3A = arith.constant 0 : i32
      %dma_start3A_38 = tpu.memref_slice %arg6[%add3A_16, %dma_start3A] : memref<40960x80xf32, #tpu.memory_space<hbm>> -> memref<640x80xf32, #tpu.memory_space<hbm>>
      %dma_start3A_39 = arith.constant 0 : i32
      %dma_start3A_40 = tpu.memref_slice %arg10[%mul3A_13, %dma_start3A_39] : memref<10240x80xf32, #tpu.memory_space<vmem_shared>> -> memref<640x80xf32, #tpu.memory_space<vmem_shared>>
      tpu.enqueue_dma source(%dma_start3A_40 : memref<640x80xf32, #tpu.memory_space<vmem_shared>>) target(%dma_start3A_38 : memref<640x80xf32, #tpu.memory_space<hbm>>) target_semaphore(%run_scoped3A : memref<!tpu.dma_semaphore, #tpu.memory_space<semaphore_mem>>)
      %dma_wait3A = arith.constant 0 : i32
      %dma_wait3A_41 = tpu.memref_slice %arg6[%add3A_16, %dma_wait3A] : memref<40960x80xf32, #tpu.memory_space<hbm>> -> memref<640x80xf32, #tpu.memory_space<hbm>>
      %dma_wait3A_42 = arith.constant 0 : i32
      %dma_wait3A_43 = tpu.memref_slice %arg10[%mul3A_13, %dma_wait3A_42] : memref<10240x80xf32, #tpu.memory_space<vmem_shared>> -> memref<640x80xf32, #tpu.memory_space<vmem_shared>>
      tpu.wait_dma2 semaphore(%run_scoped3A : memref<!tpu.dma_semaphore, #tpu.memory_space<semaphore_mem>>) src(%dma_wait3A_43 : memref<640x80xf32, #tpu.memory_space<vmem_shared>>) dst(%dma_wait3A_41 : memref<640x80xf32, #tpu.memory_space<hbm>>)
      tpu.yield
    }) : () -> ()
    %barrier3A_17 = arith.constant 0 : index
    tpu.barrier barrier_id(%barrier3A_17)
    %mul3A_18 = arith.constant 640 : i32
    %mul3A_19 = arith.muli %arg1, %mul3A_18 : i32
    "tpu.region"() ({
      %run_scoped3A = tpu.sem_alloc : memref<!tpu.dma_semaphore, #tpu.memory_space<semaphore_mem>>
      %dma_start3A = arith.constant 0 : i32
      %dma_start3A_38 = tpu.memref_slice %arg10[%mul3A_19, %dma_start3A] : memref<10240x80xf32, #tpu.memory_space<vmem_shared>> -> memref<640x80xf32, #tpu.memory_space<vmem_shared>>
      tpu.enqueue_dma source(%arg5 : memref<640x80xf32, #tpu.memory_space<hbm>>) target(%dma_start3A_38 : memref<640x80xf32, #tpu.memory_space<vmem_shared>>) target_semaphore(%run_scoped3A : memref<!tpu.dma_semaphore, #tpu.memory_space<semaphore_mem>>)
      %dma_wait3A = arith.constant 0 : i32
      %dma_wait3A_39 = tpu.memref_slice %arg10[%mul3A_19, %dma_wait3A] : memref<10240x80xf32, #tpu.memory_space<vmem_shared>> -> memref<640x80xf32, #tpu.memory_space<vmem_shared>>
      tpu.wait_dma2 semaphore(%run_scoped3A : memref<!tpu.dma_semaphore, #tpu.memory_space<semaphore_mem>>) src(%arg5 : memref<640x80xf32, #tpu.memory_space<hbm>>) dst(%dma_wait3A_39 : memref<640x80xf32, #tpu.memory_space<vmem_shared>>)
      tpu.yield
    }) : () -> ()
    %barrier3A_20 = arith.constant 0 : index
    tpu.barrier barrier_id(%barrier3A_20)
    %add3A_21 = arith.constant 2 : i32
    %add3A_22 = arith.addi %arg0, %add3A_21 : i32
    %mul3A_23 = arith.constant 80 : i32
    %mul3A_24 = arith.muli %arg1, %mul3A_23 : i32
    "tpu.region"() ({
      %run_scoped3A = tpu.sem_alloc : memref<!tpu.dma_semaphore, #tpu.memory_space<semaphore_mem>>
      %dma_start3A = arith.constant 0 : i32
      %dma_start3A_38 = tpu.memref_slice %arg3[%add3A_22, %mul3A_24, %dma_start3A] : memref<4x1280x128xi32, #tpu.memory_space<hbm>> -> memref<1x80x128xi32, #tpu.memory_space<hbm>>
      %dma_start3A_39 = tpu.memref_squeeze %dma_start3A_38 : memref<1x80x128xi32, #tpu.memory_space<hbm>> -> memref<80x128xi32, #tpu.memory_space<hbm>>
      %dma_start3A_40 = arith.constant 0 : i32
      %dma_start3A_41 = tpu.memref_slice %arg3[%add3A_22, %mul3A_24, %dma_start3A_40] : memref<4x1280x128xi32, #tpu.memory_space<hbm>> -> memref<1x80x128xi32, #tpu.memory_space<hbm>>
      %dma_start3A_42 = tpu.memref_squeeze %dma_start3A_41 : memref<1x80x128xi32, #tpu.memory_space<hbm>> -> memref<80x128xi32, #tpu.memory_space<hbm>>
      tpu.enqueue_dma source(%dma_start3A_42 : memref<80x128xi32, #tpu.memory_space<hbm>>) target(%arg7 : memref<80x128xi32, #tpu.memory_space<vmem>>) target_semaphore(%run_scoped3A : memref<!tpu.dma_semaphore, #tpu.memory_space<semaphore_mem>>)
      %dma_wait3A = arith.constant 0 : i32
      %dma_wait3A_43 = tpu.memref_slice %arg3[%add3A_22, %mul3A_24, %dma_wait3A] : memref<4x1280x128xi32, #tpu.memory_space<hbm>> -> memref<1x80x128xi32, #tpu.memory_space<hbm>>
      %dma_wait3A_44 = tpu.memref_squeeze %dma_wait3A_43 : memref<1x80x128xi32, #tpu.memory_space<hbm>> -> memref<80x128xi32, #tpu.memory_space<hbm>>
      %dma_wait3A_45 = arith.constant 0 : i32
      %dma_wait3A_46 = tpu.memref_slice %arg3[%add3A_22, %mul3A_24, %dma_wait3A_45] : memref<4x1280x128xi32, #tpu.memory_space<hbm>> -> memref<1x80x128xi32, #tpu.memory_space<hbm>>
      %dma_wait3A_47 = tpu.memref_squeeze %dma_wait3A_46 : memref<1x80x128xi32, #tpu.memory_space<hbm>> -> memref<80x128xi32, #tpu.memory_space<hbm>>
      tpu.wait_dma2 semaphore(%run_scoped3A : memref<!tpu.dma_semaphore, #tpu.memory_space<semaphore_mem>>) src(%dma_wait3A_47 : memref<80x128xi32, #tpu.memory_space<hbm>>) dst(%arg7 : memref<80x128xi32, #tpu.memory_space<vmem>>)
      tpu.yield
    }) : () -> ()
    %scan3A_25 = arith.constant 0 : i32
    %scan3A_26 = arith.constant 0 : i32
    %scan3A_27 = arith.constant 80 : i32
    %scan3A_28 = arith.addi %scan3A_26, %scan3A_27 : i32
    %scan3A_29 = arith.constant 1 : i32
    scf.for %scan3A_38 = %scan3A_26 to %scan3A_28 step %scan3A_29  : i32 {
      %dma_start3A = arith.constant 0 : i32
      %dma_start3A_39 = tpu.memref_slice %arg7[%scan3A_38, %dma_start3A] : memref<80x128xi32, #tpu.memory_space<vmem>> -> memref<1x128xi32, #tpu.memory_space<vmem>>
      %dma_start3A_40 = tpu.memref_squeeze %dma_start3A_39 : memref<1x128xi32, #tpu.memory_space<vmem>> -> memref<128xi32, #tpu.memory_space<vmem>>
      %dma_start3A_41 = arith.constant 0 : i32
      %dma_start3A_42 = arith.constant 0 : i32
      %dma_start3A_43 = tpu.memref_slice %arg2[%dma_start3A_41, %dma_start3A_42] : memref<40960x80xf32, #tpu.memory_space<hbm>> -> memref<40960x80xf32, #tpu.memory_space<hbm>>
      tpu.enqueue_indirect_dma source(%dma_start3A_43 : memref<40960x80xf32, #tpu.memory_space<hbm>>) target(%arg9 : memref<128x80xf32, #tpu.memory_space<vmem>>) offsets(%dma_start3A_40 : memref<128xi32, #tpu.memory_space<vmem>>) semaphore(%arg11 : memref<!tpu.dma_semaphore, #tpu.memory_space<semaphore_mem>>)
      %dma_wait3A = arith.constant 0 : i32
      %dma_wait3A_44 = tpu.memref_slice %arg7[%scan3A_38, %dma_wait3A] : memref<80x128xi32, #tpu.memory_space<vmem>> -> memref<1x128xi32, #tpu.memory_space<vmem>>
      %dma_wait3A_45 = tpu.memref_squeeze %dma_wait3A_44 : memref<1x128xi32, #tpu.memory_space<vmem>> -> memref<128xi32, #tpu.memory_space<vmem>>
      %dma_wait3A_46 = arith.constant 0 : i32
      %dma_wait3A_47 = arith.constant 0 : i32
      %dma_wait3A_48 = tpu.memref_slice %arg2[%dma_wait3A_46, %dma_wait3A_47] : memref<40960x80xf32, #tpu.memory_space<hbm>> -> memref<40960x80xf32, #tpu.memory_space<hbm>>
      tpu.wait_indirect_dma semaphore(%arg11 : memref<!tpu.dma_semaphore, #tpu.memory_space<semaphore_mem>>) src(%dma_wait3A_48 : memref<40960x80xf32, #tpu.memory_space<hbm>>) dst(%arg9 : memref<128x80xf32, #tpu.memory_space<vmem>>)
      "tpu.region"() ({
        %run_scoped3A = tpu.sem_alloc : memref<!tpu.dma_semaphore, #tpu.memory_space<semaphore_mem>>
        %dma_start3A_49 = arith.constant 0 : i32
        %dma_start3A_50 = tpu.memref_slice %arg8[%scan3A_38, %dma_start3A_49] : memref<80x128xi32, #tpu.memory_space<vmem>> -> memref<1x128xi32, #tpu.memory_space<vmem>>
        %dma_start3A_51 = tpu.memref_squeeze %dma_start3A_50 : memref<1x128xi32, #tpu.memory_space<vmem>> -> memref<128xi32, #tpu.memory_space<vmem>>
        %dma_start3A_52 = arith.constant 0 : i32
        %dma_start3A_53 = arith.constant 0 : i32
        %dma_start3A_54 = tpu.memref_slice %arg10[%dma_start3A_52, %dma_start3A_53] : memref<10240x80xf32, #tpu.memory_space<vmem_shared>> -> memref<10240x80xf32, #tpu.memory_space<vmem_shared>>
        tpu.enqueue_indirect_dma source(%arg9 : memref<128x80xf32, #tpu.memory_space<vmem>>) target(%dma_start3A_54 : memref<10240x80xf32, #tpu.memory_space<vmem_shared>>) offsets(%dma_start3A_51 : memref<128xi32, #tpu.memory_space<vmem>>) semaphore(%run_scoped3A : memref<!tpu.dma_semaphore, #tpu.memory_space<semaphore_mem>>) {add = true}
        %dma_wait3A_55 = arith.constant 0 : i32
        %dma_wait3A_56 = tpu.memref_slice %arg8[%scan3A_38, %dma_wait3A_55] : memref<80x128xi32, #tpu.memory_space<vmem>> -> memref<1x128xi32, #tpu.memory_space<vmem>>
        %dma_wait3A_57 = tpu.memref_squeeze %dma_wait3A_56 : memref<1x128xi32, #tpu.memory_space<vmem>> -> memref<128xi32, #tpu.memory_space<vmem>>
        %dma_wait3A_58 = arith.constant 0 : i32
        %dma_wait3A_59 = arith.constant 0 : i32
        %dma_wait3A_60 = tpu.memref_slice %arg10[%dma_wait3A_58, %dma_wait3A_59] : memref<10240x80xf32, #tpu.memory_space<vmem_shared>> -> memref<10240x80xf32, #tpu.memory_space<vmem_shared>>
        tpu.wait_indirect_dma semaphore(%run_scoped3A : memref<!tpu.dma_semaphore, #tpu.memory_space<semaphore_mem>>) src(%arg9 : memref<128x80xf32, #tpu.memory_space<vmem>>) dst(%dma_wait3A_60 : memref<10240x80xf32, #tpu.memory_space<vmem_shared>>)
        tpu.yield
      }) : () -> ()
    }
    %scan3A_30 = arith.constant 80 : i32
    %barrier3A_31 = arith.constant 0 : index
    tpu.barrier barrier_id(%barrier3A_31)
    %mul3A_32 = arith.constant 640 : i32
    %mul3A_33 = arith.muli %arg1, %mul3A_32 : i32
    %mul3A_34 = arith.constant 10240 : i32
    %mul3A_35 = arith.muli %add3A_22, %mul3A_34 : i32
    %add3A_36 = arith.addi %mul3A_35, %mul3A_33 : i32
    "tpu.region"() ({
      %run_scoped3A = tpu.sem_alloc : memref<!tpu.dma_semaphore, #tpu.memory_space<semaphore_mem>>
      %dma_start3A = arith.constant 0 : i32
      %dma_start3A_38 = tpu.memref_slice %arg6[%add3A_36, %dma_start3A] : memref<40960x80xf32, #tpu.memory_space<hbm>> -> memref<640x80xf32, #tpu.memory_space<hbm>>
      %dma_start3A_39 = arith.constant 0 : i32
      %dma_start3A_40 = tpu.memref_slice %arg10[%mul3A_33, %dma_start3A_39] : memref<10240x80xf32, #tpu.memory_space<vmem_shared>> -> memref<640x80xf32, #tpu.memory_space<vmem_shared>>
      tpu.enqueue_dma source(%dma_start3A_40 : memref<640x80xf32, #tpu.memory_space<vmem_shared>>) target(%dma_start3A_38 : memref<640x80xf32, #tpu.memory_space<hbm>>) target_semaphore(%run_scoped3A : memref<!tpu.dma_semaphore, #tpu.memory_space<semaphore_mem>>)
      %dma_wait3A = arith.constant 0 : i32
      %dma_wait3A_41 = tpu.memref_slice %arg6[%add3A_36, %dma_wait3A] : memref<40960x80xf32, #tpu.memory_space<hbm>> -> memref<640x80xf32, #tpu.memory_space<hbm>>
      %dma_wait3A_42 = arith.constant 0 : i32
      %dma_wait3A_43 = tpu.memref_slice %arg10[%mul3A_33, %dma_wait3A_42] : memref<10240x80xf32, #tpu.memory_space<vmem_shared>> -> memref<640x80xf32, #tpu.memory_space<vmem_shared>>
      tpu.wait_dma2 semaphore(%run_scoped3A : memref<!tpu.dma_semaphore, #tpu.memory_space<semaphore_mem>>) src(%dma_wait3A_43 : memref<640x80xf32, #tpu.memory_space<vmem_shared>>) dst(%dma_wait3A_41 : memref<640x80xf32, #tpu.memory_space<hbm>>)
      tpu.yield
    }) : () -> ()
    %barrier3A_37 = arith.constant 0 : index
    tpu.barrier barrier_id(%barrier3A_37)
    return
  }
}

module attributes {stable_mosaic.version = 14 : i64} {
  func.func @_init_body(%arg0: i32, %arg1: memref<1024xi32, #tpu.memory_space<vmem>>, %arg2: memref<1024xi32, #tpu.memory_space<vmem>>, %arg3: memref<120x300xf32, #tpu.memory_space<vmem>>, %arg4: memref<3x300xf32, #tpu.memory_space<vmem>>, %arg5: memref<4x1024x80xf32, #tpu.memory_space<vmem>>) attributes {dimension_semantics = [#tpu.dimension_semantics<arbitrary>], iteration_bounds = array<i64: 10>, scalar_prefetch = 0 : i64, scratch_operands = 0 : i64, tpu.core_type = #tpu.core_type<tc>, window_params = [{transform_indices = @transform_0, window_bounds = array<i64: 1024>}, {transform_indices = @transform_1, window_bounds = array<i64: 1024>}, {pipeline_mode = #tpu.pipeline_mode<synchronous>, transform_indices = @transform_2, window_bounds = array<i64: 120, 300>}, {pipeline_mode = #tpu.pipeline_mode<synchronous>, transform_indices = @transform_3, window_bounds = array<i64: 3, 300>}, {transform_indices = @transform_4, window_bounds = array<i64: 4, 1024, 80>}]} {
    %get3A = arith.constant 0 : index
    %get3A_0 = vector.load %arg1[%get3A] : memref<1024xi32, #tpu.memory_space<vmem>>, vector<1024xi32>
    %get3A_1 = arith.constant 0 : index
    %get3A_2 = vector.load %arg2[%get3A_1] : memref<1024xi32, #tpu.memory_space<vmem>>, vector<1024xi32>
    %iota3A = tpu.iota {dimensions = array<i32: 1>} : vector<1024x120xi32>
    %broadcast_in_dim3A = vector.shape_cast %get3A_0 : vector<1024xi32> to vector<1024x1xi32>
    %eq3A = vector.broadcast %broadcast_in_dim3A : vector<1024x1xi32> to vector<1024x120xi32>
    %eq3A_3 = arith.cmpi eq, %iota3A, %eq3A : vector<1024x120xi32>
    %convert_element_type3A = arith.extui %eq3A_3 : vector<1024x120xi1> to vector<1024x120xi32>
    %convert_element_type3A_4 = arith.sitofp %convert_element_type3A : vector<1024x120xi32> to vector<1024x120xf32>
    %iota3A_5 = tpu.iota {dimensions = array<i32: 1>} : vector<1024x3xi32>
    %broadcast_in_dim3A_6 = vector.shape_cast %get3A_2 : vector<1024xi32> to vector<1024x1xi32>
    %eq3A_7 = vector.broadcast %broadcast_in_dim3A_6 : vector<1024x1xi32> to vector<1024x3xi32>
    %eq3A_8 = arith.cmpi eq, %iota3A_5, %eq3A_7 : vector<1024x3xi32>
    %convert_element_type3A_9 = arith.extui %eq3A_8 : vector<1024x3xi1> to vector<1024x3xi32>
    %convert_element_type3A_10 = arith.sitofp %convert_element_type3A_9 : vector<1024x3xi32> to vector<1024x3xf32>
    %get3A_11 = arith.constant 0 : index
    %get3A_12 = arith.constant 0 : index
    %get3A_13 = vector.load %arg3[%get3A_11, %get3A_12] : memref<120x300xf32, #tpu.memory_space<vmem>>, vector<120x300xf32>
    %dot_general3A = arith.constant dense<0.000000e+00> : vector<1024x300xf32>
    %dot_general3A_14 = tpu.matmul %convert_element_type3A_4, %get3A_13, %dot_general3A {dimension_numbers = #tpu.dot_dimension_numbers<[1], [0], [0], [1], [0, 0, 1, 1], [], []>, transpose_lhs_hint = false} : vector<1024x120xf32>, vector<120x300xf32>, vector<1024x300xf32> -> vector<1024x300xf32>
    %get3A_15 = arith.constant 0 : index
    %get3A_16 = arith.constant 0 : index
    %get3A_17 = vector.load %arg4[%get3A_15, %get3A_16] : memref<3x300xf32, #tpu.memory_space<vmem>>, vector<3x300xf32>
    %dot_general3A_18 = arith.constant dense<0.000000e+00> : vector<1024x300xf32>
    %dot_general3A_19 = tpu.matmul %convert_element_type3A_10, %get3A_17, %dot_general3A_18 {dimension_numbers = #tpu.dot_dimension_numbers<[1], [0], [0], [1], [0, 0, 1, 1], [], []>, transpose_lhs_hint = false} : vector<1024x3xf32>, vector<3x300xf32>, vector<1024x300xf32> -> vector<1024x300xf32>
    %add3A = arith.addf %dot_general3A_14, %dot_general3A_19 : vector<1024x300xf32>
    %slice3A = vector.extract_strided_slice %add3A {offsets = [0, 0], sizes = [1024, 80], strides = [1, 1]} : vector<1024x300xf32> to vector<1024x80xf32>
    %slice3A_20 = vector.extract_strided_slice %add3A {offsets = [0, 80], sizes = [1024, 80], strides = [1, 1]} : vector<1024x300xf32> to vector<1024x80xf32>
    %slice3A_21 = vector.extract_strided_slice %add3A {offsets = [0, 160], sizes = [1024, 80], strides = [1, 1]} : vector<1024x300xf32> to vector<1024x80xf32>
    %slice3A_22 = vector.extract_strided_slice %add3A {offsets = [0, 240], sizes = [1024, 60], strides = [1, 1]} : vector<1024x300xf32> to vector<1024x60xf32>
    %broadcast_in_dim3A_23 = arith.constant 0.000000e+00 : f32
    %broadcast_in_dim3A_24 = vector.broadcast %broadcast_in_dim3A_23 : f32 to vector<1024x20xf32>
    %concatenate3A = tpu.concatenate %slice3A_22, %broadcast_in_dim3A_24 in 1 : vector<1024x60xf32>, vector<1024x20xf32> -> vector<1024x80xf32>
    %stack3A = vector.shape_cast %slice3A : vector<1024x80xf32> to vector<1x1024x80xf32>
    %stack3A_25 = vector.shape_cast %slice3A_20 : vector<1024x80xf32> to vector<1x1024x80xf32>
    %stack3A_26 = vector.shape_cast %slice3A_21 : vector<1024x80xf32> to vector<1x1024x80xf32>
    %stack3A_27 = vector.shape_cast %concatenate3A : vector<1024x80xf32> to vector<1x1024x80xf32>
    %stack3A_28 = tpu.concatenate %stack3A, %stack3A_25, %stack3A_26, %stack3A_27 in 0 : vector<1x1024x80xf32>, vector<1x1024x80xf32>, vector<1x1024x80xf32>, vector<1x1024x80xf32> -> vector<4x1024x80xf32>
    %swap3A = arith.constant 0 : index
    %swap3A_29 = arith.constant 0 : index
    %swap3A_30 = arith.constant 0 : index
    %swap3A_31 = vector.load %arg5[%swap3A, %swap3A_29, %swap3A_30] : memref<4x1024x80xf32, #tpu.memory_space<vmem>>, vector<4x1024x80xf32>
    tpu.vector_store %arg5[%swap3A, %swap3A_29, %swap3A_30], %stack3A_28 {strides = array<i32>} : memref<4x1024x80xf32, #tpu.memory_space<vmem>>, vector<4x1024x80xf32>,
    return
  }
  func.func @transform_0(%arg0: i32) -> i32 {
    %c0_i32 = arith.constant 0 : i32
    return %arg0 : i32
  }
  func.func @transform_1(%arg0: i32) -> i32 {
    %c0_i32 = arith.constant 0 : i32
    return %arg0 : i32
  }
  func.func @transform_2(%arg0: i32) -> (i32, i32) {
    %c0_i32 = arith.constant 0 : i32
    %c0_i32_0 = arith.constant 0 : i32
    %c0_i32_1 = arith.constant 0 : i32
    return %c0_i32, %c0_i32_0 : i32, i32
  }
  func.func @transform_3(%arg0: i32) -> (i32, i32) {
    %c0_i32 = arith.constant 0 : i32
    %c0_i32_0 = arith.constant 0 : i32
    %c0_i32_1 = arith.constant 0 : i32
    return %c0_i32, %c0_i32_0 : i32, i32
  }
  func.func @transform_4(%arg0: i32) -> (i32, i32, i32) {
    %c0_i32 = arith.constant 0 : i32
    %c0_i32_0 = arith.constant 0 : i32
    %c0_i32_1 = arith.constant 0 : i32
    return %c0_i32, %arg0, %c0_i32_0 : i32, i32, i32
  }
}

module attributes {stable_mosaic.version = 14 : i64} {
  func.func @_mlp_body(%arg0: i32, %arg1: memref<4x1024x80xf32, #tpu.memory_space<vmem>>, %arg2: memref<4x1024x80xf32, #tpu.memory_space<vmem>>, %arg3: memref<2x1024x32xf32, #tpu.memory_space<vmem>>, %arg4: memref<32x300xf32, #tpu.memory_space<vmem>>, %arg5: memref<300x600xf32, #tpu.memory_space<vmem>>, %arg6: memref<1x600xf32, #tpu.memory_space<vmem>>, %arg7: memref<600x300xf32, #tpu.memory_space<vmem>>, %arg8: memref<1x300xf32, #tpu.memory_space<vmem>>, %arg9: memref<1x300xf32, #tpu.memory_space<vmem>>, %arg10: memref<1x300xf32, #tpu.memory_space<vmem>>, %arg11: memref<4x1024x80xf32, #tpu.memory_space<vmem>>) attributes {dimension_semantics = [#tpu.dimension_semantics<arbitrary>], iteration_bounds = array<i64: 10>, scalar_prefetch = 0 : i64, scratch_operands = 0 : i64, tpu.core_type = #tpu.core_type<tc>, window_params = [{transform_indices = @transform_0, window_bounds = array<i64: 4, 1024, 80>}, {transform_indices = @transform_1, window_bounds = array<i64: 4, 1024, 80>}, {transform_indices = @transform_2, window_bounds = array<i64: 2, 1024, 32>}, {pipeline_mode = #tpu.pipeline_mode<synchronous>, transform_indices = @transform_3, window_bounds = array<i64: 32, 300>}, {pipeline_mode = #tpu.pipeline_mode<synchronous>, transform_indices = @transform_4, window_bounds = array<i64: 300, 600>}, {pipeline_mode = #tpu.pipeline_mode<synchronous>, transform_indices = @transform_5, window_bounds = array<i64: 1, 600>}, {pipeline_mode = #tpu.pipeline_mode<synchronous>, transform_indices = @transform_6, window_bounds = array<i64: 600, 300>}, {pipeline_mode = #tpu.pipeline_mode<synchronous>, transform_indices = @transform_7, window_bounds = array<i64: 1, 300>}, {pipeline_mode = #tpu.pipeline_mode<synchronous>, transform_indices = @transform_8, window_bounds = array<i64: 1, 300>}, {pipeline_mode = #tpu.pipeline_mode<synchronous>, transform_indices = @transform_9, window_bounds = array<i64: 1, 300>}, {transform_indices = @transform_10, window_bounds = array<i64: 4, 1024, 80>}]} {
    %get3A = arith.constant 0 : index
    %get3A_0 = arith.constant 0 : index
    %get3A_1 = arith.constant 0 : index
    %get3A_2 = vector.load %arg1[%get3A, %get3A_0, %get3A_1] : memref<4x1024x80xf32, #tpu.memory_space<vmem>>, vector<1x1024x80xf32>
    %get3A_3 = vector.shape_cast %get3A_2 : vector<1x1024x80xf32> to vector<1024x80xf32>
    %get3A_4 = arith.constant 1 : index
    %get3A_5 = arith.constant 0 : index
    %get3A_6 = arith.constant 0 : index
    %get3A_7 = vector.load %arg1[%get3A_4, %get3A_5, %get3A_6] : memref<4x1024x80xf32, #tpu.memory_space<vmem>>, vector<1x1024x80xf32>
    %get3A_8 = vector.shape_cast %get3A_7 : vector<1x1024x80xf32> to vector<1024x80xf32>
    %get3A_9 = arith.constant 2 : index
    %get3A_10 = arith.constant 0 : index
    %get3A_11 = arith.constant 0 : index
    %get3A_12 = vector.load %arg1[%get3A_9, %get3A_10, %get3A_11] : memref<4x1024x80xf32, #tpu.memory_space<vmem>>, vector<1x1024x80xf32>
    %get3A_13 = vector.shape_cast %get3A_12 : vector<1x1024x80xf32> to vector<1024x80xf32>
    %get3A_14 = arith.constant 3 : index
    %get3A_15 = arith.constant 0 : index
    %get3A_16 = arith.constant 0 : index
    %get3A_17 = vector.load %arg1[%get3A_14, %get3A_15, %get3A_16] : memref<4x1024x80xf32, #tpu.memory_space<vmem>>, vector<1x1024x80xf32>
    %get3A_18 = vector.shape_cast %get3A_17 : vector<1x1024x80xf32> to vector<1024x80xf32>
    %slice3A = vector.extract_strided_slice %get3A_18 {offsets = [0, 0], sizes = [1024, 60], strides = [1, 1]} : vector<1024x80xf32> to vector<1024x60xf32>
    %concatenate3A = tpu.concatenate %get3A_3, %get3A_8, %get3A_13, %slice3A in 1 : vector<1024x80xf32>, vector<1024x80xf32>, vector<1024x80xf32>, vector<1024x60xf32> -> vector<1024x300xf32>
    %get3A_19 = arith.constant 0 : index
    %get3A_20 = arith.constant 0 : index
    %get3A_21 = arith.constant 0 : index
    %get3A_22 = vector.load %arg2[%get3A_19, %get3A_20, %get3A_21] : memref<4x1024x80xf32, #tpu.memory_space<vmem>>, vector<1x1024x80xf32>
    %get3A_23 = vector.shape_cast %get3A_22 : vector<1x1024x80xf32> to vector<1024x80xf32>
    %get3A_24 = arith.constant 1 : index
    %get3A_25 = arith.constant 0 : index
    %get3A_26 = arith.constant 0 : index
    %get3A_27 = vector.load %arg2[%get3A_24, %get3A_25, %get3A_26] : memref<4x1024x80xf32, #tpu.memory_space<vmem>>, vector<1x1024x80xf32>
    %get3A_28 = vector.shape_cast %get3A_27 : vector<1x1024x80xf32> to vector<1024x80xf32>
    %get3A_29 = arith.constant 2 : index
    %get3A_30 = arith.constant 0 : index
    %get3A_31 = arith.constant 0 : index
    %get3A_32 = vector.load %arg2[%get3A_29, %get3A_30, %get3A_31] : memref<4x1024x80xf32, #tpu.memory_space<vmem>>, vector<1x1024x80xf32>
    %get3A_33 = vector.shape_cast %get3A_32 : vector<1x1024x80xf32> to vector<1024x80xf32>
    %get3A_34 = arith.constant 3 : index
    %get3A_35 = arith.constant 0 : index
    %get3A_36 = arith.constant 0 : index
    %get3A_37 = vector.load %arg2[%get3A_34, %get3A_35, %get3A_36] : memref<4x1024x80xf32, #tpu.memory_space<vmem>>, vector<1x1024x80xf32>
    %get3A_38 = vector.shape_cast %get3A_37 : vector<1x1024x80xf32> to vector<1024x80xf32>
    %slice3A_39 = vector.extract_strided_slice %get3A_38 {offsets = [0, 0], sizes = [1024, 60], strides = [1, 1]} : vector<1024x80xf32> to vector<1024x60xf32>
    %concatenate3A_40 = tpu.concatenate %get3A_23, %get3A_28, %get3A_33, %slice3A_39 in 1 : vector<1024x80xf32>, vector<1024x80xf32>, vector<1024x80xf32>, vector<1024x60xf32> -> vector<1024x300xf32>
    %get3A_41 = arith.constant 0 : index
    %get3A_42 = arith.constant 0 : index
    %get3A_43 = arith.constant 0 : index
    %get3A_44 = vector.load %arg3[%get3A_41, %get3A_42, %get3A_43] : memref<2x1024x32xf32, #tpu.memory_space<vmem>>, vector<1x1024x32xf32>
    %get3A_45 = vector.shape_cast %get3A_44 : vector<1x1024x32xf32> to vector<1024x32xf32>
    %get3A_46 = arith.constant 1 : index
    %get3A_47 = arith.constant 0 : index
    %get3A_48 = arith.constant 0 : index
    %get3A_49 = vector.load %arg3[%get3A_46, %get3A_47, %get3A_48] : memref<2x1024x32xf32, #tpu.memory_space<vmem>>, vector<1x1024x32xf32>
    %get3A_50 = vector.shape_cast %get3A_49 : vector<1x1024x32xf32> to vector<1024x32xf32>
    %add3A = arith.addf %get3A_45, %get3A_50 : vector<1024x32xf32>
    %get3A_51 = arith.constant 0 : index
    %get3A_52 = arith.constant 0 : index
    %get3A_53 = vector.load %arg4[%get3A_51, %get3A_52] : memref<32x300xf32, #tpu.memory_space<vmem>>, vector<32x300xf32>
    %add3A_54 = arith.addf %concatenate3A, %concatenate3A_40 : vector<1024x300xf32>
    %dot_general3A = arith.constant dense<0.000000e+00> : vector<1024x300xf32>
    %dot_general3A_55 = tpu.matmul %add3A, %get3A_53, %dot_general3A {dimension_numbers = #tpu.dot_dimension_numbers<[1], [0], [0], [1], [0, 0, 1, 1], [], []>, transpose_lhs_hint = false} : vector<1024x32xf32>, vector<32x300xf32>, vector<1024x300xf32> -> vector<1024x300xf32>
    %add3A_56 = arith.addf %add3A_54, %dot_general3A_55 : vector<1024x300xf32>
    %slice3A_57 = vector.extract_strided_slice %get3A_53 {offsets = [12, 0], sizes = [1, 300], strides = [1, 1]} : vector<32x300xf32> to vector<1x300xf32>
    %add3A_58 = vector.broadcast %slice3A_57 : vector<1x300xf32> to vector<1024x300xf32>
    %add3A_59 = arith.addf %add3A_56, %add3A_58 : vector<1024x300xf32>
    %get3A_60 = arith.constant 0 : index
    %get3A_61 = arith.constant 0 : index
    %get3A_62 = vector.load %arg5[%get3A_60, %get3A_61] : memref<300x600xf32, #tpu.memory_space<vmem>>, vector<300x600xf32>
    %dot_general3A_63 = arith.constant dense<0.000000e+00> : vector<1024x600xf32>
    %dot_general3A_64 = tpu.matmul %add3A_59, %get3A_62, %dot_general3A_63 {dimension_numbers = #tpu.dot_dimension_numbers<[1], [0], [0], [1], [0, 0, 1, 1], [], []>, transpose_lhs_hint = false} : vector<1024x300xf32>, vector<300x600xf32>, vector<1024x600xf32> -> vector<1024x600xf32>
    %get3A_65 = arith.constant 0 : index
    %get3A_66 = arith.constant 0 : index
    %get3A_67 = vector.load %arg6[%get3A_65, %get3A_66] : memref<1x600xf32, #tpu.memory_space<vmem>>, vector<1x600xf32>
    %add3A_68 = vector.broadcast %get3A_67 : vector<1x600xf32> to vector<1024x600xf32>
    %add3A_69 = arith.addf %dot_general3A_64, %add3A_68 : vector<1024x600xf32>
    %max3A = arith.constant 0.000000e+00 : f32
    %max3A_70 = vector.broadcast %max3A : f32 to vector<1024x600xf32>
    %max3A_71 = arith.maximumf %add3A_69, %max3A_70 : vector<1024x600xf32>
    %get3A_72 = arith.constant 0 : index
    %get3A_73 = arith.constant 0 : index
    %get3A_74 = vector.load %arg7[%get3A_72, %get3A_73] : memref<600x300xf32, #tpu.memory_space<vmem>>, vector<600x300xf32>
    %dot_general3A_75 = arith.constant dense<0.000000e+00> : vector<1024x300xf32>
    %dot_general3A_76 = tpu.matmul %max3A_71, %get3A_74, %dot_general3A_75 {dimension_numbers = #tpu.dot_dimension_numbers<[1], [0], [0], [1], [0, 0, 1, 1], [], []>, transpose_lhs_hint = false} : vector<1024x600xf32>, vector<600x300xf32>, vector<1024x300xf32> -> vector<1024x300xf32>
    %get3A_77 = arith.constant 0 : index
    %get3A_78 = arith.constant 0 : index
    %get3A_79 = vector.load %arg8[%get3A_77, %get3A_78] : memref<1x300xf32, #tpu.memory_space<vmem>>, vector<1x300xf32>
    %add3A_80 = vector.broadcast %get3A_79 : vector<1x300xf32> to vector<1024x300xf32>
    %add3A_81 = arith.addf %dot_general3A_76, %add3A_80 : vector<1024x300xf32>
    %get3A_82 = arith.constant 0 : index
    %get3A_83 = arith.constant 0 : index
    %get3A_84 = vector.load %arg9[%get3A_82, %get3A_83] : memref<1x300xf32, #tpu.memory_space<vmem>>, vector<1x300xf32>
    %sqrt3A = arith.constant 1.000010e+00 : f32
    %sqrt3A_85 = math.sqrt %sqrt3A : f32
    %div3A = arith.constant 1.000000e+00 : f32
    %div3A_86 = arith.divf %div3A, %sqrt3A_85 : f32
    %mul3A = vector.broadcast %div3A_86 : f32 to vector<1x300xf32>
    %mul3A_87 = arith.mulf %get3A_84, %mul3A : vector<1x300xf32>
    %mul3A_88 = vector.broadcast %mul3A_87 : vector<1x300xf32> to vector<1024x300xf32>
    %mul3A_89 = arith.mulf %add3A_81, %mul3A_88 : vector<1024x300xf32>
    %get3A_90 = arith.constant 0 : index
    %get3A_91 = arith.constant 0 : index
    %get3A_92 = vector.load %arg10[%get3A_90, %get3A_91] : memref<1x300xf32, #tpu.memory_space<vmem>>, vector<1x300xf32>
    %add3A_93 = vector.broadcast %get3A_92 : vector<1x300xf32> to vector<1024x300xf32>
    %add3A_94 = arith.addf %mul3A_89, %add3A_93 : vector<1024x300xf32>
    %max3A_95 = arith.constant 0.000000e+00 : f32
    %max3A_96 = vector.broadcast %max3A_95 : f32 to vector<1024x300xf32>
    %max3A_97 = arith.maximumf %add3A_94, %max3A_96 : vector<1024x300xf32>
    %slice3A_98 = vector.extract_strided_slice %max3A_97 {offsets = [0, 0], sizes = [1024, 80], strides = [1, 1]} : vector<1024x300xf32> to vector<1024x80xf32>
    %slice3A_99 = vector.extract_strided_slice %max3A_97 {offsets = [0, 80], sizes = [1024, 80], strides = [1, 1]} : vector<1024x300xf32> to vector<1024x80xf32>
    %slice3A_100 = vector.extract_strided_slice %max3A_97 {offsets = [0, 160], sizes = [1024, 80], strides = [1, 1]} : vector<1024x300xf32> to vector<1024x80xf32>
    %slice3A_101 = vector.extract_strided_slice %max3A_97 {offsets = [0, 240], sizes = [1024, 60], strides = [1, 1]} : vector<1024x300xf32> to vector<1024x60xf32>
    %broadcast_in_dim3A = arith.constant 0.000000e+00 : f32
    %broadcast_in_dim3A_102 = vector.broadcast %broadcast_in_dim3A : f32 to vector<1024x20xf32>
    %concatenate3A_103 = tpu.concatenate %slice3A_101, %broadcast_in_dim3A_102 in 1 : vector<1024x60xf32>, vector<1024x20xf32> -> vector<1024x80xf32>
    %stack3A = vector.shape_cast %slice3A_98 : vector<1024x80xf32> to vector<1x1024x80xf32>
    %stack3A_104 = vector.shape_cast %slice3A_99 : vector<1024x80xf32> to vector<1x1024x80xf32>
    %stack3A_105 = vector.shape_cast %slice3A_100 : vector<1024x80xf32> to vector<1x1024x80xf32>
    %stack3A_106 = vector.shape_cast %concatenate3A_103 : vector<1024x80xf32> to vector<1x1024x80xf32>
    %stack3A_107 = tpu.concatenate %stack3A, %stack3A_104, %stack3A_105, %stack3A_106 in 0 : vector<1x1024x80xf32>, vector<1x1024x80xf32>, vector<1x1024x80xf32>, vector<1x1024x80xf32> -> vector<4x1024x80xf32>
    %swap3A = arith.constant 0 : index
    %swap3A_108 = arith.constant 0 : index
    %swap3A_109 = arith.constant 0 : index
    %swap3A_110 = vector.load %arg11[%swap3A, %swap3A_108, %swap3A_109] : memref<4x1024x80xf32, #tpu.memory_space<vmem>>, vector<4x1024x80xf32>
    tpu.vector_store %arg11[%swap3A, %swap3A_108, %swap3A_109], %stack3A_107 {strides = array<i32>} : memref<4x1024x80xf32, #tpu.memory_space<vmem>>, vector<4x1024x80xf32>,
    return
  }
  func.func @transform_0(%arg0: i32) -> (i32, i32, i32) {
    %c0_i32 = arith.constant 0 : i32
    %c0_i32_0 = arith.constant 0 : i32
    %c0_i32_1 = arith.constant 0 : i32
    return %c0_i32, %arg0, %c0_i32_0 : i32, i32, i32
  }
  func.func @transform_1(%arg0: i32) -> (i32, i32, i32) {
    %c0_i32 = arith.constant 0 : i32
    %c0_i32_0 = arith.constant 0 : i32
    %c0_i32_1 = arith.constant 0 : i32
    return %c0_i32, %arg0, %c0_i32_0 : i32, i32, i32
  }
  func.func @transform_2(%arg0: i32) -> (i32, i32, i32) {
    %c0_i32 = arith.constant 0 : i32
    %c0_i32_0 = arith.constant 0 : i32
    %c0_i32_1 = arith.constant 0 : i32
    return %c0_i32, %arg0, %c0_i32_0 : i32, i32, i32
  }
  func.func @transform_3(%arg0: i32) -> (i32, i32) {
    %c0_i32 = arith.constant 0 : i32
    %c0_i32_0 = arith.constant 0 : i32
    %c0_i32_1 = arith.constant 0 : i32
    return %c0_i32, %c0_i32_0 : i32, i32
  }
  func.func @transform_4(%arg0: i32) -> (i32, i32) {
    %c0_i32 = arith.constant 0 : i32
    %c0_i32_0 = arith.constant 0 : i32
    %c0_i32_1 = arith.constant 0 : i32
    return %c0_i32, %c0_i32_0 : i32, i32
  }
  func.func @transform_5(%arg0: i32) -> (i32, i32) {
    %c0_i32 = arith.constant 0 : i32
    %c0_i32_0 = arith.constant 0 : i32
    %c0_i32_1 = arith.constant 0 : i32
    return %c0_i32, %c0_i32_0 : i32, i32
  }
  func.func @transform_6(%arg0: i32) -> (i32, i32) {
    %c0_i32 = arith.constant 0 : i32
    %c0_i32_0 = arith.constant 0 : i32
    %c0_i32_1 = arith.constant 0 : i32
    return %c0_i32, %c0_i32_0 : i32, i32
  }
  func.func @transform_7(%arg0: i32) -> (i32, i32) {
    %c0_i32 = arith.constant 0 : i32
    %c0_i32_0 = arith.constant 0 : i32
    %c0_i32_1 = arith.constant 0 : i32
    return %c0_i32, %c0_i32_0 : i32, i32
  }
  func.func @transform_8(%arg0: i32) -> (i32, i32) {
    %c0_i32 = arith.constant 0 : i32
    %c0_i32_0 = arith.constant 0 : i32
    %c0_i32_1 = arith.constant 0 : i32
    return %c0_i32, %c0_i32_0 : i32, i32
  }
  func.func @transform_9(%arg0: i32) -> (i32, i32) {
    %c0_i32 = arith.constant 0 : i32
    %c0_i32_0 = arith.constant 0 : i32
    %c0_i32_1 = arith.constant 0 : i32
    return %c0_i32, %c0_i32_0 : i32, i32
  }
  func.func @transform_10(%arg0: i32) -> (i32, i32, i32) {
    %c0_i32 = arith.constant 0 : i32
    %c0_i32_0 = arith.constant 0 : i32
    %c0_i32_1 = arith.constant 0 : i32
    return %c0_i32, %arg0, %c0_i32_0 : i32, i32, i32
  }
}

module attributes {stable_mosaic.version = 14 : i64} {
  func.func @_mlp_body(%arg0: i32, %arg1: memref<4x1024x80xf32, #tpu.memory_space<vmem>>, %arg2: memref<4x1024x80xf32, #tpu.memory_space<vmem>>, %arg3: memref<2x1024x32xf32, #tpu.memory_space<vmem>>, %arg4: memref<32x300xf32, #tpu.memory_space<vmem>>, %arg5: memref<300x600xf32, #tpu.memory_space<vmem>>, %arg6: memref<1x600xf32, #tpu.memory_space<vmem>>, %arg7: memref<600x300xf32, #tpu.memory_space<vmem>>, %arg8: memref<1x300xf32, #tpu.memory_space<vmem>>, %arg9: memref<1x300xf32, #tpu.memory_space<vmem>>, %arg10: memref<1x300xf32, #tpu.memory_space<vmem>>, %arg11: memref<4x1024x80xf32, #tpu.memory_space<vmem>>) attributes {dimension_semantics = [#tpu.dimension_semantics<arbitrary>], iteration_bounds = array<i64: 10>, scalar_prefetch = 0 : i64, scratch_operands = 0 : i64, tpu.core_type = #tpu.core_type<tc>, window_params = [{transform_indices = @transform_0, window_bounds = array<i64: 4, 1024, 80>}, {transform_indices = @transform_1, window_bounds = array<i64: 4, 1024, 80>}, {transform_indices = @transform_2, window_bounds = array<i64: 2, 1024, 32>}, {pipeline_mode = #tpu.pipeline_mode<synchronous>, transform_indices = @transform_3, window_bounds = array<i64: 32, 300>}, {pipeline_mode = #tpu.pipeline_mode<synchronous>, transform_indices = @transform_4, window_bounds = array<i64: 300, 600>}, {pipeline_mode = #tpu.pipeline_mode<synchronous>, transform_indices = @transform_5, window_bounds = array<i64: 1, 600>}, {pipeline_mode = #tpu.pipeline_mode<synchronous>, transform_indices = @transform_6, window_bounds = array<i64: 600, 300>}, {pipeline_mode = #tpu.pipeline_mode<synchronous>, transform_indices = @transform_7, window_bounds = array<i64: 1, 300>}, {pipeline_mode = #tpu.pipeline_mode<synchronous>, transform_indices = @transform_8, window_bounds = array<i64: 1, 300>}, {pipeline_mode = #tpu.pipeline_mode<synchronous>, transform_indices = @transform_9, window_bounds = array<i64: 1, 300>}, {transform_indices = @transform_10, window_bounds = array<i64: 4, 1024, 80>}]} {
    %get3A = arith.constant 0 : index
    %get3A_0 = arith.constant 0 : index
    %get3A_1 = arith.constant 0 : index
    %get3A_2 = vector.load %arg1[%get3A, %get3A_0, %get3A_1] : memref<4x1024x80xf32, #tpu.memory_space<vmem>>, vector<1x1024x80xf32>
    %get3A_3 = vector.shape_cast %get3A_2 : vector<1x1024x80xf32> to vector<1024x80xf32>
    %get3A_4 = arith.constant 1 : index
    %get3A_5 = arith.constant 0 : index
    %get3A_6 = arith.constant 0 : index
    %get3A_7 = vector.load %arg1[%get3A_4, %get3A_5, %get3A_6] : memref<4x1024x80xf32, #tpu.memory_space<vmem>>, vector<1x1024x80xf32>
    %get3A_8 = vector.shape_cast %get3A_7 : vector<1x1024x80xf32> to vector<1024x80xf32>
    %get3A_9 = arith.constant 2 : index
    %get3A_10 = arith.constant 0 : index
    %get3A_11 = arith.constant 0 : index
    %get3A_12 = vector.load %arg1[%get3A_9, %get3A_10, %get3A_11] : memref<4x1024x80xf32, #tpu.memory_space<vmem>>, vector<1x1024x80xf32>
    %get3A_13 = vector.shape_cast %get3A_12 : vector<1x1024x80xf32> to vector<1024x80xf32>
    %get3A_14 = arith.constant 3 : index
    %get3A_15 = arith.constant 0 : index
    %get3A_16 = arith.constant 0 : index
    %get3A_17 = vector.load %arg1[%get3A_14, %get3A_15, %get3A_16] : memref<4x1024x80xf32, #tpu.memory_space<vmem>>, vector<1x1024x80xf32>
    %get3A_18 = vector.shape_cast %get3A_17 : vector<1x1024x80xf32> to vector<1024x80xf32>
    %slice3A = vector.extract_strided_slice %get3A_18 {offsets = [0, 0], sizes = [1024, 60], strides = [1, 1]} : vector<1024x80xf32> to vector<1024x60xf32>
    %concatenate3A = tpu.concatenate %get3A_3, %get3A_8, %get3A_13, %slice3A in 1 : vector<1024x80xf32>, vector<1024x80xf32>, vector<1024x80xf32>, vector<1024x60xf32> -> vector<1024x300xf32>
    %get3A_19 = arith.constant 0 : index
    %get3A_20 = arith.constant 0 : index
    %get3A_21 = arith.constant 0 : index
    %get3A_22 = vector.load %arg2[%get3A_19, %get3A_20, %get3A_21] : memref<4x1024x80xf32, #tpu.memory_space<vmem>>, vector<1x1024x80xf32>
    %get3A_23 = vector.shape_cast %get3A_22 : vector<1x1024x80xf32> to vector<1024x80xf32>
    %get3A_24 = arith.constant 1 : index
    %get3A_25 = arith.constant 0 : index
    %get3A_26 = arith.constant 0 : index
    %get3A_27 = vector.load %arg2[%get3A_24, %get3A_25, %get3A_26] : memref<4x1024x80xf32, #tpu.memory_space<vmem>>, vector<1x1024x80xf32>
    %get3A_28 = vector.shape_cast %get3A_27 : vector<1x1024x80xf32> to vector<1024x80xf32>
    %get3A_29 = arith.constant 2 : index
    %get3A_30 = arith.constant 0 : index
    %get3A_31 = arith.constant 0 : index
    %get3A_32 = vector.load %arg2[%get3A_29, %get3A_30, %get3A_31] : memref<4x1024x80xf32, #tpu.memory_space<vmem>>, vector<1x1024x80xf32>
    %get3A_33 = vector.shape_cast %get3A_32 : vector<1x1024x80xf32> to vector<1024x80xf32>
    %get3A_34 = arith.constant 3 : index
    %get3A_35 = arith.constant 0 : index
    %get3A_36 = arith.constant 0 : index
    %get3A_37 = vector.load %arg2[%get3A_34, %get3A_35, %get3A_36] : memref<4x1024x80xf32, #tpu.memory_space<vmem>>, vector<1x1024x80xf32>
    %get3A_38 = vector.shape_cast %get3A_37 : vector<1x1024x80xf32> to vector<1024x80xf32>
    %slice3A_39 = vector.extract_strided_slice %get3A_38 {offsets = [0, 0], sizes = [1024, 60], strides = [1, 1]} : vector<1024x80xf32> to vector<1024x60xf32>
    %concatenate3A_40 = tpu.concatenate %get3A_23, %get3A_28, %get3A_33, %slice3A_39 in 1 : vector<1024x80xf32>, vector<1024x80xf32>, vector<1024x80xf32>, vector<1024x60xf32> -> vector<1024x300xf32>
    %get3A_41 = arith.constant 0 : index
    %get3A_42 = arith.constant 0 : index
    %get3A_43 = arith.constant 0 : index
    %get3A_44 = vector.load %arg3[%get3A_41, %get3A_42, %get3A_43] : memref<2x1024x32xf32, #tpu.memory_space<vmem>>, vector<1x1024x32xf32>
    %get3A_45 = vector.shape_cast %get3A_44 : vector<1x1024x32xf32> to vector<1024x32xf32>
    %get3A_46 = arith.constant 1 : index
    %get3A_47 = arith.constant 0 : index
    %get3A_48 = arith.constant 0 : index
    %get3A_49 = vector.load %arg3[%get3A_46, %get3A_47, %get3A_48] : memref<2x1024x32xf32, #tpu.memory_space<vmem>>, vector<1x1024x32xf32>
    %get3A_50 = vector.shape_cast %get3A_49 : vector<1x1024x32xf32> to vector<1024x32xf32>
    %add3A = arith.addf %get3A_45, %get3A_50 : vector<1024x32xf32>
    %get3A_51 = arith.constant 0 : index
    %get3A_52 = arith.constant 0 : index
    %get3A_53 = vector.load %arg4[%get3A_51, %get3A_52] : memref<32x300xf32, #tpu.memory_space<vmem>>, vector<32x300xf32>
    %add3A_54 = arith.addf %concatenate3A, %concatenate3A_40 : vector<1024x300xf32>
    %dot_general3A = arith.constant dense<0.000000e+00> : vector<1024x300xf32>
    %dot_general3A_55 = tpu.matmul %add3A, %get3A_53, %dot_general3A {dimension_numbers = #tpu.dot_dimension_numbers<[1], [0], [0], [1], [0, 0, 1, 1], [], []>, transpose_lhs_hint = false} : vector<1024x32xf32>, vector<32x300xf32>, vector<1024x300xf32> -> vector<1024x300xf32>
    %add3A_56 = arith.addf %add3A_54, %dot_general3A_55 : vector<1024x300xf32>
    %slice3A_57 = vector.extract_strided_slice %get3A_53 {offsets = [12, 0], sizes = [1, 300], strides = [1, 1]} : vector<32x300xf32> to vector<1x300xf32>
    %add3A_58 = vector.broadcast %slice3A_57 : vector<1x300xf32> to vector<1024x300xf32>
    %add3A_59 = arith.addf %add3A_56, %add3A_58 : vector<1024x300xf32>
    %get3A_60 = arith.constant 0 : index
    %get3A_61 = arith.constant 0 : index
    %get3A_62 = vector.load %arg5[%get3A_60, %get3A_61] : memref<300x600xf32, #tpu.memory_space<vmem>>, vector<300x600xf32>
    %dot_general3A_63 = arith.constant dense<0.000000e+00> : vector<1024x600xf32>
    %dot_general3A_64 = tpu.matmul %add3A_59, %get3A_62, %dot_general3A_63 {dimension_numbers = #tpu.dot_dimension_numbers<[1], [0], [0], [1], [0, 0, 1, 1], [], []>, transpose_lhs_hint = false} : vector<1024x300xf32>, vector<300x600xf32>, vector<1024x600xf32> -> vector<1024x600xf32>
    %get3A_65 = arith.constant 0 : index
    %get3A_66 = arith.constant 0 : index
    %get3A_67 = vector.load %arg6[%get3A_65, %get3A_66] : memref<1x600xf32, #tpu.memory_space<vmem>>, vector<1x600xf32>
    %add3A_68 = vector.broadcast %get3A_67 : vector<1x600xf32> to vector<1024x600xf32>
    %add3A_69 = arith.addf %dot_general3A_64, %add3A_68 : vector<1024x600xf32>
    %max3A = arith.constant 0.000000e+00 : f32
    %max3A_70 = vector.broadcast %max3A : f32 to vector<1024x600xf32>
    %max3A_71 = arith.maximumf %add3A_69, %max3A_70 : vector<1024x600xf32>
    %get3A_72 = arith.constant 0 : index
    %get3A_73 = arith.constant 0 : index
    %get3A_74 = vector.load %arg7[%get3A_72, %get3A_73] : memref<600x300xf32, #tpu.memory_space<vmem>>, vector<600x300xf32>
    %dot_general3A_75 = arith.constant dense<0.000000e+00> : vector<1024x300xf32>
    %dot_general3A_76 = tpu.matmul %max3A_71, %get3A_74, %dot_general3A_75 {dimension_numbers = #tpu.dot_dimension_numbers<[1], [0], [0], [1], [0, 0, 1, 1], [], []>, transpose_lhs_hint = false} : vector<1024x600xf32>, vector<600x300xf32>, vector<1024x300xf32> -> vector<1024x300xf32>
    %get3A_77 = arith.constant 0 : index
    %get3A_78 = arith.constant 0 : index
    %get3A_79 = vector.load %arg8[%get3A_77, %get3A_78] : memref<1x300xf32, #tpu.memory_space<vmem>>, vector<1x300xf32>
    %add3A_80 = vector.broadcast %get3A_79 : vector<1x300xf32> to vector<1024x300xf32>
    %add3A_81 = arith.addf %dot_general3A_76, %add3A_80 : vector<1024x300xf32>
    %get3A_82 = arith.constant 0 : index
    %get3A_83 = arith.constant 0 : index
    %get3A_84 = vector.load %arg9[%get3A_82, %get3A_83] : memref<1x300xf32, #tpu.memory_space<vmem>>, vector<1x300xf32>
    %sqrt3A = arith.constant 1.000010e+00 : f32
    %sqrt3A_85 = math.sqrt %sqrt3A : f32
    %div3A = arith.constant 1.000000e+00 : f32
    %div3A_86 = arith.divf %div3A, %sqrt3A_85 : f32
    %mul3A = vector.broadcast %div3A_86 : f32 to vector<1x300xf32>
    %mul3A_87 = arith.mulf %get3A_84, %mul3A : vector<1x300xf32>
    %mul3A_88 = vector.broadcast %mul3A_87 : vector<1x300xf32> to vector<1024x300xf32>
    %mul3A_89 = arith.mulf %add3A_81, %mul3A_88 : vector<1024x300xf32>
    %get3A_90 = arith.constant 0 : index
    %get3A_91 = arith.constant 0 : index
    %get3A_92 = vector.load %arg10[%get3A_90, %get3A_91] : memref<1x300xf32, #tpu.memory_space<vmem>>, vector<1x300xf32>
    %add3A_93 = vector.broadcast %get3A_92 : vector<1x300xf32> to vector<1024x300xf32>
    %add3A_94 = arith.addf %mul3A_89, %add3A_93 : vector<1024x300xf32>
    %slice3A_95 = vector.extract_strided_slice %add3A_94 {offsets = [0, 0], sizes = [1024, 80], strides = [1, 1]} : vector<1024x300xf32> to vector<1024x80xf32>
    %slice3A_96 = vector.extract_strided_slice %add3A_94 {offsets = [0, 80], sizes = [1024, 80], strides = [1, 1]} : vector<1024x300xf32> to vector<1024x80xf32>
    %slice3A_97 = vector.extract_strided_slice %add3A_94 {offsets = [0, 160], sizes = [1024, 80], strides = [1, 1]} : vector<1024x300xf32> to vector<1024x80xf32>
    %slice3A_98 = vector.extract_strided_slice %add3A_94 {offsets = [0, 240], sizes = [1024, 60], strides = [1, 1]} : vector<1024x300xf32> to vector<1024x60xf32>
    %broadcast_in_dim3A = arith.constant 0.000000e+00 : f32
    %broadcast_in_dim3A_99 = vector.broadcast %broadcast_in_dim3A : f32 to vector<1024x20xf32>
    %concatenate3A_100 = tpu.concatenate %slice3A_98, %broadcast_in_dim3A_99 in 1 : vector<1024x60xf32>, vector<1024x20xf32> -> vector<1024x80xf32>
    %stack3A = vector.shape_cast %slice3A_95 : vector<1024x80xf32> to vector<1x1024x80xf32>
    %stack3A_101 = vector.shape_cast %slice3A_96 : vector<1024x80xf32> to vector<1x1024x80xf32>
    %stack3A_102 = vector.shape_cast %slice3A_97 : vector<1024x80xf32> to vector<1x1024x80xf32>
    %stack3A_103 = vector.shape_cast %concatenate3A_100 : vector<1024x80xf32> to vector<1x1024x80xf32>
    %stack3A_104 = tpu.concatenate %stack3A, %stack3A_101, %stack3A_102, %stack3A_103 in 0 : vector<1x1024x80xf32>, vector<1x1024x80xf32>, vector<1x1024x80xf32>, vector<1x1024x80xf32> -> vector<4x1024x80xf32>
    %swap3A = arith.constant 0 : index
    %swap3A_105 = arith.constant 0 : index
    %swap3A_106 = arith.constant 0 : index
    %swap3A_107 = vector.load %arg11[%swap3A, %swap3A_105, %swap3A_106] : memref<4x1024x80xf32, #tpu.memory_space<vmem>>, vector<4x1024x80xf32>
    tpu.vector_store %arg11[%swap3A, %swap3A_105, %swap3A_106], %stack3A_104 {strides = array<i32>} : memref<4x1024x80xf32, #tpu.memory_space<vmem>>, vector<4x1024x80xf32>,
    return
  }
  func.func @transform_0(%arg0: i32) -> (i32, i32, i32) {
    %c0_i32 = arith.constant 0 : i32
    %c0_i32_0 = arith.constant 0 : i32
    %c0_i32_1 = arith.constant 0 : i32
    return %c0_i32, %arg0, %c0_i32_0 : i32, i32, i32
  }
  func.func @transform_1(%arg0: i32) -> (i32, i32, i32) {
    %c0_i32 = arith.constant 0 : i32
    %c0_i32_0 = arith.constant 0 : i32
    %c0_i32_1 = arith.constant 0 : i32
    return %c0_i32, %arg0, %c0_i32_0 : i32, i32, i32
  }
  func.func @transform_2(%arg0: i32) -> (i32, i32, i32) {
    %c0_i32 = arith.constant 0 : i32
    %c0_i32_0 = arith.constant 0 : i32
    %c0_i32_1 = arith.constant 0 : i32
    return %c0_i32, %arg0, %c0_i32_0 : i32, i32, i32
  }
  func.func @transform_3(%arg0: i32) -> (i32, i32) {
    %c0_i32 = arith.constant 0 : i32
    %c0_i32_0 = arith.constant 0 : i32
    %c0_i32_1 = arith.constant 0 : i32
    return %c0_i32, %c0_i32_0 : i32, i32
  }
  func.func @transform_4(%arg0: i32) -> (i32, i32) {
    %c0_i32 = arith.constant 0 : i32
    %c0_i32_0 = arith.constant 0 : i32
    %c0_i32_1 = arith.constant 0 : i32
    return %c0_i32, %c0_i32_0 : i32, i32
  }
  func.func @transform_5(%arg0: i32) -> (i32, i32) {
    %c0_i32 = arith.constant 0 : i32
    %c0_i32_0 = arith.constant 0 : i32
    %c0_i32_1 = arith.constant 0 : i32
    return %c0_i32, %c0_i32_0 : i32, i32
  }
  func.func @transform_6(%arg0: i32) -> (i32, i32) {
    %c0_i32 = arith.constant 0 : i32
    %c0_i32_0 = arith.constant 0 : i32
    %c0_i32_1 = arith.constant 0 : i32
    return %c0_i32, %c0_i32_0 : i32, i32
  }
  func.func @transform_7(%arg0: i32) -> (i32, i32) {
    %c0_i32 = arith.constant 0 : i32
    %c0_i32_0 = arith.constant 0 : i32
    %c0_i32_1 = arith.constant 0 : i32
    return %c0_i32, %c0_i32_0 : i32, i32
  }
  func.func @transform_8(%arg0: i32) -> (i32, i32) {
    %c0_i32 = arith.constant 0 : i32
    %c0_i32_0 = arith.constant 0 : i32
    %c0_i32_1 = arith.constant 0 : i32
    return %c0_i32, %c0_i32_0 : i32, i32
  }
  func.func @transform_9(%arg0: i32) -> (i32, i32) {
    %c0_i32 = arith.constant 0 : i32
    %c0_i32_0 = arith.constant 0 : i32
    %c0_i32_1 = arith.constant 0 : i32
    return %c0_i32, %c0_i32_0 : i32, i32
  }
  func.func @transform_10(%arg0: i32) -> (i32, i32, i32) {
    %c0_i32 = arith.constant 0 : i32
    %c0_i32_0 = arith.constant 0 : i32
    %c0_i32_1 = arith.constant 0 : i32
    return %c0_i32, %arg0, %c0_i32_0 : i32, i32, i32
  }
}

module attributes {stable_mosaic.version = 14 : i64} {
  func.func @_pool_body(%arg0: i32, %arg1: memref<4x1024x80xf32, #tpu.memory_space<vmem>>, %arg2: memref<1024xi32, #tpu.memory_space<vmem>>, %arg3: memref<300x256xf32, #tpu.memory_space<vmem>>, %arg4: memref<1x256xf32, #tpu.memory_space<vmem>>, %arg5: memref<256x256xf32, #tpu.memory_space<vmem>>, %arg6: memref<256x304xf32, #tpu.memory_space<vmem>>) attributes {dimension_semantics = [#tpu.dimension_semantics<arbitrary>], iteration_bounds = array<i64: 10>, scalar_prefetch = 0 : i64, scratch_operands = 1 : i64, tpu.core_type = #tpu.core_type<tc>, window_params = [{transform_indices = @transform_0, window_bounds = array<i64: 4, 1024, 80>}, {transform_indices = @transform_1, window_bounds = array<i64: 1024>}, {pipeline_mode = #tpu.pipeline_mode<synchronous>, transform_indices = @transform_2, window_bounds = array<i64: 300, 256>}, {pipeline_mode = #tpu.pipeline_mode<synchronous>, transform_indices = @transform_3, window_bounds = array<i64: 1, 256>}, {pipeline_mode = #tpu.pipeline_mode<synchronous>, transform_indices = @transform_4, window_bounds = array<i64: 256, 256>}]} {
    %get3A = arith.constant 0 : index
    %get3A_0 = arith.constant 0 : index
    %get3A_1 = arith.constant 0 : index
    %get3A_2 = vector.load %arg1[%get3A, %get3A_0, %get3A_1] : memref<4x1024x80xf32, #tpu.memory_space<vmem>>, vector<1x1024x80xf32>
    %get3A_3 = vector.shape_cast %get3A_2 : vector<1x1024x80xf32> to vector<1024x80xf32>
    %get3A_4 = arith.constant 1 : index
    %get3A_5 = arith.constant 0 : index
    %get3A_6 = arith.constant 0 : index
    %get3A_7 = vector.load %arg1[%get3A_4, %get3A_5, %get3A_6] : memref<4x1024x80xf32, #tpu.memory_space<vmem>>, vector<1x1024x80xf32>
    %get3A_8 = vector.shape_cast %get3A_7 : vector<1x1024x80xf32> to vector<1024x80xf32>
    %get3A_9 = arith.constant 2 : index
    %get3A_10 = arith.constant 0 : index
    %get3A_11 = arith.constant 0 : index
    %get3A_12 = vector.load %arg1[%get3A_9, %get3A_10, %get3A_11] : memref<4x1024x80xf32, #tpu.memory_space<vmem>>, vector<1x1024x80xf32>
    %get3A_13 = vector.shape_cast %get3A_12 : vector<1x1024x80xf32> to vector<1024x80xf32>
    %get3A_14 = arith.constant 3 : index
    %get3A_15 = arith.constant 0 : index
    %get3A_16 = arith.constant 0 : index
    %get3A_17 = vector.load %arg1[%get3A_14, %get3A_15, %get3A_16] : memref<4x1024x80xf32, #tpu.memory_space<vmem>>, vector<1x1024x80xf32>
    %get3A_18 = vector.shape_cast %get3A_17 : vector<1x1024x80xf32> to vector<1024x80xf32>
    %slice3A = vector.extract_strided_slice %get3A_18 {offsets = [0, 0], sizes = [1024, 60], strides = [1, 1]} : vector<1024x80xf32> to vector<1024x60xf32>
    %concatenate3A = tpu.concatenate %get3A_3, %get3A_8, %get3A_13, %slice3A in 1 : vector<1024x80xf32>, vector<1024x80xf32>, vector<1024x80xf32>, vector<1024x60xf32> -> vector<1024x300xf32>
    %broadcast_in_dim3A = arith.constant 1.000000e+00 : f32
    %broadcast_in_dim3A_19 = vector.broadcast %broadcast_in_dim3A : f32 to vector<1024x4xf32>
    %concatenate3A_20 = tpu.concatenate %concatenate3A, %broadcast_in_dim3A_19 in 1 : vector<1024x300xf32>, vector<1024x4xf32> -> vector<1024x304xf32>
    %iota3A = tpu.iota {dimensions = array<i32: 1>} : vector<1024x256xi32>
    %get3A_21 = arith.constant 0 : index
    %get3A_22 = vector.load %arg2[%get3A_21] : memref<1024xi32, #tpu.memory_space<vmem>>, vector<1024xi32>
    %broadcast_in_dim3A_23 = vector.shape_cast %get3A_22 : vector<1024xi32> to vector<1024x1xi32>
    %eq3A = vector.broadcast %broadcast_in_dim3A_23 : vector<1024x1xi32> to vector<1024x256xi32>
    %eq3A_24 = arith.cmpi eq, %iota3A, %eq3A : vector<1024x256xi32>
    %convert_element_type3A = arith.extui %eq3A_24 : vector<1024x256xi1> to vector<1024x256xi32>
    %convert_element_type3A_25 = arith.sitofp %convert_element_type3A : vector<1024x256xi32> to vector<1024x256xf32>
    %dot_general3A = arith.constant dense<0.000000e+00> : vector<256x304xf32>
    %dot_general3A_26 = tpu.matmul %convert_element_type3A_25, %concatenate3A_20, %dot_general3A {dimension_numbers = #tpu.dot_dimension_numbers<[0], [0], [1], [1], [0, 1, 1, 1], [], []>, transpose_lhs_hint = false} : vector<1024x256xf32>, vector<1024x304xf32>, vector<256x304xf32> -> vector<256x304xf32>
    %eq3A_27 = arith.constant 0 : i32
    %eq3A_28 = arith.cmpi eq, %arg0, %eq3A_27 : i32
    %convert_element_type3A_29 = arith.extui %eq3A_28 : i1 to i32
    %cond3A = arith.constant 0 : i32
    %cond3A_30 = arith.cmpi ne, %convert_element_type3A_29, %cond3A : i32
    scf.if %cond3A_30 {
      %swap3A = arith.constant 0 : index
      %swap3A_40 = arith.constant 0 : index
      %swap3A_41 = vector.load %arg6[%swap3A, %swap3A_40] : memref<256x304xf32, #tpu.memory_space<vmem>>, vector<256x304xf32>
      tpu.vector_store %arg6[%swap3A, %swap3A_40], %dot_general3A_26 {strides = array<i32>} : memref<256x304xf32, #tpu.memory_space<vmem>>, vector<256x304xf32>,
    } else {
    }
    %gt3A = arith.constant 0 : i32
    %gt3A_31 = arith.cmpi sgt, %arg0, %gt3A : i32
    %convert_element_type3A_32 = arith.extui %gt3A_31 : i1 to i32
    %cond3A_33 = arith.constant 0 : i32
    %cond3A_34 = arith.cmpi ne, %convert_element_type3A_32, %cond3A_33 : i32
    scf.if %cond3A_34 {
      %get3A_40 = arith.constant 0 : index
      %get3A_41 = arith.constant 0 : index
      %get3A_42 = vector.load %arg6[%get3A_40, %get3A_41] : memref<256x304xf32, #tpu.memory_space<vmem>>, vector<256x304xf32>
      %add3A = arith.addf %get3A_42, %dot_general3A_26 : vector<256x304xf32>
      %swap3A = arith.constant 0 : index
      %swap3A_43 = arith.constant 0 : index
      %swap3A_44 = vector.load %arg6[%swap3A, %swap3A_43] : memref<256x304xf32, #tpu.memory_space<vmem>>, vector<256x304xf32>
      tpu.vector_store %arg6[%swap3A, %swap3A_43], %add3A {strides = array<i32>} : memref<256x304xf32, #tpu.memory_space<vmem>>, vector<256x304xf32>,
    } else {
    }
    %eq3A_35 = arith.constant 9 : i32
    %eq3A_36 = arith.cmpi eq, %arg0, %eq3A_35 : i32
    %convert_element_type3A_37 = arith.extui %eq3A_36 : i1 to i32
    %cond3A_38 = arith.constant 0 : i32
    %cond3A_39 = arith.cmpi ne, %convert_element_type3A_37, %cond3A_38 : i32
    scf.if %cond3A_39 {
      %get3A_40 = arith.constant 0 : index
      %get3A_41 = arith.constant 0 : index
      %get3A_42 = vector.load %arg6[%get3A_40, %get3A_41] : memref<256x304xf32, #tpu.memory_space<vmem>>, vector<256x304xf32>
      %slice3A_43 = vector.extract_strided_slice %get3A_42 {offsets = [0, 0], sizes = [256, 300], strides = [1, 1]} : vector<256x304xf32> to vector<256x300xf32>
      %slice3A_44 = vector.extract_strided_slice %get3A_42 {offsets = [0, 300], sizes = [256, 1], strides = [1, 1]} : vector<256x304xf32> to vector<256x1xf32>
      %jit3A = arith.constant 1.000000e+00 : f32
      %max3A = vector.broadcast %jit3A : f32 to vector<256x1xf32>
      %max3A_45 = arith.maximumf %max3A, %slice3A_44 : vector<256x1xf32>
      %div3A = vector.broadcast %max3A_45 : vector<256x1xf32> to vector<256x300xf32>
      %div3A_46 = arith.divf %slice3A_43, %div3A : vector<256x300xf32>
      %get3A_47 = arith.constant 0 : index
      %get3A_48 = arith.constant 0 : index
      %get3A_49 = vector.load %arg3[%get3A_47, %get3A_48] : memref<300x256xf32, #tpu.memory_space<vmem>>, vector<300x256xf32>
      %dot_general3A_50 = arith.constant dense<0.000000e+00> : vector<256x256xf32>
      %dot_general3A_51 = tpu.matmul %div3A_46, %get3A_49, %dot_general3A_50 {dimension_numbers = #tpu.dot_dimension_numbers<[1], [0], [0], [1], [0, 0, 1, 1], [], []>, transpose_lhs_hint = false} : vector<256x300xf32>, vector<300x256xf32>, vector<256x256xf32> -> vector<256x256xf32>
      %get3A_52 = arith.constant 0 : index
      %get3A_53 = arith.constant 0 : index
      %get3A_54 = vector.load %arg4[%get3A_52, %get3A_53] : memref<1x256xf32, #tpu.memory_space<vmem>>, vector<1x256xf32>
      %add3A = vector.broadcast %get3A_54 : vector<1x256xf32> to vector<256x256xf32>
      %add3A_55 = arith.addf %dot_general3A_51, %add3A : vector<256x256xf32>
      %swap3A = arith.constant 0 : index
      %swap3A_56 = arith.constant 0 : index
      %swap3A_57 = vector.load %arg5[%swap3A, %swap3A_56] : memref<256x256xf32, #tpu.memory_space<vmem>>, vector<256x256xf32>
      tpu.vector_store %arg5[%swap3A, %swap3A_56], %add3A_55 {strides = array<i32>} : memref<256x256xf32, #tpu.memory_space<vmem>>, vector<256x256xf32>,
    } else {
    }
    return
  }
  func.func @transform_0(%arg0: i32) -> (i32, i32, i32) {
    %c0_i32 = arith.constant 0 : i32
    %c0_i32_0 = arith.constant 0 : i32
    %c0_i32_1 = arith.constant 0 : i32
    return %c0_i32, %arg0, %c0_i32_0 : i32, i32, i32
  }
  func.func @transform_1(%arg0: i32) -> i32 {
    %c0_i32 = arith.constant 0 : i32
    return %arg0 : i32
  }
  func.func @transform_2(%arg0: i32) -> (i32, i32) {
    %c0_i32 = arith.constant 0 : i32
    %c0_i32_0 = arith.constant 0 : i32
    %c0_i32_1 = arith.constant 0 : i32
    return %c0_i32, %c0_i32_0 : i32, i32
  }
  func.func @transform_3(%arg0: i32) -> (i32, i32) {
    %c0_i32 = arith.constant 0 : i32
    %c0_i32_0 = arith.constant 0 : i32
    %c0_i32_1 = arith.constant 0 : i32
    return %c0_i32, %c0_i32_0 : i32, i32
  }
  func.func @transform_4(%arg0: i32) -> (i32, i32) {
    %c0_i32 = arith.constant 0 : i32
    %c0_i32_0 = arith.constant 0 : i32
    %c0_i32_1 = arith.constant 0 : i32
    return %c0_i32, %c0_i32_0 : i32, i32
  }
}

</mosaic_0001>

<sc_bundles>
// kernel: kernel.15.cloned.1.call-start
scs
__scs_entry_jumppad:
0x0: {  	(pc) =	sbr.rel $0x88, $3  }
0x1: {  	(tag) =	ssettag $0x0;
	lr =	simm.s32 $0x1  }
0x2: {  	[smem:$0x3F91] =	sst lr;
	_ =	strace $0xD0000000  }
0x3: {  	_ = 	snop  }
0x4: {  	_ = 	snop  }
0x5: {  	_ = 	snop  }
0x6: {  	_ = 	snop  }
0x7: {  	_ = 	snop  }
__scs_overlays_trampoline_lowered:
0x8: {  	[smem:$0x3FA0] =	sst s0  }
0x9: {  	[smem:$0x3FA1] =	sst s1  }
0xa: {  	[smem:$0x3FA2] =	sst s2  }
0xb: {  	[smem:$0x3FA3] =	sst s3  }
0xc: {  	[smem:$0x3FA4] =	sst s4  }
0xd: {  	[smem:$0x3FA5] =	sst s5  }
0xe: {  	[smem:$0x3FA6] =	sst s6  }
0xf: {  	[smem:$0x3FA7] =	sst s7  }
0x10: {  	[smem:$0x3FA8] =	sst s8  }
0x11: {  	[smem:$0x3FA9] =	sst s9;
	s0 =	simm.s32 @!p0 $0x0  }
0x12: {  	s1 =	sld [smem:$0x3F8F];
	s0 =	simm.s32 @p0 $0x1  }
0x13: {  	[smem:$0x3FAA] =	sst s0;
	s0 =	simm.s32 @!p1 $0x0  }
0x14: {  	s2 =	sld [smem:$0x3F8E];
	s0 =	simm.s32 @p1 $0x1  }
0x15: {  	[smem:$0x3FAB] =	sst s0;
	s0 =	simm.s32 @!p2 $0x0  }
0x16: {  	s3 =	sld [smem:$0x3FDB];
	s0 =	simm.s32 @p2 $0x1  }
0x17: {  	s4 =	simm.s32 $0x1BF5;
	[smem:$0x3FAD] =	sst s0  }
0x18: {  	s0 =	sld [smem:$0x3F90];
	_ =	swait.ge [sflag:s4], $0x0  }
0x19: {  	s7 =	sld [smem:$0x3F91]  }
0x1a: {  	s8 =	sadd.s32 $0xFFFFE003, lr  }
0x1b: {  	s9 =	sadd.s32 $0xFFFFFEF7, lr;
	s5 =	simm.s32 $0xFFFFFFFF;
	p2 =	slt.u32 s8, $0xFFFFF086  }
0x1c: {  	p1 =	slt.u32 s9, $0xF7A;
	s5 =	simm.s32 @!p2 $0x0  }
0x1d: {  	s5 =	simm.s32 @p1 $0x1;
	p0 =	seq.s32 s7, s2  }
0x1e: {  	s7 =	smul.u32 @!p0 $0xF7A, s2;
	p2 =	seq.s32 @!p0 s5, $0x0  }
0x1f: {  	s9 =	smul.u32 $0xF7A, s1;
	s8 =	simm.s32 @!p0 $0x1BF5;
	p2 =	por !p2, p0  }
0x20: {  	[sflag:s8] =	ssyncset.s32 @!p0 $0xFFFFF086;
	s6 =	sadd.s32 @!p0 s3, s7;
	s7 =	simm.s32 @!p0 $0x108  }
0x21: {  	s3 =	sadd.s32 s3, s9;
	s6 =	sadd.s32 @!p0 $0x88, s6;
	s7 =	simm.s32 @p2 $0x1082  }
0x22: {  	[simem:s7], [sflag:s8] =	dma.local @!p0 [hbm:s6], $0xF7A  }
0x23: {  	s9 =	sor.u32 $0xD0000000, s2;
	s6 =	simm.s32 $0x108;
	_ =	swait.ge @!p0 [sflag:s8], $0x0  }
0x24: {  	s3 =	sadd.s32 $0x88, s3;
	s6 =	simm.s32 @!p1 $0x1082;
	[sflag:s4] =	ssyncset.s32 $0xFFFFF086  }
0x25: {  	[simem:s6], [sflag:s4] =	dma.local [hbm:s3], $0xF7A  }
0x26: {  	[smem:$0x3F91] =	sst s1;
	(tag) =	ssettag s2;
	_ =	strace s9  }
0x27: {  	s1 =	sld [smem:$0x3FA1]  }
0x28: {  	s2 =	sld [smem:$0x3FA2]  }
0x29: {  	s4 =	sld [smem:$0x3FA4]  }
0x2a: {  	p0 =	seq.s32 s5, $0x0;
	s5 =	sld [smem:$0x3FA5]  }
0x2b: {  	s6 =	sld [smem:$0x3FA6]  }
0x2c: {  	s7 =	sld [smem:$0x3FA7]  }
0x2d: {  	s3 =	simm.s32 $0x108;
	s8 =	sld [smem:$0x3FA8]  }
0x2e: {  	s3 =	simm.s32 @!p0 $0x1082;
	s9 =	sld [smem:$0x3FA9]  }
0x2f: {  	lr =	sadd.s32 s0, s3;
	s0 =	sld [smem:$0x3FA0]  }
0x30: {  	s3 =	sld [smem:$0x3FA3]  }
0x31: {  	[smem:$0x3FAC] =	sst s10  }
0x32: {  	s10 =	sld [smem:$0x3FAA];
	_ =	sdelay $0x3  }
0x33: {  	p0 =	seq.s32 s10, $0x1;
	s10 =	sld [smem:$0x3FAC];
	_ =	sdelay $0x3  }
0x34: {  	[smem:$0x3FAC] =	sst s10  }
0x35: {  	s10 =	sld [smem:$0x3FAB];
	_ =	sdelay $0x3  }
0x36: {  	p1 =	seq.s32 s10, $0x1;
	s10 =	sld [smem:$0x3FAC];
	_ =	sdelay $0x3  }
0x37: {  	[smem:$0x3FAC] =	sst s10  }
0x38: {  	s10 =	sld [smem:$0x3FAD]  }
0x39: {  	_ = 	snop;
	(pc) =	sbr.ind lr, $3  }
0x3a: {  	_ = 	snop  }
0x3b: {  	_ = 	snop  }
0x3c: {  	p2 =	seq.s32 s10, $0x1;
	s10 =	sld [smem:$0x3FAC]  }
0x3d: {  	_ =	shalt  }
0x3e: {  	_ =	shalt  }
0x3f: {  	_ =	shalt  }
0x40: {  	_ =	shalt  }
0x41: {  	_ =	shalt  }
0x42: {  	_ =	shalt  }
0x43: {  	_ =	shalt  }
0x44: {  	_ =	shalt  }
0x45: {  	_ =	shalt  }
0x46: {  	_ =	shalt  }
0x47: {  	_ =	shalt  }
0x48: {  	_ =	shalt  }
0x49: {  	_ =	shalt  }
0x4a: {  	_ =	shalt  }
0x4b: {  	_ =	shalt  }
0x4c: {  	_ =	shalt  }
0x4d: {  	_ =	shalt  }
0x4e: {  	_ =	shalt  }
0x4f: {  	_ =	shalt  }
0x50: {  	_ =	shalt  }
0x51: {  	_ =	shalt  }
0x52: {  	_ =	shalt  }
0x53: {  	_ =	shalt  }
0x54: {  	_ =	shalt  }
0x55: {  	_ =	shalt  }
0x56: {  	_ =	shalt  }
0x57: {  	_ =	shalt  }
0x58: {  	_ =	shalt  }
0x59: {  	_ =	shalt  }
0x5a: {  	_ =	shalt  }
0x5b: {  	_ =	shalt  }
0x5c: {  	_ =	shalt  }
0x5d: {  	_ =	shalt  }
0x5e: {  	_ =	shalt  }
0x5f: {  	_ =	shalt  }
0x60: {  	_ =	shalt  }
0x61: {  	_ =	shalt  }
0x62: {  	_ =	shalt  }
0x63: {  	_ =	shalt  }
0x64: {  	_ =	shalt  }
0x65: {  	_ =	shalt  }
0x66: {  	_ =	shalt  }
0x67: {  	_ =	shalt  }
0x68: {  	_ =	shalt  }
0x69: {  	_ =	shalt  }
0x6a: {  	_ =	shalt  }
0x6b: {  	_ =	shalt  }
0x6c: {  	_ =	shalt  }
0x6d: {  	_ =	shalt  }
0x6e: {  	_ =	shalt  }
0x6f: {  	_ =	shalt  }
0x70: {  	_ =	shalt  }
0x71: {  	_ =	shalt  }
0x72: {  	_ =	shalt  }
0x73: {  	_ =	shalt  }
0x74: {  	_ =	shalt  }
0x75: {  	_ =	shalt  }
0x76: {  	_ =	shalt  }
0x77: {  	_ =	shalt  }
0x78: {  	_ =	shalt  }
0x79: {  	_ =	shalt  }
0x7a: {  	_ =	shalt  }
0x7b: {  	_ =	shalt  }
0x7c: {  	_ =	shalt  }
0x7d: {  	_ =	shalt  }
0x7e: {  	_ =	shalt  }
0x7f: {  	_ =	shalt  }
0x80: {  	_ =	shalt  }
0x81: {  	_ =	shalt  }
0x82: {  	_ =	shalt  }
0x83: {  	_ =	shalt  }
0x84: {  	_ =	shalt  }
0x85: {  	_ =	shalt  }
0x86: {  	_ =	shalt  }
0x87: {  	_ =	shalt  }
.Lfunc_end0:
.L_simem_size_0:
called_computation_lowered:
.L_overlay_start_0:
0x88: {  	s2 =	sld [smem:$0x3FD9]  }
0x89: {  	s3 =	sld [smem:$0x3FFE];
	_ =	sdelay $0x1  }
0x8a: {  	s1 =	srdreg.scid  }
0x8b: {  	s0 =	sand.u32 $0x1, s1  }
0x8c: {  	s17 =	sshll.u32 s0, $0xA;
	s2 =	sadd.s32 s3, s2  }
0x8d: {  	s2 =	sadd.s32 s2, s17  }
0x8e: {  	[smem:$0x3FB8] =	sst s2  }
0x8f: {  	_ = 	snop  }
0x90: {  	(tm) =	ssettm $0x1  }
0x91: {  	s18 =	sld [smem:$0x3FFB];
	_ =	sdelay $0x3  }
0x92: {  	_ =	strace s18  }
0x93: {  	s2 =	sld [smem:$0x3FFC];
	_ =	sdelay $0x3  }
0x94: {  	_ =	strace s2  }
0x95: {  	s2 =	sld [smem:$0x3FFD];
	_ =	sdelay $0x3  }
0x96: {  	_ =	strace s2  }
0x97: {  	_ =	strace $0x8FFFFFFF  }
0x98: {  	s19 =	sld [smem:$0x3FDB];
	_ =	sdelay $0x1  }
0x99: {  	s20 =	simm.s32 $_scs_section_size  }
0x9a: {  	s4 =	simm.s32 $_size__tile_overlayer_lowered;
	s5 =	simm.s32 $_tile_overlayer_lowered  }
0x9b: {  	s6 =	simm.s32 $0x1BFF;
	s21 =	sshll.u32 s5, $0x1;
	s3 =	sadd.s32 s20, s19  }
0x9c: {  	s22 =	simm.s32 $0x0;
	s4 =	sshll.u32 s4, $0x1;
	s5 =	sadd.s32 s21, s3  }
0x9d: {  	[timem:s22], [sflag:s6] =	dma.local [hbm:s5], s4  }
0x9e: {  	_ =	swait.ge [sflag:s6], s4  }
0x9f: {  	s4 =	ssub.s32 $0x0, s4;
	[sflag:s6] =	ssyncset.done $0x0  }
0xa0: {  	[sflag:s6] =	ssyncadd.s32 s4;
	_ =	sdelay $0x1  }
0xa1: {  	s23 =	simm.s32 $0x1B8B  }
0xa2: {  	_ =	swait.ge [sflag:s23], $0x1  }
0xa3: {  	[sflag:s23] =	ssyncset.done $0x0  }
0xa4: {  	[sflag:s23] =	ssyncadd.s32 $0xFFFFFFFF  }
0xa5: {  	s4 =	sld [smem:$0x0]  }
0xa6: {  	s5 =	sand.u32 $0xFFFFFFFE, s1  }
0xa7: {  	p0 =	sne.s32 s1, s5  }
0xa8: {  	s5 =	sshll.u32 @p0 s5, $0xE  }
0xa9: {  	s5 =	sadd.s32 @p0 $0x11B8D, s5;
	s6 =	sshll.u32 @p0 s4, $0x11  }
0xaa: {  	s5 =	sor.u32 @p0 s6, s5  }
0xab: {  	[sflag:s5] =	ssyncadd.remote.s32 @p0 $0x1;
	_ =	sdelay $0x1  }
0xac: {  	s5 =	simm.s32 @p0 $0x1B8D  }
0xad: {  	_ =	swait.eq @p0 [sflag:s5], $0x1  }
0xae: {  	[sflag:s5] =	ssyncadd.s32 @p0 $0xFFFFFFFF  }
0xaf: {  	s6 =	sshll.u32 @!p0 s1, $0xE  }
0xb0: {  	s6 =	sor.u32 @!p0 $0x4000, s6;
	s5 =	simm.s32 @!p0 $0x1B8D  }
0xb1: {  	s4 =	sshll.u32 @!p0 s4, $0x11;
	s6 =	sadd.s32 @!p0 $0x11B8D, s6;
	_ =	swait.eq @!p0 [sflag:s5], $0x1  }
0xb2: {  	s4 =	sor.u32 @!p0 s4, s6;
	[sflag:s5] =	ssyncadd.s32 @!p0 $0xFFFFFFFF  }
0xb3: {  	s25 =	simm.s32 $0x1B8E;
	s24 =	sld [smem:$0x3FFE];
	[sflag:s4] =	ssyncadd.remote.s32 @!p0 $0x1  }
0xb4: {  	s26 =	simm.s32 $execute0_lowered;
	[smem:$0x3FD2] =	sst s25  }
0xb5: {  	s5 =	sshll.u32 s26, $0x1;
	_ =	strace $0x80000049;
	[dreg:$0x1] =	wrdreg $0xFFFFFFFF  }
0xb6: {  	s28 =	simm.s32 $_size_execute0_lowered;
	s3 =	sadd.s32 s3, s5;
	[dreg:$0x0] =	wrdreg $0x0  }
0xb7: {  	s5 =	sshll.u32 s28, $0x1;
	[dreg:$0x2] =	wrdreg s3  }
0xb8: {  	[dreg:$0x3] =	wrdreg s5  }
0xb9: {  	[dreg:$0x4] =	wrdreg $0xC0  }
0xba: {  	_ =	task [dreg:s22], $0x5FFFF  }
0xbb: {  	[dreg:$0x1] =	wrdreg $0xFFFFFFFF  }
0xbc: {  	[dreg:$0x0] =	wrdreg $0x60  }
0xbd: {  	[dreg:$0x2] =	wrdreg s24  }
0xbe: {  	[dreg:$0x3] =	wrdreg $0x9  }
0xbf: {  	_ =	task.clear_ibuf [dreg:s22], $0x4FFFF;
	_ =	strace $0x90000049  }
0xc0: {  	s29 =	simm.s32 $0x9;
	_ =	strace $0x8000004B  }
0xc1: {  	_ =	swait.ge [sflag:s29], $0x1  }
0xc2: {  	[sflag:s29] =	ssyncadd.s32 $0xFFFFFFFF  }
0xc3: {  	_ =	strace $0x9000004B  }
0xc4: {  	_ =	sfence  }
0xc5: {  	s30 =	sld [smem:$0x0];
	_ =	sdelay $0x2  }
0xc6: {  	s31 =	sshll.u32 s1, $0xD;
	s1 =	sshrl.u32 s1, $0x2  }
0xc7: {  	s4 =	sand.u32 $0x4000, s31;
	s1 =	sadd.s32 s1, s30  }
0xc8: {  	s0 =	sor.u32 s4, s0;
	s1 =	sshll.u32 s1, $0x11  }
0xc9: {  	s0 =	sor.u32 s1, s0  }
0xca: {  	s0 =	sadd.s32 $0x8F2B, s0  }
0xcb: {  	[sflag:s0] =	ssyncadd.remote.s32 $0x1  }
0xcc: {  	_ =	sfence.sel $0xFFFF  }
0xcd: {  	[dreg:$0x0] =	wrdreg $0xFFFFFFFF;
	(pc) =	sbr.abs _section_cstart, $3  }
0xce: {  	[dreg:$0x1] =	wrdreg $0xFFFFFFFF  }
0xcf: {  	_ =	task.clear_ibuf [dreg:s22], $0x2FFFF;
	_ =	strace $0x9FFFFFFF  }
0xd0: {  	(tm) =	ssettm $0x7FFFFFFF  }
0xd1: {  	_ =	shalt  }
tec
execute0_lowered:
.L_overlay_start_1:
0x0: {  	(tag) =	ssettag $0x1  }
0x1: {  	s1 =	srdreg.scid;
	s0 =	stileid.u32  }
0x2: {  	s5 =	rddreg [dreg:$0x0];
	s2 =	simm.s32 $0x0;
	s11 =	simm.s32 $0x0  }
0x3: {  	s6 =	sand.u32 $0x1, s1;
	s7 =	smul.u32 $0x280, s0;
	s1 =	rddreg [dreg:$0x1]  }
0x4: {  	[smem:$0x7FF] =	sst s2;
	s3 =	smul.u32 $0x2800, s6;
	s9 =	ssub.s32 $0x2, s6  }
0x5: {  	_ =	strace $0x8000004A;
	s31 =	sshrl.u32 s9, $0x1;
	s10 =	sadd.s32 $0x280, s7  }
0x6: {  	s4 =	sadd.s32 s7, s3;
	s3 =	sadd.s32 $0x108400, s5;
	s9 =	ssub.s32 s9, s31  }
0x7: {  	v1 =	vmov s10;
	s10 =	simm.s32 $0x4000;
	s8 =	sshll.u32 s4, $0x2;
	s4 =	sadd.s32 $0x185400, s5  }
0x8: {  	v0 =	vmov s7;
	s7 =	smax.u32 s9, $0x1;
	s9 =	simm.s32 $0x2000;
	s8 =	sadd.s32 s8, s5  }
0x9: {  	v2 =	vimm.f32 $0.0e+00;
	v3 =	vimm.f32 $1.000000000e+00;
	s5 =	smul.u32 $0xA, s6;
	s6 =	sadd.s32 $0x18A400, s8;
	s8 =	simm.s32 $0x1  }
.LBB2_1:
0xa: {  	s12 =	simm.s32 $0x40;
	s13 =	simm.s32 $0x0  }
.LBB2_2:
0xb: {  	p0 =	sne.s32 s12, $0x13FC0;
	[tilespmem:s13+$0x4000] =	vst v2;
	s13 =	smov.u32 s12;
	s12 =	sadd.s32 $0x40, s12  }
.Ltmp0:
0xc: {  	(pc) =	sbr.rel @p0 .LBB2_2-.Ltmp0, $2  }
0xd: {  	_ =	sdelay $0x2  }
0xe: {  	s13 =	sshra.s32 s13, $0x2  }
0xf: {  	[tilespmem:s13+$0x4000] =	vst v2;
	s12 =	simm.s32 $0x0;
	s13 =	simm.s32 $0x0  }
.LBB2_4:
0x10: {  	s14 =	sadd.s32 s5, s13  }
0x11: {  	s14 =	sshll.u32 s14, $0xA  }
0x12: {  	s15 =	sadd.s32 s3, s14  }
0x13: {  	[tilespmem:s12], [sflag:$0x1] =	stream.linear.gather [hbm4b:s15+s12], $0x2000, $0x38;
	[tilespmem:$0x9000] =	vst v63  }
0x14: {  	_ =	swait.ge [sflag:s8], $0x2000  }
0x15: {  	[sflag:s8] =	ssyncset.done $0x0  }
0x16: {  	s14 =	sadd.s32 s4, s14;
	[sflag:s8] =	ssyncadd.s32 $0xFFFFE000  }
0x17: {  	[tilespmem:s9], [sflag:$0x1] =	stream.linear.gather [hbm4b:s14+s12], $0x2000, $0x38;
	[tilespmem:$0x9000] =	vst v63  }
0x18: {  	_ =	swait.ge [sflag:s8], $0x2000  }
0x19: {  	[sflag:s8] =	ssyncset.done $0x0  }
0x1a: {  	s15 =	simm.s32 $0x0;
	s14 =	simm.s32 $0x40;
	[sflag:s8] =	ssyncadd.s32 $0xFFFFE000  }
.LBB2_5:
0x1b: {  	p0 =	sne.s32 s14, $0x7FC0;
	v4 =	vld [tilespmem:s15+$0x0];
	_ =	sdelay $0x1  }
0x1c: {  	v5 =	vld [tilespmem:s15+$0x2000];
	_ =	sdelay $0x2  }
0x1d: {  	v6 =	vsub.s32 v4, v0  }
0x1e: {  	vm0 =	vge.s32 v4, v0;
	vm1 =	vlt.s32 v4, v1;
	v4 =	vshll.u32 v6, $0x5  }
0x1f: {  	vm0 =	vmand vm0, vm1;
	v4 =	vadd.s32 v5, v4  }
0x20: {  	v4 =	vnsel vm0, $0x0, v4  }
.Ltmp1:
0x21: {  	(pc) =	sbr.rel @p0 .LBB2_5-.Ltmp1, $2  }
0x22: {  	_ =	sdelay $0x2  }
0x23: {  	s15 =	sshra.s32 s14, $0x2;
	s14 =	sadd.s32 $0x40, s14;
	[tilespmem:v4+s10+$0x0] =	vst.idx.add.f32.msk vm0, v3  }
0x24: {  	v4 =	vld [tilespmem:s15+$0x0];
	_ =	sdelay $0x1  }
0x25: {  	v5 =	vld [tilespmem:s15+$0x2000];
	_ =	sdelay $0x2  }
0x26: {  	v6 =	vsub.s32 v4, v0  }
0x27: {  	vm0 =	vge.s32 v4, v0;
	vm1 =	vlt.s32 v4, v1;
	v4 =	vshll.u32 v6, $0x5  }
0x28: {  	s13 =	sadd.s32 $0x1, s13;
	vm0 =	vmand vm0, vm1;
	v4 =	vadd.s32 v5, v4  }
0x29: {  	p0 =	sne.s32 s13, $0xA;
	v4 =	vnsel vm0, $0x0, v4  }
.Ltmp2:
0x2a: {  	_ = 	snop;
	(pc) =	sbr.rel @p0 .LBB2_4-.Ltmp2, $2  }
0x2b: {  	_ =	sdelay $0x2  }
0x2c: {  	[tilespmem:v4+s10+$0x0] =	vst.idx.add.f32.msk vm0, v3  }
0x2d: {  	s11 =	sadd.s32 $0x1, s11  }
0x2e: {  	p0 =	sne.s32 s11, s7  }
.Ltmp3:
0x2f: {  	_ = 	snop;
	(pc) =	sbr.rel @p0 .LBB2_1-.Ltmp3, $4  }
0x30: {  	[hbm4b:s6+s2] =	stream.linear.scatter [tilespmem:s10], [sflag:$0x1], $0x5000, $0x38;
	[tilespmem:$0x9000] =	vst v63  }
0x31: {  	_ =	swait.ge [sflag:s8], $0x5000  }
0x32: {  	[sflag:s8] =	ssyncset.done $0x0  }
0x33: {  	[sflag:s8] =	ssyncadd.s32 $0xFFFFB000  }
0x34: {  	_ =	sfence.sel $0x180000  }
0x35: {  	[bflag:$0x0] =	sbarrier.arrive $0xFFFF  }
0x36: {  	p0 =	sne.s32 s0, $0x0;
	_ =	strace $0x9000004A  }
0x37: {  	s0 =	sadd.s32 @!p0 $0x100000, s1;
	[bflag:$0x2] =	sbarrier.arrive $0xFFFF  }
0x38: {  	[sflag:s0] =	ssyncadd.tile.s32 @!p0 $0x1;
	_ =	shalt  }
.Lfunc_end2:
_tile_overlayer_lowered:
.L_overlay_start_2:
0x39: {  	(tag) =	ssettag $0x2  }
0x3a: {  	s0 =	rddreg [dreg:$0x0];
	s2 =	stileid.u32  }
0x3b: {  	s1 =	rddreg [dreg:$0x1];
	p0 =	sne.s32 s2, $0x0  }
0x3c: {  	s3 =	rddreg [dreg:$0x2];
	[bflag:$0x3] =	sbarrier.arrive $0xFFFF;
	s2 =	simm.s32 @!p0 $0x1C01  }
0x3d: {  	[timem:s3], [sflag:s2] =	dma.local @!p0 [hbm:s0], s1  }
0x3e: {  	s0 =	simm.s32 @!p0 $0x1  }
0x3f: {  	_ =	swait.ge @!p0 [sflag:s0], s1  }
0x40: {  	s1 =	ssub.s32 @!p0 $0x0, s1;
	[sflag:s0] =	ssyncset.done @!p0 $0x0  }
0x41: {  	[sflag:s0] =	ssyncadd.s32 @!p0 s1  }
0x42: {  	[bflag:$0x3] =	sbarrier.arrive $0xFFFF  }
0x43: {  	_ =	shalt  }

// kernel: kernel.18.cloned.1.call-start
scs
__scs_entry_jumppad:
0x0: {  	(pc) =	sbr.rel $0x88, $3  }
0x1: {  	(tag) =	ssettag $0x0;
	lr =	simm.s32 $0x1  }
0x2: {  	[smem:$0x3F91] =	sst lr;
	_ =	strace $0xD0000000  }
0x3: {  	_ = 	snop  }
0x4: {  	_ = 	snop  }
0x5: {  	_ = 	snop  }
0x6: {  	_ = 	snop  }
0x7: {  	_ = 	snop  }
__scs_overlays_trampoline_lowered:
0x8: {  	[smem:$0x3FA0] =	sst s0  }
0x9: {  	[smem:$0x3FA1] =	sst s1  }
0xa: {  	[smem:$0x3FA2] =	sst s2  }
0xb: {  	[smem:$0x3FA3] =	sst s3  }
0xc: {  	[smem:$0x3FA4] =	sst s4  }
0xd: {  	[smem:$0x3FA5] =	sst s5  }
0xe: {  	[smem:$0x3FA6] =	sst s6  }
0xf: {  	[smem:$0x3FA7] =	sst s7  }
0x10: {  	[smem:$0x3FA8] =	sst s8  }
0x11: {  	[smem:$0x3FA9] =	sst s9;
	s0 =	simm.s32 @!p0 $0x0  }
0x12: {  	s1 =	sld [smem:$0x3F8F];
	s0 =	simm.s32 @p0 $0x1  }
0x13: {  	[smem:$0x3FAA] =	sst s0;
	s0 =	simm.s32 @!p1 $0x0  }
0x14: {  	s2 =	sld [smem:$0x3F8E];
	s0 =	simm.s32 @p1 $0x1  }
0x15: {  	[smem:$0x3FAB] =	sst s0;
	s0 =	simm.s32 @!p2 $0x0  }
0x16: {  	s3 =	sld [smem:$0x3FDB];
	s0 =	simm.s32 @p2 $0x1  }
0x17: {  	s4 =	simm.s32 $0x1BF5;
	[smem:$0x3FAD] =	sst s0  }
0x18: {  	s0 =	sld [smem:$0x3F90];
	_ =	swait.ge [sflag:s4], $0x0  }
0x19: {  	s7 =	sld [smem:$0x3F91]  }
0x1a: {  	s8 =	sadd.s32 $0xFFFFE003, lr  }
0x1b: {  	s9 =	sadd.s32 $0xFFFFFEF7, lr;
	s5 =	simm.s32 $0xFFFFFFFF;
	p2 =	slt.u32 s8, $0xFFFFF086  }
0x1c: {  	p1 =	slt.u32 s9, $0xF7A;
	s5 =	simm.s32 @!p2 $0x0  }
0x1d: {  	s5 =	simm.s32 @p1 $0x1;
	p0 =	seq.s32 s7, s2  }
0x1e: {  	s7 =	smul.u32 @!p0 $0xF7A, s2;
	p2 =	seq.s32 @!p0 s5, $0x0  }
0x1f: {  	s9 =	smul.u32 $0xF7A, s1;
	s8 =	simm.s32 @!p0 $0x1BF5;
	p2 =	por !p2, p0  }
0x20: {  	[sflag:s8] =	ssyncset.s32 @!p0 $0xFFFFF086;
	s6 =	sadd.s32 @!p0 s3, s7;
	s7 =	simm.s32 @!p0 $0x108  }
0x21: {  	s3 =	sadd.s32 s3, s9;
	s6 =	sadd.s32 @!p0 $0x88, s6;
	s7 =	simm.s32 @p2 $0x1082  }
0x22: {  	[simem:s7], [sflag:s8] =	dma.local @!p0 [hbm:s6], $0xF7A  }
0x23: {  	s9 =	sor.u32 $0xD0000000, s2;
	s6 =	simm.s32 $0x108;
	_ =	swait.ge @!p0 [sflag:s8], $0x0  }
0x24: {  	s3 =	sadd.s32 $0x88, s3;
	s6 =	simm.s32 @!p1 $0x1082;
	[sflag:s4] =	ssyncset.s32 $0xFFFFF086  }
0x25: {  	[simem:s6], [sflag:s4] =	dma.local [hbm:s3], $0xF7A  }
0x26: {  	[smem:$0x3F91] =	sst s1;
	(tag) =	ssettag s2;
	_ =	strace s9  }
0x27: {  	s1 =	sld [smem:$0x3FA1]  }
0x28: {  	s2 =	sld [smem:$0x3FA2]  }
0x29: {  	s4 =	sld [smem:$0x3FA4]  }
0x2a: {  	p0 =	seq.s32 s5, $0x0;
	s5 =	sld [smem:$0x3FA5]  }
0x2b: {  	s6 =	sld [smem:$0x3FA6]  }
0x2c: {  	s7 =	sld [smem:$0x3FA7]  }
0x2d: {  	s3 =	simm.s32 $0x108;
	s8 =	sld [smem:$0x3FA8]  }
0x2e: {  	s3 =	simm.s32 @!p0 $0x1082;
	s9 =	sld [smem:$0x3FA9]  }
0x2f: {  	lr =	sadd.s32 s0, s3;
	s0 =	sld [smem:$0x3FA0]  }
0x30: {  	s3 =	sld [smem:$0x3FA3]  }
0x31: {  	[smem:$0x3FAC] =	sst s10  }
0x32: {  	s10 =	sld [smem:$0x3FAA];
	_ =	sdelay $0x3  }
0x33: {  	p0 =	seq.s32 s10, $0x1;
	s10 =	sld [smem:$0x3FAC];
	_ =	sdelay $0x3  }
0x34: {  	[smem:$0x3FAC] =	sst s10  }
0x35: {  	s10 =	sld [smem:$0x3FAB];
	_ =	sdelay $0x3  }
0x36: {  	p1 =	seq.s32 s10, $0x1;
	s10 =	sld [smem:$0x3FAC];
	_ =	sdelay $0x3  }
0x37: {  	[smem:$0x3FAC] =	sst s10  }
0x38: {  	s10 =	sld [smem:$0x3FAD]  }
0x39: {  	_ = 	snop;
	(pc) =	sbr.ind lr, $3  }
0x3a: {  	_ = 	snop  }
0x3b: {  	_ = 	snop  }
0x3c: {  	p2 =	seq.s32 s10, $0x1;
	s10 =	sld [smem:$0x3FAC]  }
0x3d: {  	_ =	shalt  }
0x3e: {  	_ =	shalt  }
0x3f: {  	_ =	shalt  }
0x40: {  	_ =	shalt  }
0x41: {  	_ =	shalt  }
0x42: {  	_ =	shalt  }
0x43: {  	_ =	shalt  }
0x44: {  	_ =	shalt  }
0x45: {  	_ =	shalt  }
0x46: {  	_ =	shalt  }
0x47: {  	_ =	shalt  }
0x48: {  	_ =	shalt  }
0x49: {  	_ =	shalt  }
0x4a: {  	_ =	shalt  }
0x4b: {  	_ =	shalt  }
0x4c: {  	_ =	shalt  }
0x4d: {  	_ =	shalt  }
0x4e: {  	_ =	shalt  }
0x4f: {  	_ =	shalt  }
0x50: {  	_ =	shalt  }
0x51: {  	_ =	shalt  }
0x52: {  	_ =	shalt  }
0x53: {  	_ =	shalt  }
0x54: {  	_ =	shalt  }
0x55: {  	_ =	shalt  }
0x56: {  	_ =	shalt  }
0x57: {  	_ =	shalt  }
0x58: {  	_ =	shalt  }
0x59: {  	_ =	shalt  }
0x5a: {  	_ =	shalt  }
0x5b: {  	_ =	shalt  }
0x5c: {  	_ =	shalt  }
0x5d: {  	_ =	shalt  }
0x5e: {  	_ =	shalt  }
0x5f: {  	_ =	shalt  }
0x60: {  	_ =	shalt  }
0x61: {  	_ =	shalt  }
0x62: {  	_ =	shalt  }
0x63: {  	_ =	shalt  }
0x64: {  	_ =	shalt  }
0x65: {  	_ =	shalt  }
0x66: {  	_ =	shalt  }
0x67: {  	_ =	shalt  }
0x68: {  	_ =	shalt  }
0x69: {  	_ =	shalt  }
0x6a: {  	_ =	shalt  }
0x6b: {  	_ =	shalt  }
0x6c: {  	_ =	shalt  }
0x6d: {  	_ =	shalt  }
0x6e: {  	_ =	shalt  }
0x6f: {  	_ =	shalt  }
0x70: {  	_ =	shalt  }
0x71: {  	_ =	shalt  }
0x72: {  	_ =	shalt  }
0x73: {  	_ =	shalt  }
0x74: {  	_ =	shalt  }
0x75: {  	_ =	shalt  }
0x76: {  	_ =	shalt  }
0x77: {  	_ =	shalt  }
0x78: {  	_ =	shalt  }
0x79: {  	_ =	shalt  }
0x7a: {  	_ =	shalt  }
0x7b: {  	_ =	shalt  }
0x7c: {  	_ =	shalt  }
0x7d: {  	_ =	shalt  }
0x7e: {  	_ =	shalt  }
0x7f: {  	_ =	shalt  }
0x80: {  	_ =	shalt  }
0x81: {  	_ =	shalt  }
0x82: {  	_ =	shalt  }
0x83: {  	_ =	shalt  }
0x84: {  	_ =	shalt  }
0x85: {  	_ =	shalt  }
0x86: {  	_ =	shalt  }
0x87: {  	_ =	shalt  }
.Lfunc_end0:
.L_simem_size_0:
called_computation.1_lowered:
.L_overlay_start_0:
0x88: {  	s2 =	sld [smem:$0x3FD9]  }
0x89: {  	s3 =	sld [smem:$0x3FFE];
	_ =	sdelay $0x1  }
0x8a: {  	s1 =	srdreg.scid  }
0x8b: {  	s0 =	sand.u32 $0x1, s1  }
0x8c: {  	s17 =	sshll.u32 s0, $0xA;
	s2 =	sadd.s32 s3, s2  }
0x8d: {  	s2 =	sadd.s32 s2, s17  }
0x8e: {  	[smem:$0x3FB8] =	sst s2  }
0x8f: {  	_ = 	snop  }
0x90: {  	s2 =	sld [smem:$0x3FD0];
	(tm) =	ssettm $0x1  }
0x91: {  	s18 =	sld [smem:$0x3FFB];
	_ =	sdelay $0x3  }
0x92: {  	_ =	strace s18  }
0x93: {  	s3 =	sld [smem:$0x3FFC];
	_ =	sdelay $0x3  }
0x94: {  	_ =	strace s3  }
0x95: {  	s3 =	sld [smem:$0x3FFD];
	_ =	sdelay $0x3  }
0x96: {  	_ =	strace s3  }
0x97: {  	_ =	strace $0x8FFFFFFF  }
0x98: {  	s19 =	sld [smem:$0x3FDB];
	_ =	sdelay $0x1  }
0x99: {  	s4 =	simm.s32 $_scs_section_size  }
0x9a: {  	s5 =	simm.s32 $_size__tile_overlayer_lowered;
	s6 =	simm.s32 $_tile_overlayer_lowered  }
0x9b: {  	s22 =	simm.s32 $0x1BFF;
	s21 =	sshll.u32 s6, $0x1;
	s3 =	sadd.s32 s4, s19  }
0x9c: {  	s7 =	simm.s32 $0x0;
	s20 =	sshll.u32 s5, $0x1;
	s5 =	sadd.s32 s21, s3  }
0x9d: {  	[timem:s7], [sflag:s22] =	dma.local [hbm:s5], s20  }
0x9e: {  	_ =	swait.ge [sflag:s22], s20  }
0x9f: {  	s4 =	ssub.s32 $0x0, s20;
	[sflag:s22] =	ssyncset.done $0x0  }
0xa0: {  	[sflag:s22] =	ssyncadd.s32 s4;
	_ =	sdelay $0x1  }
0xa1: {  	s23 =	simm.s32 $0x1B8B  }
0xa2: {  	_ =	swait.ge [sflag:s23], $0x1  }
0xa3: {  	[sflag:s23] =	ssyncset.done $0x0  }
0xa4: {  	s25 =	simm.s32 $0x1B8E;
	s24 =	sld [smem:$0x3FFE];
	[sflag:s23] =	ssyncadd.s32 $0xFFFFFFFF  }
0xa5: {  	s26 =	simm.s32 $execute0_lowered;
	[smem:$0x3FD2] =	sst s25  }
0xa6: {  	s5 =	sshll.u32 s26, $0x1;
	_ =	strace $0x80000046;
	[dreg:$0x1] =	wrdreg $0xFFFFFFFF  }
0xa7: {  	s28 =	simm.s32 $_size_execute0_lowered;
	s3 =	sadd.s32 s3, s5;
	[dreg:$0x0] =	wrdreg $0x0  }
0xa8: {  	s5 =	sshll.u32 s28, $0x1;
	[dreg:$0x2] =	wrdreg s3  }
0xa9: {  	[dreg:$0x3] =	wrdreg s5  }
0xaa: {  	[dreg:$0x4] =	wrdreg $0xC0  }
0xab: {  	_ =	task [dreg:s7], $0x5FFFF  }
0xac: {  	[dreg:$0x1] =	wrdreg $0xFFFFFFFF  }
0xad: {  	[dreg:$0x0] =	wrdreg $0x60  }
0xae: {  	[dreg:$0x2] =	wrdreg s24  }
0xaf: {  	[dreg:$0x3] =	wrdreg s2  }
0xb0: {  	[dreg:$0x4] =	wrdreg $0x78000  }
0xb1: {  	[dreg:$0x5] =	wrdreg $0xA  }
0xb2: {  	_ =	task.clear_ibuf [dreg:s7], $0x6FFFF;
	_ =	strace $0x90000046  }
0xb3: {  	s29 =	simm.s32 $0xA;
	_ =	strace $0x80000048  }
0xb4: {  	_ =	swait.ge [sflag:s29], $0x1  }
0xb5: {  	[sflag:s29] =	ssyncadd.s32 $0xFFFFFFFF  }
0xb6: {  	_ =	strace $0x90000048  }
0xb7: {  	_ =	sfence  }
0xb8: {  	s30 =	sld [smem:$0x0];
	_ =	sdelay $0x2  }
0xb9: {  	s31 =	sshll.u32 s1, $0xD;
	s1 =	sshrl.u32 s1, $0x2  }
0xba: {  	s3 =	sand.u32 $0x4000, s31;
	s1 =	sadd.s32 s1, s30  }
0xbb: {  	s0 =	sor.u32 s3, s0;
	s1 =	sshll.u32 s1, $0x11  }
0xbc: {  	s0 =	sor.u32 s1, s0  }
0xbd: {  	s0 =	sadd.s32 $0x8F2B, s0  }
0xbe: {  	[sflag:s0] =	ssyncadd.remote.s32 $0x1  }
0xbf: {  	_ =	sfence.sel $0xFFFF  }
0xc0: {  	[dreg:$0x0] =	wrdreg $0xFFFFFFFF;
	(pc) =	sbr.abs _section_cstart, $3  }
0xc1: {  	[dreg:$0x1] =	wrdreg $0xFFFFFFFF  }
0xc2: {  	_ =	task.clear_ibuf [dreg:s7], $0x2FFFF;
	_ =	strace $0x9FFFFFFF  }
0xc3: {  	(tm) =	ssettm $0x7FFFFFFF  }
tec
execute0_lowered:
.L_overlay_start_1:
0x0: {  	(tag) =	ssettag $0x1  }
0x1: {  	s6 =	rddreg [dreg:$0x0]  }
0x2: {  	s1 =	rddreg [dreg:$0x1]  }
0x3: {  	s3 =	rddreg [dreg:$0x2]  }
0x4: {  	s0 =	rddreg [dreg:$0x3];
	s4 =	simm.s32 $0x0;
	s2 =	stileid.u32  }
0x5: {  	s8 =	srdreg.scid;
	s18 =	simm.s32 $0x1;
	s19 =	simm.s32 $0x0  }
0x6: {  	[smem:$0x7FF] =	sst s4;
	s7 =	smul.u32 $0x2800, s2;
	s5 =	sadd.s32 $0xA4400, s6  }
0x7: {  	s9 =	sadd.s32 $0x10D400, s6;
	s8 =	sand.u32 $0x1, s8;
	s11 =	smul.u32 $0x280, s2  }
0x8: {  	s13 =	smul.u32 $0x32000, s2;
	s14 =	sadd.s32 $0x121400, s6;
	s31 =	sshll.u32 s2, $0x6  }
0x9: {  	_ =	strace $0x80000047;
	s12 =	ssub.s32 $0x2, s8;
	s15 =	smul.u32 $0x28000, s8  }
0xa: {  	s16 =	smul.u32 $0x2800, s8;
	s8 =	sor.u32 $0x2, s8;
	s10 =	sshrl.u32 s7, $0x3  }
0xb: {  	s23 =	sshrl.u32 s12, $0x1;
	s24 =	sshrl.u32 s13, $0x2;
	s25 =	smul.u32 $0x2800, s8  }
0xc: {  	s8 =	smul.u32 $0x28000, s8;
	s13 =	simm.s32 $0x2;
	s10 =	sadd.s32 s10, s6  }
0xd: {  	s12 =	ssub.s32 s12, s23;
	s17 =	sadd.s32 s24, s3;
	s26 =	sadd.s32 s11, s16  }
0xe: {  	s15 =	sadd.s32 s7, s15;
	s16 =	simm.s32 $0x80;
	s6 =	sadd.s32 $0x108400, s10  }
0xf: {  	s10 =	smul.u32 $0xA, s26;
	s11 =	sadd.s32 s11, s25;
	s28 =	sshrl.u32 s15, $0x3  }
0x10: {  	s29 =	sadd.s32 s7, s8;
	s15 =	sshrl.u32 s17, $0x3;
	s11 =	smul.u32 $0xA, s11  }
0x11: {  	s17 =	simm.s32 $0x5000;
	s7 =	sadd.s32 s9, s28;
	s30 =	sshrl.u32 s29, $0x3  }
0x12: {  	s8 =	sadd.s32 s14, s10;
	s9 =	sadd.s32 s9, s30;
	s10 =	sadd.s32 s14, s11  }
0x13: {  	s11 =	smax.u32 s12, $0x1;
	s12 =	simm.s32 $0x2800;
	s14 =	sor.u32 $0x1C02, s31  }
.LBB2_1:
0x14: {  	[tilespmem:s12], [sflag:$0x2] =	stream.linear.gather [hbm4b:s6+s4], $0x2800, $0x38;
	[tilespmem:$0x14000] =	vst v63  }
0x15: {  	_ =	swait.ge [sflag:s13], $0x2800  }
0x16: {  	[sflag:s13] =	ssyncset.done $0x0  }
0x17: {  	[sflag:s13] =	ssyncadd.s32 $0xFFFFD800  }
0x18: {  	[spmem:s15], [sflag:s14] =	dma.local [hbm:s1], $0x1900  }
0x19: {  	_ =	swait.ge [sflag:s13], $0x1900  }
0x1a: {  	[sflag:s13] =	ssyncset.done $0x0  }
0x1b: {  	[sflag:s13] =	ssyncadd.s32 $0xFFFFE700  }
0x1c: {  	[bflag:$0x0] =	sbarrier.arrive $0xFFFF  }
0x1d: {  	[tilespmem:s4], [sflag:$0x2] =	stream.linear.gather [hbm4b:s7+s4], $0x2800, $0x38;
	[tilespmem:$0x14000] =	vst v63  }
0x1e: {  	_ =	swait.ge [sflag:s13], $0x2800  }
0x1f: {  	[sflag:s13] =	ssyncset.done $0x0  }
0x20: {  	s20 =	simm.s32 $0x0;
	[sflag:s13] =	ssyncadd.s32 $0xFFFFD800  }
0x21: {  	[tilespmem:s17], [sflag:$0x1] =	stream.indirect.gather [hbm4b:s5+s16], $0x50, s20, s16, $0xb8;
	[tilespmem:$0x14000] =	vst v63  }
0x22: {  	_ =	swait.ge [sflag:s18], $0x2800  }
0x23: {  	[sflag:s18] =	ssyncset.done $0x0  }
0x24: {  	s31 =	simm.s32 $0x2800;
	[sflag:s18] =	ssyncadd.s32 $0xFFFFD800  }
0x25: {  	[spmem:s3] =	stream.indirect.scatter.add.f32 [tilespmem:s17], [sflag:$0x2], $0x50, s31, s16, $0xb8;
	[tilespmem:$0x14000] =	vst v63  }
0x26: {  	_ =	swait.ge [sflag:s13], $0x2800  }
0x27: {  	s21 =	simm.s32 $0x400;
	s20 =	simm.s32 $0x200;
	[sflag:s13] =	ssyncset.done $0x0  }
.LBB2_2:
0x28: {  	s22 =	sshra.s32 s20, $0x2  }
0x29: {  	[sflag:s13] =	ssyncadd.s32 $0xFFFFD800;
	s20 =	smov.u32 s21;
	s23 =	sadd.s32 $0x200, s21  }
0x2a: {  	[tilespmem:s17], [sflag:$0x1] =	stream.indirect.gather [hbm4b:s5+s16], $0x50, s22, s16, $0xb8;
	[tilespmem:$0x14000] =	vst v63  }
0x2b: {  	p0 =	sne.s32 s21, $0x9E00;
	_ =	swait.ge [sflag:s18], $0x2800  }
.Ltmp0:
0x2c: {  	[sflag:s18] =	ssyncset.done $0x0;
	(pc) =	sbr.rel @p0 .LBB2_2-.Ltmp0, $4  }
0x2d: {  	s21 =	sadd.s32 $0x2800, s22;
	[sflag:s18] =	ssyncadd.s32 $0xFFFFD800  }
0x2e: {  	[spmem:s3] =	stream.indirect.scatter.add.f32 [tilespmem:s17], [sflag:$0x2], $0x50, s21, s16, $0xb8;
	[tilespmem:$0x14000] =	vst v63  }
0x2f: {  	_ =	swait.ge [sflag:s13], $0x2800  }
0x30: {  	s21 =	smov.u32 s23;
	[sflag:s13] =	ssyncset.done $0x0  }
0x31: {  	s20 =	sshra.s32 s20, $0x2;
	[sflag:s13] =	ssyncadd.s32 $0xFFFFD800  }
0x32: {  	[tilespmem:s17], [sflag:$0x1] =	stream.indirect.gather [hbm4b:s5+s16], $0x50, s20, s16, $0xb8;
	[tilespmem:$0x14000] =	vst v63  }
0x33: {  	_ =	swait.ge [sflag:s18], $0x2800  }
0x34: {  	[sflag:s18] =	ssyncset.done $0x0  }
0x35: {  	s20 =	sadd.s32 $0x2800, s20;
	[sflag:s18] =	ssyncadd.s32 $0xFFFFD800  }
0x36: {  	[spmem:s3] =	stream.indirect.scatter.add.f32 [tilespmem:s17], [sflag:$0x2], $0x50, s20, s16, $0xb8;
	[tilespmem:$0x14000] =	vst v63  }
0x37: {  	_ =	swait.ge [sflag:s13], $0x2800  }
0x38: {  	[sflag:s13] =	ssyncset.done $0x0  }
0x39: {  	[sflag:s13] =	ssyncadd.s32 $0xFFFFD800  }
0x3a: {  	[bflag:$0x0] =	sbarrier.arrive $0xFFFF  }
0x3b: {  	[hbm:s8], [sflag:s14] =	dma.local [spmem:s15], $0x1900  }
0x3c: {  	_ =	swait.ge [sflag:s13], $0x1900  }
0x3d: {  	[sflag:s13] =	ssyncset.done $0x0  }
0x3e: {  	[sflag:s13] =	ssyncadd.s32 $0xFFFFE700  }
0x3f: {  	[bflag:$0x0] =	sbarrier.arrive $0xFFFF  }
0x40: {  	[spmem:s15], [sflag:s14] =	dma.local [hbm:s1], $0x1900  }
0x41: {  	_ =	swait.ge [sflag:s13], $0x1900  }
0x42: {  	[sflag:s13] =	ssyncset.done $0x0  }
0x43: {  	[sflag:s13] =	ssyncadd.s32 $0xFFFFE700  }
0x44: {  	s29 =	simm.s32 $0x0;
	[bflag:$0x0] =	sbarrier.arrive $0xFFFF  }
0x45: {  	[tilespmem:s29], [sflag:$0x2] =	stream.linear.gather [hbm4b:s9+s29], $0x2800, $0x38;
	[tilespmem:$0x14000] =	vst v63  }
0x46: {  	_ =	swait.ge [sflag:s13], $0x2800  }
0x47: {  	[sflag:s13] =	ssyncset.done $0x0  }
0x48: {  	s30 =	simm.s32 $0x0;
	[sflag:s13] =	ssyncadd.s32 $0xFFFFD800  }
0x49: {  	[tilespmem:s17], [sflag:$0x1] =	stream.indirect.gather [hbm4b:s5+s16], $0x50, s30, s16, $0xb8;
	[tilespmem:$0x14000] =	vst v63  }
0x4a: {  	_ =	swait.ge [sflag:s18], $0x2800  }
0x4b: {  	[sflag:s18] =	ssyncset.done $0x0  }
0x4c: {  	s31 =	simm.s32 $0x2800;
	[sflag:s18] =	ssyncadd.s32 $0xFFFFD800  }
0x4d: {  	[spmem:s3] =	stream.indirect.scatter.add.f32 [tilespmem:s17], [sflag:$0x2], $0x50, s31, s16, $0xb8;
	[tilespmem:$0x14000] =	vst v63  }
0x4e: {  	_ =	swait.ge [sflag:s13], $0x2800  }
0x4f: {  	s21 =	simm.s32 $0x400;
	s20 =	simm.s32 $0x200;
	[sflag:s13] =	ssyncset.done $0x0  }
.LBB2_4:
0x50: {  	s22 =	sshra.s32 s20, $0x2  }
0x51: {  	[sflag:s13] =	ssyncadd.s32 $0xFFFFD800;
	s20 =	smov.u32 s21;
	s23 =	sadd.s32 $0x200, s21  }
0x52: {  	[tilespmem:s17], [sflag:$0x1] =	stream.indirect.gather [hbm4b:s5+s16], $0x50, s22, s16, $0xb8;
	[tilespmem:$0x14000] =	vst v63  }
0x53: {  	p0 =	sne.s32 s21, $0x9E00;
	_ =	swait.ge [sflag:s18], $0x2800  }
.Ltmp1:
0x54: {  	[sflag:s18] =	ssyncset.done $0x0;
	(pc) =	sbr.rel @p0 .LBB2_4-.Ltmp1, $4  }
0x55: {  	s21 =	sadd.s32 $0x2800, s22;
	[sflag:s18] =	ssyncadd.s32 $0xFFFFD800  }
0x56: {  	[spmem:s3] =	stream.indirect.scatter.add.f32 [tilespmem:s17], [sflag:$0x2], $0x50, s21, s16, $0xb8;
	[tilespmem:$0x14000] =	vst v63  }
0x57: {  	_ =	swait.ge [sflag:s13], $0x2800  }
0x58: {  	s21 =	smov.u32 s23;
	[sflag:s13] =	ssyncset.done $0x0  }
0x59: {  	s20 =	sshra.s32 s20, $0x2;
	[sflag:s13] =	ssyncadd.s32 $0xFFFFD800  }
0x5a: {  	[tilespmem:s17], [sflag:$0x1] =	stream.indirect.gather [hbm4b:s5+s16], $0x50, s20, s16, $0xb8;
	[tilespmem:$0x14000] =	vst v63  }
0x5b: {  	_ =	swait.ge [sflag:s18], $0x2800  }
0x5c: {  	[sflag:s18] =	ssyncset.done $0x0  }
0x5d: {  	s20 =	sadd.s32 $0x2800, s20;
	[sflag:s18] =	ssyncadd.s32 $0xFFFFD800  }
0x5e: {  	[spmem:s3] =	stream.indirect.scatter.add.f32 [tilespmem:s17], [sflag:$0x2], $0x50, s20, s16, $0xb8;
	[tilespmem:$0x14000] =	vst v63  }
0x5f: {  	_ =	swait.ge [sflag:s13], $0x2800  }
0x60: {  	[sflag:s13] =	ssyncset.done $0x0  }
0x61: {  	s19 =	sadd.s32 $0x1, s19;
	[sflag:s13] =	ssyncadd.s32 $0xFFFFD800  }
0x62: {  	p0 =	sne.s32 s19, s11;
	[bflag:$0x0] =	sbarrier.arrive $0xFFFF  }
0x63: {  	[hbm:s10], [sflag:s14] =	dma.local [spmem:s15], $0x1900  }
.Ltmp2:
0x64: {  	_ =	swait.ge [sflag:s13], $0x1900;
	(pc) =	sbr.rel @p0 .LBB2_1-.Ltmp2, $3  }
0x65: {  	[sflag:s13] =	ssyncset.done $0x0  }
0x66: {  	[sflag:s13] =	ssyncadd.s32 $0xFFFFE700  }
0x67: {  	[bflag:$0x0] =	sbarrier.arrive $0xFFFF;
	_ =	sdelay $0x1  }
0x68: {  	_ =	sfence.sel $0x180000  }
0x69: {  	[bflag:$0x0] =	sbarrier.arrive $0xFFFF  }
0x6a: {  	p0 =	sne.s32 s2, $0x0;
	_ =	strace $0x90000047  }
0x6b: {  	s0 =	sadd.s32 @!p0 $0x100000, s0;
	[bflag:$0x2] =	sbarrier.arrive $0xFFFF  }
0x6c: {  	[sflag:s0] =	ssyncadd.tile.s32 @!p0 $0x1;
	_ =	shalt  }
.Lfunc_end2:
_tile_overlayer_lowered:
.L_overlay_start_2:
0x6d: {  	(tag) =	ssettag $0x2  }
0x6e: {  	s0 =	rddreg [dreg:$0x0];
	s2 =	stileid.u32  }
0x6f: {  	s1 =	rddreg [dreg:$0x1];
	p0 =	sne.s32 s2, $0x0  }
0x70: {  	s3 =	rddreg [dreg:$0x2];
	[bflag:$0x3] =	sbarrier.arrive $0xFFFF;
	s2 =	simm.s32 @!p0 $0x1C02  }
0x71: {  	[timem:s3], [sflag:s2] =	dma.local @!p0 [hbm:s0], s1  }
0x72: {  	s0 =	simm.s32 @!p0 $0x2  }
0x73: {  	_ =	swait.ge @!p0 [sflag:s0], s1  }
0x74: {  	s1 =	ssub.s32 @!p0 $0x0, s1;
	[sflag:s0] =	ssyncset.done @!p0 $0x0  }
0x75: {  	[sflag:s0] =	ssyncadd.s32 @!p0 s1  }
0x76: {  	[bflag:$0x3] =	sbarrier.arrive $0xFFFF  }
0x77: {  	_ =	shalt  }

// kernel: kernel.21.cloned.1.call-start
scs
__scs_entry_jumppad:
0x0: {  	(pc) =	sbr.rel $0x88, $3  }
0x1: {  	(tag) =	ssettag $0x0;
	lr =	simm.s32 $0x1  }
0x2: {  	[smem:$0x3F91] =	sst lr;
	_ =	strace $0xD0000000  }
0x3: {  	_ = 	snop  }
0x4: {  	_ = 	snop  }
0x5: {  	_ = 	snop  }
0x6: {  	_ = 	snop  }
0x7: {  	_ = 	snop  }
__scs_overlays_trampoline_lowered:
0x8: {  	[smem:$0x3FA0] =	sst s0  }
0x9: {  	[smem:$0x3FA1] =	sst s1  }
0xa: {  	[smem:$0x3FA2] =	sst s2  }
0xb: {  	[smem:$0x3FA3] =	sst s3  }
0xc: {  	[smem:$0x3FA4] =	sst s4  }
0xd: {  	[smem:$0x3FA5] =	sst s5  }
0xe: {  	[smem:$0x3FA6] =	sst s6  }
0xf: {  	[smem:$0x3FA7] =	sst s7  }
0x10: {  	[smem:$0x3FA8] =	sst s8  }
0x11: {  	[smem:$0x3FA9] =	sst s9;
	s0 =	simm.s32 @!p0 $0x0  }
0x12: {  	s1 =	sld [smem:$0x3F8F];
	s0 =	simm.s32 @p0 $0x1  }
0x13: {  	[smem:$0x3FAA] =	sst s0;
	s0 =	simm.s32 @!p1 $0x0  }
0x14: {  	s2 =	sld [smem:$0x3F8E];
	s0 =	simm.s32 @p1 $0x1  }
0x15: {  	[smem:$0x3FAB] =	sst s0;
	s0 =	simm.s32 @!p2 $0x0  }
0x16: {  	s3 =	sld [smem:$0x3FDB];
	s0 =	simm.s32 @p2 $0x1  }
0x17: {  	s4 =	simm.s32 $0x1BF5;
	[smem:$0x3FAD] =	sst s0  }
0x18: {  	s0 =	sld [smem:$0x3F90];
	_ =	swait.ge [sflag:s4], $0x0  }
0x19: {  	s7 =	sld [smem:$0x3F91]  }
0x1a: {  	s8 =	sadd.s32 $0xFFFFE003, lr  }
0x1b: {  	s9 =	sadd.s32 $0xFFFFFEF7, lr;
	s5 =	simm.s32 $0xFFFFFFFF;
	p2 =	slt.u32 s8, $0xFFFFF086  }
0x1c: {  	p1 =	slt.u32 s9, $0xF7A;
	s5 =	simm.s32 @!p2 $0x0  }
0x1d: {  	s5 =	simm.s32 @p1 $0x1;
	p0 =	seq.s32 s7, s2  }
0x1e: {  	s7 =	smul.u32 @!p0 $0xF7A, s2;
	p2 =	seq.s32 @!p0 s5, $0x0  }
0x1f: {  	s9 =	smul.u32 $0xF7A, s1;
	s8 =	simm.s32 @!p0 $0x1BF5;
	p2 =	por !p2, p0  }
0x20: {  	[sflag:s8] =	ssyncset.s32 @!p0 $0xFFFFF086;
	s6 =	sadd.s32 @!p0 s3, s7;
	s7 =	simm.s32 @!p0 $0x108  }
0x21: {  	s3 =	sadd.s32 s3, s9;
	s6 =	sadd.s32 @!p0 $0x88, s6;
	s7 =	simm.s32 @p2 $0x1082  }
0x22: {  	[simem:s7], [sflag:s8] =	dma.local @!p0 [hbm:s6], $0xF7A  }
0x23: {  	s9 =	sor.u32 $0xD0000000, s2;
	s6 =	simm.s32 $0x108;
	_ =	swait.ge @!p0 [sflag:s8], $0x0  }
0x24: {  	s3 =	sadd.s32 $0x88, s3;
	s6 =	simm.s32 @!p1 $0x1082;
	[sflag:s4] =	ssyncset.s32 $0xFFFFF086  }
0x25: {  	[simem:s6], [sflag:s4] =	dma.local [hbm:s3], $0xF7A  }
0x26: {  	[smem:$0x3F91] =	sst s1;
	(tag) =	ssettag s2;
	_ =	strace s9  }
0x27: {  	s1 =	sld [smem:$0x3FA1]  }
0x28: {  	s2 =	sld [smem:$0x3FA2]  }
0x29: {  	s4 =	sld [smem:$0x3FA4]  }
0x2a: {  	p0 =	seq.s32 s5, $0x0;
	s5 =	sld [smem:$0x3FA5]  }
0x2b: {  	s6 =	sld [smem:$0x3FA6]  }
0x2c: {  	s7 =	sld [smem:$0x3FA7]  }
0x2d: {  	s3 =	simm.s32 $0x108;
	s8 =	sld [smem:$0x3FA8]  }
0x2e: {  	s3 =	simm.s32 @!p0 $0x1082;
	s9 =	sld [smem:$0x3FA9]  }
0x2f: {  	lr =	sadd.s32 s0, s3;
	s0 =	sld [smem:$0x3FA0]  }
0x30: {  	s3 =	sld [smem:$0x3FA3]  }
0x31: {  	[smem:$0x3FAC] =	sst s10  }
0x32: {  	s10 =	sld [smem:$0x3FAA];
	_ =	sdelay $0x3  }
0x33: {  	p0 =	seq.s32 s10, $0x1;
	s10 =	sld [smem:$0x3FAC];
	_ =	sdelay $0x3  }
0x34: {  	[smem:$0x3FAC] =	sst s10  }
0x35: {  	s10 =	sld [smem:$0x3FAB];
	_ =	sdelay $0x3  }
0x36: {  	p1 =	seq.s32 s10, $0x1;
	s10 =	sld [smem:$0x3FAC];
	_ =	sdelay $0x3  }
0x37: {  	[smem:$0x3FAC] =	sst s10  }
0x38: {  	s10 =	sld [smem:$0x3FAD]  }
0x39: {  	_ = 	snop;
	(pc) =	sbr.ind lr, $3  }
0x3a: {  	_ = 	snop  }
0x3b: {  	_ = 	snop  }
0x3c: {  	p2 =	seq.s32 s10, $0x1;
	s10 =	sld [smem:$0x3FAC]  }
0x3d: {  	_ =	shalt  }
0x3e: {  	_ =	shalt  }
0x3f: {  	_ =	shalt  }
0x40: {  	_ =	shalt  }
0x41: {  	_ =	shalt  }
0x42: {  	_ =	shalt  }
0x43: {  	_ =	shalt  }
0x44: {  	_ =	shalt  }
0x45: {  	_ =	shalt  }
0x46: {  	_ =	shalt  }
0x47: {  	_ =	shalt  }
0x48: {  	_ =	shalt  }
0x49: {  	_ =	shalt  }
0x4a: {  	_ =	shalt  }
0x4b: {  	_ =	shalt  }
0x4c: {  	_ =	shalt  }
0x4d: {  	_ =	shalt  }
0x4e: {  	_ =	shalt  }
0x4f: {  	_ =	shalt  }
0x50: {  	_ =	shalt  }
0x51: {  	_ =	shalt  }
0x52: {  	_ =	shalt  }
0x53: {  	_ =	shalt  }
0x54: {  	_ =	shalt  }
0x55: {  	_ =	shalt  }
0x56: {  	_ =	shalt  }
0x57: {  	_ =	shalt  }
0x58: {  	_ =	shalt  }
0x59: {  	_ =	shalt  }
0x5a: {  	_ =	shalt  }
0x5b: {  	_ =	shalt  }
0x5c: {  	_ =	shalt  }
0x5d: {  	_ =	shalt  }
0x5e: {  	_ =	shalt  }
0x5f: {  	_ =	shalt  }
0x60: {  	_ =	shalt  }
0x61: {  	_ =	shalt  }
0x62: {  	_ =	shalt  }
0x63: {  	_ =	shalt  }
0x64: {  	_ =	shalt  }
0x65: {  	_ =	shalt  }
0x66: {  	_ =	shalt  }
0x67: {  	_ =	shalt  }
0x68: {  	_ =	shalt  }
0x69: {  	_ =	shalt  }
0x6a: {  	_ =	shalt  }
0x6b: {  	_ =	shalt  }
0x6c: {  	_ =	shalt  }
0x6d: {  	_ =	shalt  }
0x6e: {  	_ =	shalt  }
0x6f: {  	_ =	shalt  }
0x70: {  	_ =	shalt  }
0x71: {  	_ =	shalt  }
0x72: {  	_ =	shalt  }
0x73: {  	_ =	shalt  }
0x74: {  	_ =	shalt  }
0x75: {  	_ =	shalt  }
0x76: {  	_ =	shalt  }
0x77: {  	_ =	shalt  }
0x78: {  	_ =	shalt  }
0x79: {  	_ =	shalt  }
0x7a: {  	_ =	shalt  }
0x7b: {  	_ =	shalt  }
0x7c: {  	_ =	shalt  }
0x7d: {  	_ =	shalt  }
0x7e: {  	_ =	shalt  }
0x7f: {  	_ =	shalt  }
0x80: {  	_ =	shalt  }
0x81: {  	_ =	shalt  }
0x82: {  	_ =	shalt  }
0x83: {  	_ =	shalt  }
0x84: {  	_ =	shalt  }
0x85: {  	_ =	shalt  }
0x86: {  	_ =	shalt  }
0x87: {  	_ =	shalt  }
.Lfunc_end0:
.L_simem_size_0:
called_computation.2_lowered:
.L_overlay_start_0:
0x88: {  	s2 =	sld [smem:$0x3FD9]  }
0x89: {  	s3 =	sld [smem:$0x3FFE];
	_ =	sdelay $0x1  }
0x8a: {  	s1 =	srdreg.scid  }
0x8b: {  	s0 =	sand.u32 $0x1, s1  }
0x8c: {  	s17 =	sshll.u32 s0, $0xA;
	s2 =	sadd.s32 s3, s2  }
0x8d: {  	s2 =	sadd.s32 s2, s17  }
0x8e: {  	[smem:$0x3FB8] =	sst s2  }
0x8f: {  	_ = 	snop  }
0x90: {  	s2 =	sld [smem:$0x3FD0];
	(tm) =	ssettm $0x1  }
0x91: {  	s18 =	sld [smem:$0x3FFB];
	_ =	sdelay $0x3  }
0x92: {  	_ =	strace s18  }
0x93: {  	s3 =	sld [smem:$0x3FFC];
	_ =	sdelay $0x3  }
0x94: {  	_ =	strace s3  }
0x95: {  	s3 =	sld [smem:$0x3FFD];
	_ =	sdelay $0x3  }
0x96: {  	_ =	strace s3  }
0x97: {  	_ =	strace $0x8FFFFFFF  }
0x98: {  	s19 =	sld [smem:$0x3FDB];
	_ =	sdelay $0x1  }
0x99: {  	s4 =	simm.s32 $_scs_section_size  }
0x9a: {  	s5 =	simm.s32 $_size__tile_overlayer_lowered;
	s6 =	simm.s32 $_tile_overlayer_lowered  }
0x9b: {  	s22 =	simm.s32 $0x1BFF;
	s21 =	sshll.u32 s6, $0x1;
	s3 =	sadd.s32 s4, s19  }
0x9c: {  	s7 =	simm.s32 $0x0;
	s20 =	sshll.u32 s5, $0x1;
	s5 =	sadd.s32 s21, s3  }
0x9d: {  	[timem:s7], [sflag:s22] =	dma.local [hbm:s5], s20  }
0x9e: {  	_ =	swait.ge [sflag:s22], s20  }
0x9f: {  	s4 =	ssub.s32 $0x0, s20;
	[sflag:s22] =	ssyncset.done $0x0  }
0xa0: {  	[sflag:s22] =	ssyncadd.s32 s4;
	_ =	sdelay $0x1  }
0xa1: {  	s23 =	simm.s32 $0x1B8B  }
0xa2: {  	_ =	swait.ge [sflag:s23], $0x1  }
0xa3: {  	[sflag:s23] =	ssyncset.done $0x0  }
0xa4: {  	s25 =	simm.s32 $0x1B8E;
	s24 =	sld [smem:$0x3FFE];
	[sflag:s23] =	ssyncadd.s32 $0xFFFFFFFF  }
0xa5: {  	s26 =	simm.s32 $execute0_lowered;
	[smem:$0x3FD2] =	sst s25  }
0xa6: {  	s5 =	sshll.u32 s26, $0x1;
	_ =	strace $0x8000004C;
	[dreg:$0x1] =	wrdreg $0xFFFFFFFF  }
0xa7: {  	s28 =	simm.s32 $_size_execute0_lowered;
	s3 =	sadd.s32 s3, s5;
	[dreg:$0x0] =	wrdreg $0x0  }
0xa8: {  	s5 =	sshll.u32 s28, $0x1;
	[dreg:$0x2] =	wrdreg s3  }
0xa9: {  	[dreg:$0x3] =	wrdreg s5  }
0xaa: {  	[dreg:$0x4] =	wrdreg $0xC0  }
0xab: {  	_ =	task [dreg:s7], $0x5FFFF  }
0xac: {  	[dreg:$0x1] =	wrdreg $0xFFFFFFFF  }
0xad: {  	[dreg:$0x0] =	wrdreg $0x60  }
0xae: {  	[dreg:$0x2] =	wrdreg s24  }
0xaf: {  	[dreg:$0x3] =	wrdreg s2  }
0xb0: {  	[dreg:$0x4] =	wrdreg $0x78000  }
0xb1: {  	[dreg:$0x5] =	wrdreg $0x9  }
0xb2: {  	_ =	task.clear_ibuf [dreg:s7], $0x6FFFF;
	_ =	strace $0x9000004C  }
0xb3: {  	s29 =	simm.s32 $0x9;
	_ =	strace $0x8000004E  }
0xb4: {  	_ =	swait.ge [sflag:s29], $0x1  }
0xb5: {  	[sflag:s29] =	ssyncadd.s32 $0xFFFFFFFF  }
0xb6: {  	_ =	strace $0x9000004E  }
0xb7: {  	_ =	sfence  }
0xb8: {  	s30 =	sld [smem:$0x0];
	_ =	sdelay $0x2  }
0xb9: {  	s31 =	sshll.u32 s1, $0xD;
	s1 =	sshrl.u32 s1, $0x2  }
0xba: {  	s3 =	sand.u32 $0x4000, s31;
	s1 =	sadd.s32 s1, s30  }
0xbb: {  	s0 =	sor.u32 s3, s0;
	s1 =	sshll.u32 s1, $0x11  }
0xbc: {  	s0 =	sor.u32 s1, s0  }
0xbd: {  	s0 =	sadd.s32 $0x8F2B, s0  }
0xbe: {  	[sflag:s0] =	ssyncadd.remote.s32 $0x1  }
0xbf: {  	_ =	sfence.sel $0xFFFF  }
0xc0: {  	[dreg:$0x0] =	wrdreg $0xFFFFFFFF;
	(pc) =	sbr.abs _section_cstart, $3  }
0xc1: {  	[dreg:$0x1] =	wrdreg $0xFFFFFFFF  }
0xc2: {  	_ =	task.clear_ibuf [dreg:s7], $0x2FFFF;
	_ =	strace $0x9FFFFFFF  }
0xc3: {  	(tm) =	ssettm $0x7FFFFFFF  }
tec
execute0_lowered:
.L_overlay_start_1:
0x0: {  	(tag) =	ssettag $0x1  }
0x1: {  	s6 =	rddreg [dreg:$0x0]  }
0x2: {  	s1 =	rddreg [dreg:$0x1]  }
0x3: {  	s3 =	rddreg [dreg:$0x2]  }
0x4: {  	s0 =	rddreg [dreg:$0x3];
	s4 =	simm.s32 $0x0;
	s2 =	stileid.u32  }
0x5: {  	s8 =	srdreg.scid;
	s18 =	simm.s32 $0x1;
	s19 =	simm.s32 $0x0  }
0x6: {  	[smem:$0x7FF] =	sst s4;
	s7 =	smul.u32 $0x2800, s2;
	s5 =	sadd.s32 $0x121400, s6  }
0x7: {  	s9 =	sadd.s32 $0x10D400, s6;
	s8 =	sand.u32 $0x1, s8;
	s11 =	smul.u32 $0x280, s2  }
0x8: {  	s13 =	smul.u32 $0x32000, s2;
	s14 =	sadd.s32 $0x1BD600, s6;
	s31 =	sshll.u32 s2, $0x6  }
0x9: {  	_ =	strace $0x8000004D;
	s12 =	ssub.s32 $0x2, s8;
	s15 =	smul.u32 $0x28000, s8  }
0xa: {  	s16 =	smul.u32 $0x2800, s8;
	s8 =	sor.u32 $0x2, s8;
	s10 =	sshrl.u32 s7, $0x3  }
0xb: {  	s23 =	sshrl.u32 s12, $0x1;
	s24 =	sshrl.u32 s13, $0x2;
	s25 =	smul.u32 $0x2800, s8  }
0xc: {  	s8 =	smul.u32 $0x28000, s8;
	s13 =	simm.s32 $0x2;
	s10 =	sadd.s32 s10, s6  }
0xd: {  	s12 =	ssub.s32 s12, s23;
	s17 =	sadd.s32 s24, s3;
	s26 =	sadd.s32 s11, s16  }
0xe: {  	s15 =	sadd.s32 s7, s15;
	s16 =	simm.s32 $0x80;
	s6 =	sadd.s32 $0x108400, s10  }
0xf: {  	s10 =	smul.u32 $0xA, s26;
	s11 =	sadd.s32 s11, s25;
	s28 =	sshrl.u32 s15, $0x3  }
0x10: {  	s29 =	sadd.s32 s7, s8;
	s15 =	sshrl.u32 s17, $0x3;
	s11 =	smul.u32 $0xA, s11  }
0x11: {  	s17 =	simm.s32 $0x5000;
	s7 =	sadd.s32 s9, s28;
	s30 =	sshrl.u32 s29, $0x3  }
0x12: {  	s8 =	sadd.s32 s14, s10;
	s9 =	sadd.s32 s9, s30;
	s10 =	sadd.s32 s14, s11  }
0x13: {  	s11 =	smax.u32 s12, $0x1;
	s12 =	simm.s32 $0x2800;
	s14 =	sor.u32 $0x1C02, s31  }
.LBB2_1:
0x14: {  	[tilespmem:s12], [sflag:$0x2] =	stream.linear.gather [hbm4b:s6+s4], $0x2800, $0x38;
	[tilespmem:$0x14000] =	vst v63  }
0x15: {  	_ =	swait.ge [sflag:s13], $0x2800  }
0x16: {  	[sflag:s13] =	ssyncset.done $0x0  }
0x17: {  	[sflag:s13] =	ssyncadd.s32 $0xFFFFD800  }
0x18: {  	[spmem:s15], [sflag:s14] =	dma.local [hbm:s1], $0x1900  }
0x19: {  	_ =	swait.ge [sflag:s13], $0x1900  }
0x1a: {  	[sflag:s13] =	ssyncset.done $0x0  }
0x1b: {  	[sflag:s13] =	ssyncadd.s32 $0xFFFFE700  }
0x1c: {  	[bflag:$0x0] =	sbarrier.arrive $0xFFFF  }
0x1d: {  	[tilespmem:s4], [sflag:$0x2] =	stream.linear.gather [hbm4b:s7+s4], $0x2800, $0x38;
	[tilespmem:$0x14000] =	vst v63  }
0x1e: {  	_ =	swait.ge [sflag:s13], $0x2800  }
0x1f: {  	[sflag:s13] =	ssyncset.done $0x0  }
0x20: {  	s20 =	simm.s32 $0x0;
	[sflag:s13] =	ssyncadd.s32 $0xFFFFD800  }
0x21: {  	[tilespmem:s17], [sflag:$0x1] =	stream.indirect.gather [hbm4b:s5+s16], $0x50, s20, s16, $0xb8;
	[tilespmem:$0x14000] =	vst v63  }
0x22: {  	_ =	swait.ge [sflag:s18], $0x2800  }
0x23: {  	[sflag:s18] =	ssyncset.done $0x0  }
0x24: {  	s31 =	simm.s32 $0x2800;
	[sflag:s18] =	ssyncadd.s32 $0xFFFFD800  }
0x25: {  	[spmem:s3] =	stream.indirect.scatter.add.f32 [tilespmem:s17], [sflag:$0x2], $0x50, s31, s16, $0xb8;
	[tilespmem:$0x14000] =	vst v63  }
0x26: {  	_ =	swait.ge [sflag:s13], $0x2800  }
0x27: {  	s21 =	simm.s32 $0x400;
	s20 =	simm.s32 $0x200;
	[sflag:s13] =	ssyncset.done $0x0  }
.LBB2_2:
0x28: {  	s22 =	sshra.s32 s20, $0x2  }
0x29: {  	[sflag:s13] =	ssyncadd.s32 $0xFFFFD800;
	s20 =	smov.u32 s21;
	s23 =	sadd.s32 $0x200, s21  }
0x2a: {  	[tilespmem:s17], [sflag:$0x1] =	stream.indirect.gather [hbm4b:s5+s16], $0x50, s22, s16, $0xb8;
	[tilespmem:$0x14000] =	vst v63  }
0x2b: {  	p0 =	sne.s32 s21, $0x9E00;
	_ =	swait.ge [sflag:s18], $0x2800  }
.Ltmp0:
0x2c: {  	[sflag:s18] =	ssyncset.done $0x0;
	(pc) =	sbr.rel @p0 .LBB2_2-.Ltmp0, $4  }
0x2d: {  	s21 =	sadd.s32 $0x2800, s22;
	[sflag:s18] =	ssyncadd.s32 $0xFFFFD800  }
0x2e: {  	[spmem:s3] =	stream.indirect.scatter.add.f32 [tilespmem:s17], [sflag:$0x2], $0x50, s21, s16, $0xb8;
	[tilespmem:$0x14000] =	vst v63  }
0x2f: {  	_ =	swait.ge [sflag:s13], $0x2800  }
0x30: {  	s21 =	smov.u32 s23;
	[sflag:s13] =	ssyncset.done $0x0  }
0x31: {  	s20 =	sshra.s32 s20, $0x2;
	[sflag:s13] =	ssyncadd.s32 $0xFFFFD800  }
0x32: {  	[tilespmem:s17], [sflag:$0x1] =	stream.indirect.gather [hbm4b:s5+s16], $0x50, s20, s16, $0xb8;
	[tilespmem:$0x14000] =	vst v63  }
0x33: {  	_ =	swait.ge [sflag:s18], $0x2800  }
0x34: {  	[sflag:s18] =	ssyncset.done $0x0  }
0x35: {  	s20 =	sadd.s32 $0x2800, s20;
	[sflag:s18] =	ssyncadd.s32 $0xFFFFD800  }
0x36: {  	[spmem:s3] =	stream.indirect.scatter.add.f32 [tilespmem:s17], [sflag:$0x2], $0x50, s20, s16, $0xb8;
	[tilespmem:$0x14000] =	vst v63  }
0x37: {  	_ =	swait.ge [sflag:s13], $0x2800  }
0x38: {  	[sflag:s13] =	ssyncset.done $0x0  }
0x39: {  	[sflag:s13] =	ssyncadd.s32 $0xFFFFD800  }
0x3a: {  	[bflag:$0x0] =	sbarrier.arrive $0xFFFF  }
0x3b: {  	[hbm:s8], [sflag:s14] =	dma.local [spmem:s15], $0x1900  }
0x3c: {  	_ =	swait.ge [sflag:s13], $0x1900  }
0x3d: {  	[sflag:s13] =	ssyncset.done $0x0  }
0x3e: {  	[sflag:s13] =	ssyncadd.s32 $0xFFFFE700  }
0x3f: {  	[bflag:$0x0] =	sbarrier.arrive $0xFFFF  }
0x40: {  	[spmem:s15], [sflag:s14] =	dma.local [hbm:s1], $0x1900  }
0x41: {  	_ =	swait.ge [sflag:s13], $0x1900  }
0x42: {  	[sflag:s13] =	ssyncset.done $0x0  }
0x43: {  	[sflag:s13] =	ssyncadd.s32 $0xFFFFE700  }
0x44: {  	s29 =	simm.s32 $0x0;
	[bflag:$0x0] =	sbarrier.arrive $0xFFFF  }
0x45: {  	[tilespmem:s29], [sflag:$0x2] =	stream.linear.gather [hbm4b:s9+s29], $0x2800, $0x38;
	[tilespmem:$0x14000] =	vst v63  }
0x46: {  	_ =	swait.ge [sflag:s13], $0x2800  }
0x47: {  	[sflag:s13] =	ssyncset.done $0x0  }
0x48: {  	s30 =	simm.s32 $0x0;
	[sflag:s13] =	ssyncadd.s32 $0xFFFFD800  }
0x49: {  	[tilespmem:s17], [sflag:$0x1] =	stream.indirect.gather [hbm4b:s5+s16], $0x50, s30, s16, $0xb8;
	[tilespmem:$0x14000] =	vst v63  }
0x4a: {  	_ =	swait.ge [sflag:s18], $0x2800  }
0x4b: {  	[sflag:s18] =	ssyncset.done $0x0  }
0x4c: {  	s31 =	simm.s32 $0x2800;
	[sflag:s18] =	ssyncadd.s32 $0xFFFFD800  }
0x4d: {  	[spmem:s3] =	stream.indirect.scatter.add.f32 [tilespmem:s17], [sflag:$0x2], $0x50, s31, s16, $0xb8;
	[tilespmem:$0x14000] =	vst v63  }
0x4e: {  	_ =	swait.ge [sflag:s13], $0x2800  }
0x4f: {  	s21 =	simm.s32 $0x400;
	s20 =	simm.s32 $0x200;
	[sflag:s13] =	ssyncset.done $0x0  }
.LBB2_4:
0x50: {  	s22 =	sshra.s32 s20, $0x2  }
0x51: {  	[sflag:s13] =	ssyncadd.s32 $0xFFFFD800;
	s20 =	smov.u32 s21;
	s23 =	sadd.s32 $0x200, s21  }
0x52: {  	[tilespmem:s17], [sflag:$0x1] =	stream.indirect.gather [hbm4b:s5+s16], $0x50, s22, s16, $0xb8;
	[tilespmem:$0x14000] =	vst v63  }
0x53: {  	p0 =	sne.s32 s21, $0x9E00;
	_ =	swait.ge [sflag:s18], $0x2800  }
.Ltmp1:
0x54: {  	[sflag:s18] =	ssyncset.done $0x0;
	(pc) =	sbr.rel @p0 .LBB2_4-.Ltmp1, $4  }
0x55: {  	s21 =	sadd.s32 $0x2800, s22;
	[sflag:s18] =	ssyncadd.s32 $0xFFFFD800  }
0x56: {  	[spmem:s3] =	stream.indirect.scatter.add.f32 [tilespmem:s17], [sflag:$0x2], $0x50, s21, s16, $0xb8;
	[tilespmem:$0x14000] =	vst v63  }
0x57: {  	_ =	swait.ge [sflag:s13], $0x2800  }
0x58: {  	s21 =	smov.u32 s23;
	[sflag:s13] =	ssyncset.done $0x0  }
0x59: {  	s20 =	sshra.s32 s20, $0x2;
	[sflag:s13] =	ssyncadd.s32 $0xFFFFD800  }
0x5a: {  	[tilespmem:s17], [sflag:$0x1] =	stream.indirect.gather [hbm4b:s5+s16], $0x50, s20, s16, $0xb8;
	[tilespmem:$0x14000] =	vst v63  }
0x5b: {  	_ =	swait.ge [sflag:s18], $0x2800  }
0x5c: {  	[sflag:s18] =	ssyncset.done $0x0  }
0x5d: {  	s20 =	sadd.s32 $0x2800, s20;
	[sflag:s18] =	ssyncadd.s32 $0xFFFFD800  }
0x5e: {  	[spmem:s3] =	stream.indirect.scatter.add.f32 [tilespmem:s17], [sflag:$0x2], $0x50, s20, s16, $0xb8;
	[tilespmem:$0x14000] =	vst v63  }
0x5f: {  	_ =	swait.ge [sflag:s13], $0x2800  }
0x60: {  	[sflag:s13] =	ssyncset.done $0x0  }
0x61: {  	s19 =	sadd.s32 $0x1, s19;
	[sflag:s13] =	ssyncadd.s32 $0xFFFFD800  }
0x62: {  	p0 =	sne.s32 s19, s11;
	[bflag:$0x0] =	sbarrier.arrive $0xFFFF  }
0x63: {  	[hbm:s10], [sflag:s14] =	dma.local [spmem:s15], $0x1900  }
.Ltmp2:
0x64: {  	_ =	swait.ge [sflag:s13], $0x1900;
	(pc) =	sbr.rel @p0 .LBB2_1-.Ltmp2, $3  }
0x65: {  	[sflag:s13] =	ssyncset.done $0x0  }
0x66: {  	[sflag:s13] =	ssyncadd.s32 $0xFFFFE700  }
0x67: {  	[bflag:$0x0] =	sbarrier.arrive $0xFFFF;
	_ =	sdelay $0x1  }
0x68: {  	_ =	sfence.sel $0x180000  }
0x69: {  	[bflag:$0x0] =	sbarrier.arrive $0xFFFF  }
0x6a: {  	p0 =	sne.s32 s2, $0x0;
	_ =	strace $0x9000004D  }
0x6b: {  	s0 =	sadd.s32 @!p0 $0x100000, s0;
	[bflag:$0x2] =	sbarrier.arrive $0xFFFF  }
0x6c: {  	[sflag:s0] =	ssyncadd.tile.s32 @!p0 $0x1;
	_ =	shalt  }
.Lfunc_end2:
_tile_overlayer_lowered:
.L_overlay_start_2:
0x6d: {  	(tag) =	ssettag $0x2  }
0x6e: {  	s0 =	rddreg [dreg:$0x0];
	s2 =	stileid.u32  }
0x6f: {  	s1 =	rddreg [dreg:$0x1];
	p0 =	sne.s32 s2, $0x0  }
0x70: {  	s3 =	rddreg [dreg:$0x2];
	[bflag:$0x3] =	sbarrier.arrive $0xFFFF;
	s2 =	simm.s32 @!p0 $0x1C02  }
0x71: {  	[timem:s3], [sflag:s2] =	dma.local @!p0 [hbm:s0], s1  }
0x72: {  	s0 =	simm.s32 @!p0 $0x2  }
0x73: {  	_ =	swait.ge @!p0 [sflag:s0], s1  }
0x74: {  	s1 =	ssub.s32 @!p0 $0x0, s1;
	[sflag:s0] =	ssyncset.done @!p0 $0x0  }
0x75: {  	[sflag:s0] =	ssyncadd.s32 @!p0 s1  }
0x76: {  	[bflag:$0x3] =	sbarrier.arrive $0xFFFF  }
0x77: {  	_ =	shalt  }

// kernel: kernel.24.cloned.1.call-start
scs
__scs_entry_jumppad:
0x0: {  	(pc) =	sbr.rel $0x88, $3  }
0x1: {  	(tag) =	ssettag $0x0;
	lr =	simm.s32 $0x1  }
0x2: {  	[smem:$0x3F91] =	sst lr;
	_ =	strace $0xD0000000  }
0x3: {  	_ = 	snop  }
0x4: {  	_ = 	snop  }
0x5: {  	_ = 	snop  }
0x6: {  	_ = 	snop  }
0x7: {  	_ = 	snop  }
__scs_overlays_trampoline_lowered:
0x8: {  	[smem:$0x3FA0] =	sst s0  }
0x9: {  	[smem:$0x3FA1] =	sst s1  }
0xa: {  	[smem:$0x3FA2] =	sst s2  }
0xb: {  	[smem:$0x3FA3] =	sst s3  }
0xc: {  	[smem:$0x3FA4] =	sst s4  }
0xd: {  	[smem:$0x3FA5] =	sst s5  }
0xe: {  	[smem:$0x3FA6] =	sst s6  }
0xf: {  	[smem:$0x3FA7] =	sst s7  }
0x10: {  	[smem:$0x3FA8] =	sst s8  }
0x11: {  	[smem:$0x3FA9] =	sst s9;
	s0 =	simm.s32 @!p0 $0x0  }
0x12: {  	s1 =	sld [smem:$0x3F8F];
	s0 =	simm.s32 @p0 $0x1  }
0x13: {  	[smem:$0x3FAA] =	sst s0;
	s0 =	simm.s32 @!p1 $0x0  }
0x14: {  	s2 =	sld [smem:$0x3F8E];
	s0 =	simm.s32 @p1 $0x1  }
0x15: {  	[smem:$0x3FAB] =	sst s0;
	s0 =	simm.s32 @!p2 $0x0  }
0x16: {  	s3 =	sld [smem:$0x3FDB];
	s0 =	simm.s32 @p2 $0x1  }
0x17: {  	s4 =	simm.s32 $0x1BF5;
	[smem:$0x3FAD] =	sst s0  }
0x18: {  	s0 =	sld [smem:$0x3F90];
	_ =	swait.ge [sflag:s4], $0x0  }
0x19: {  	s7 =	sld [smem:$0x3F91]  }
0x1a: {  	s8 =	sadd.s32 $0xFFFFE003, lr  }
0x1b: {  	s9 =	sadd.s32 $0xFFFFFEF7, lr;
	s5 =	simm.s32 $0xFFFFFFFF;
	p2 =	slt.u32 s8, $0xFFFFF086  }
0x1c: {  	p1 =	slt.u32 s9, $0xF7A;
	s5 =	simm.s32 @!p2 $0x0  }
0x1d: {  	s5 =	simm.s32 @p1 $0x1;
	p0 =	seq.s32 s7, s2  }
0x1e: {  	s7 =	smul.u32 @!p0 $0xF7A, s2;
	p2 =	seq.s32 @!p0 s5, $0x0  }
0x1f: {  	s9 =	smul.u32 $0xF7A, s1;
	s8 =	simm.s32 @!p0 $0x1BF5;
	p2 =	por !p2, p0  }
0x20: {  	[sflag:s8] =	ssyncset.s32 @!p0 $0xFFFFF086;
	s6 =	sadd.s32 @!p0 s3, s7;
	s7 =	simm.s32 @!p0 $0x108  }
0x21: {  	s3 =	sadd.s32 s3, s9;
	s6 =	sadd.s32 @!p0 $0x88, s6;
	s7 =	simm.s32 @p2 $0x1082  }
0x22: {  	[simem:s7], [sflag:s8] =	dma.local @!p0 [hbm:s6], $0xF7A  }
0x23: {  	s9 =	sor.u32 $0xD0000000, s2;
	s6 =	simm.s32 $0x108;
	_ =	swait.ge @!p0 [sflag:s8], $0x0  }
0x24: {  	s3 =	sadd.s32 $0x88, s3;
	s6 =	simm.s32 @!p1 $0x1082;
	[sflag:s4] =	ssyncset.s32 $0xFFFFF086  }
0x25: {  	[simem:s6], [sflag:s4] =	dma.local [hbm:s3], $0xF7A  }
0x26: {  	[smem:$0x3F91] =	sst s1;
	(tag) =	ssettag s2;
	_ =	strace s9  }
0x27: {  	s1 =	sld [smem:$0x3FA1]  }
0x28: {  	s2 =	sld [smem:$0x3FA2]  }
0x29: {  	s4 =	sld [smem:$0x3FA4]  }
0x2a: {  	p0 =	seq.s32 s5, $0x0;
	s5 =	sld [smem:$0x3FA5]  }
0x2b: {  	s6 =	sld [smem:$0x3FA6]  }
0x2c: {  	s7 =	sld [smem:$0x3FA7]  }
0x2d: {  	s3 =	simm.s32 $0x108;
	s8 =	sld [smem:$0x3FA8]  }
0x2e: {  	s3 =	simm.s32 @!p0 $0x1082;
	s9 =	sld [smem:$0x3FA9]  }
0x2f: {  	lr =	sadd.s32 s0, s3;
	s0 =	sld [smem:$0x3FA0]  }
0x30: {  	s3 =	sld [smem:$0x3FA3]  }
0x31: {  	[smem:$0x3FAC] =	sst s10  }
0x32: {  	s10 =	sld [smem:$0x3FAA];
	_ =	sdelay $0x3  }
0x33: {  	p0 =	seq.s32 s10, $0x1;
	s10 =	sld [smem:$0x3FAC];
	_ =	sdelay $0x3  }
0x34: {  	[smem:$0x3FAC] =	sst s10  }
0x35: {  	s10 =	sld [smem:$0x3FAB];
	_ =	sdelay $0x3  }
0x36: {  	p1 =	seq.s32 s10, $0x1;
	s10 =	sld [smem:$0x3FAC];
	_ =	sdelay $0x3  }
0x37: {  	[smem:$0x3FAC] =	sst s10  }
0x38: {  	s10 =	sld [smem:$0x3FAD]  }
0x39: {  	_ = 	snop;
	(pc) =	sbr.ind lr, $3  }
0x3a: {  	_ = 	snop  }
0x3b: {  	_ = 	snop  }
0x3c: {  	p2 =	seq.s32 s10, $0x1;
	s10 =	sld [smem:$0x3FAC]  }
0x3d: {  	_ =	shalt  }
0x3e: {  	_ =	shalt  }
0x3f: {  	_ =	shalt  }
0x40: {  	_ =	shalt  }
0x41: {  	_ =	shalt  }
0x42: {  	_ =	shalt  }
0x43: {  	_ =	shalt  }
0x44: {  	_ =	shalt  }
0x45: {  	_ =	shalt  }
0x46: {  	_ =	shalt  }
0x47: {  	_ =	shalt  }
0x48: {  	_ =	shalt  }
0x49: {  	_ =	shalt  }
0x4a: {  	_ =	shalt  }
0x4b: {  	_ =	shalt  }
0x4c: {  	_ =	shalt  }
0x4d: {  	_ =	shalt  }
0x4e: {  	_ =	shalt  }
0x4f: {  	_ =	shalt  }
0x50: {  	_ =	shalt  }
0x51: {  	_ =	shalt  }
0x52: {  	_ =	shalt  }
0x53: {  	_ =	shalt  }
0x54: {  	_ =	shalt  }
0x55: {  	_ =	shalt  }
0x56: {  	_ =	shalt  }
0x57: {  	_ =	shalt  }
0x58: {  	_ =	shalt  }
0x59: {  	_ =	shalt  }
0x5a: {  	_ =	shalt  }
0x5b: {  	_ =	shalt  }
0x5c: {  	_ =	shalt  }
0x5d: {  	_ =	shalt  }
0x5e: {  	_ =	shalt  }
0x5f: {  	_ =	shalt  }
0x60: {  	_ =	shalt  }
0x61: {  	_ =	shalt  }
0x62: {  	_ =	shalt  }
0x63: {  	_ =	shalt  }
0x64: {  	_ =	shalt  }
0x65: {  	_ =	shalt  }
0x66: {  	_ =	shalt  }
0x67: {  	_ =	shalt  }
0x68: {  	_ =	shalt  }
0x69: {  	_ =	shalt  }
0x6a: {  	_ =	shalt  }
0x6b: {  	_ =	shalt  }
0x6c: {  	_ =	shalt  }
0x6d: {  	_ =	shalt  }
0x6e: {  	_ =	shalt  }
0x6f: {  	_ =	shalt  }
0x70: {  	_ =	shalt  }
0x71: {  	_ =	shalt  }
0x72: {  	_ =	shalt  }
0x73: {  	_ =	shalt  }
0x74: {  	_ =	shalt  }
0x75: {  	_ =	shalt  }
0x76: {  	_ =	shalt  }
0x77: {  	_ =	shalt  }
0x78: {  	_ =	shalt  }
0x79: {  	_ =	shalt  }
0x7a: {  	_ =	shalt  }
0x7b: {  	_ =	shalt  }
0x7c: {  	_ =	shalt  }
0x7d: {  	_ =	shalt  }
0x7e: {  	_ =	shalt  }
0x7f: {  	_ =	shalt  }
0x80: {  	_ =	shalt  }
0x81: {  	_ =	shalt  }
0x82: {  	_ =	shalt  }
0x83: {  	_ =	shalt  }
0x84: {  	_ =	shalt  }
0x85: {  	_ =	shalt  }
0x86: {  	_ =	shalt  }
0x87: {  	_ =	shalt  }
.Lfunc_end0:
.L_simem_size_0:
called_computation.3_lowered:
.L_overlay_start_0:
0x88: {  	s2 =	sld [smem:$0x3FD9]  }
0x89: {  	s3 =	sld [smem:$0x3FFE];
	_ =	sdelay $0x1  }
0x8a: {  	s1 =	srdreg.scid  }
0x8b: {  	s0 =	sand.u32 $0x1, s1  }
0x8c: {  	s17 =	sshll.u32 s0, $0xA;
	s2 =	sadd.s32 s3, s2  }
0x8d: {  	s2 =	sadd.s32 s2, s17  }
0x8e: {  	[smem:$0x3FB8] =	sst s2  }
0x8f: {  	_ = 	snop  }
0x90: {  	s2 =	sld [smem:$0x3FD0];
	(tm) =	ssettm $0x1  }
0x91: {  	s18 =	sld [smem:$0x3FFB];
	_ =	sdelay $0x3  }
0x92: {  	_ =	strace s18  }
0x93: {  	s3 =	sld [smem:$0x3FFC];
	_ =	sdelay $0x3  }
0x94: {  	_ =	strace s3  }
0x95: {  	s3 =	sld [smem:$0x3FFD];
	_ =	sdelay $0x3  }
0x96: {  	_ =	strace s3  }
0x97: {  	_ =	strace $0x8FFFFFFF  }
0x98: {  	s19 =	sld [smem:$0x3FDB];
	_ =	sdelay $0x1  }
0x99: {  	s4 =	simm.s32 $_scs_section_size  }
0x9a: {  	s5 =	simm.s32 $_size__tile_overlayer_lowered;
	s6 =	simm.s32 $_tile_overlayer_lowered  }
0x9b: {  	s22 =	simm.s32 $0x1BFF;
	s21 =	sshll.u32 s6, $0x1;
	s3 =	sadd.s32 s4, s19  }
0x9c: {  	s7 =	simm.s32 $0x0;
	s20 =	sshll.u32 s5, $0x1;
	s5 =	sadd.s32 s21, s3  }
0x9d: {  	[timem:s7], [sflag:s22] =	dma.local [hbm:s5], s20  }
0x9e: {  	_ =	swait.ge [sflag:s22], s20  }
0x9f: {  	s4 =	ssub.s32 $0x0, s20;
	[sflag:s22] =	ssyncset.done $0x0  }
0xa0: {  	[sflag:s22] =	ssyncadd.s32 s4;
	_ =	sdelay $0x1  }
0xa1: {  	s23 =	simm.s32 $0x1B8B  }
0xa2: {  	_ =	swait.ge [sflag:s23], $0x1  }
0xa3: {  	[sflag:s23] =	ssyncset.done $0x0  }
0xa4: {  	s25 =	simm.s32 $0x1B8E;
	s24 =	sld [smem:$0x3FFE];
	[sflag:s23] =	ssyncadd.s32 $0xFFFFFFFF  }
0xa5: {  	s26 =	simm.s32 $execute0_lowered;
	[smem:$0x3FD2] =	sst s25  }
0xa6: {  	s5 =	sshll.u32 s26, $0x1;
	_ =	strace $0x8000004F;
	[dreg:$0x1] =	wrdreg $0xFFFFFFFF  }
0xa7: {  	s28 =	simm.s32 $_size_execute0_lowered;
	s3 =	sadd.s32 s3, s5;
	[dreg:$0x0] =	wrdreg $0x0  }
0xa8: {  	s5 =	sshll.u32 s28, $0x1;
	[dreg:$0x2] =	wrdreg s3  }
0xa9: {  	[dreg:$0x3] =	wrdreg s5  }
0xaa: {  	[dreg:$0x4] =	wrdreg $0xC0  }
0xab: {  	_ =	task [dreg:s7], $0x5FFFF  }
0xac: {  	[dreg:$0x1] =	wrdreg $0xFFFFFFFF  }
0xad: {  	[dreg:$0x0] =	wrdreg $0x60  }
0xae: {  	[dreg:$0x2] =	wrdreg s24  }
0xaf: {  	[dreg:$0x3] =	wrdreg s2  }
0xb0: {  	[dreg:$0x4] =	wrdreg $0x78000  }
0xb1: {  	[dreg:$0x5] =	wrdreg $0x9  }
0xb2: {  	_ =	task.clear_ibuf [dreg:s7], $0x6FFFF;
	_ =	strace $0x9000004F  }
0xb3: {  	s29 =	simm.s32 $0x9;
	_ =	strace $0x80000051  }
0xb4: {  	_ =	swait.ge [sflag:s29], $0x1  }
0xb5: {  	[sflag:s29] =	ssyncadd.s32 $0xFFFFFFFF  }
0xb6: {  	_ =	strace $0x90000051  }
0xb7: {  	_ =	sfence  }
0xb8: {  	s30 =	sld [smem:$0x0];
	_ =	sdelay $0x2  }
0xb9: {  	s31 =	sshll.u32 s1, $0xD;
	s1 =	sshrl.u32 s1, $0x2  }
0xba: {  	s3 =	sand.u32 $0x4000, s31;
	s1 =	sadd.s32 s1, s30  }
0xbb: {  	s0 =	sor.u32 s3, s0;
	s1 =	sshll.u32 s1, $0x11  }
0xbc: {  	s0 =	sor.u32 s1, s0  }
0xbd: {  	s0 =	sadd.s32 $0x8F2B, s0  }
0xbe: {  	[sflag:s0] =	ssyncadd.remote.s32 $0x1  }
0xbf: {  	_ =	sfence.sel $0xFFFF  }
0xc0: {  	[dreg:$0x0] =	wrdreg $0xFFFFFFFF;
	(pc) =	sbr.abs _section_cstart, $3  }
0xc1: {  	[dreg:$0x1] =	wrdreg $0xFFFFFFFF  }
0xc2: {  	_ =	task.clear_ibuf [dreg:s7], $0x2FFFF;
	_ =	strace $0x9FFFFFFF  }
0xc3: {  	(tm) =	ssettm $0x7FFFFFFF  }
tec
execute0_lowered:
.L_overlay_start_1:
0x0: {  	(tag) =	ssettag $0x1  }
0x1: {  	s6 =	rddreg [dreg:$0x0]  }
0x2: {  	s1 =	rddreg [dreg:$0x1]  }
0x3: {  	s3 =	rddreg [dreg:$0x2]  }
0x4: {  	s0 =	rddreg [dreg:$0x3];
	s4 =	simm.s32 $0x0;
	s2 =	stileid.u32  }
0x5: {  	s8 =	srdreg.scid;
	s18 =	simm.s32 $0x1;
	s19 =	simm.s32 $0x0  }
0x6: {  	[smem:$0x7FF] =	sst s4;
	s7 =	smul.u32 $0x2800, s2;
	s5 =	sadd.s32 $0x121400, s6  }
0x7: {  	s9 =	sadd.s32 $0x10D400, s6;
	s8 =	sand.u32 $0x1, s8;
	s11 =	smul.u32 $0x280, s2  }
0x8: {  	s13 =	smul.u32 $0x32000, s2;
	s14 =	sadd.s32 $0x4400, s6;
	s31 =	sshll.u32 s2, $0x6  }
0x9: {  	_ =	strace $0x80000050;
	s12 =	ssub.s32 $0x2, s8;
	s15 =	smul.u32 $0x28000, s8  }
0xa: {  	s16 =	smul.u32 $0x2800, s8;
	s8 =	sor.u32 $0x2, s8;
	s10 =	sshrl.u32 s7, $0x3  }
0xb: {  	s23 =	sshrl.u32 s12, $0x1;
	s24 =	sshrl.u32 s13, $0x2;
	s25 =	smul.u32 $0x2800, s8  }
0xc: {  	s8 =	smul.u32 $0x28000, s8;
	s13 =	simm.s32 $0x2;
	s10 =	sadd.s32 s10, s6  }
0xd: {  	s12 =	ssub.s32 s12, s23;
	s17 =	sadd.s32 s24, s3;
	s26 =	sadd.s32 s11, s16  }
0xe: {  	s15 =	sadd.s32 s7, s15;
	s16 =	simm.s32 $0x80;
	s6 =	sadd.s32 $0x108400, s10  }
0xf: {  	s10 =	smul.u32 $0xA, s26;
	s11 =	sadd.s32 s11, s25;
	s28 =	sshrl.u32 s15, $0x3  }
0x10: {  	s29 =	sadd.s32 s7, s8;
	s15 =	sshrl.u32 s17, $0x3;
	s11 =	smul.u32 $0xA, s11  }
0x11: {  	s17 =	simm.s32 $0x5000;
	s7 =	sadd.s32 s9, s28;
	s30 =	sshrl.u32 s29, $0x3  }
0x12: {  	s8 =	sadd.s32 s14, s10;
	s9 =	sadd.s32 s9, s30;
	s10 =	sadd.s32 s14, s11  }
0x13: {  	s11 =	smax.u32 s12, $0x1;
	s12 =	simm.s32 $0x2800;
	s14 =	sor.u32 $0x1C02, s31  }
.LBB2_1:
0x14: {  	[tilespmem:s12], [sflag:$0x2] =	stream.linear.gather [hbm4b:s6+s4], $0x2800, $0x38;
	[tilespmem:$0x14000] =	vst v63  }
0x15: {  	_ =	swait.ge [sflag:s13], $0x2800  }
0x16: {  	[sflag:s13] =	ssyncset.done $0x0  }
0x17: {  	[sflag:s13] =	ssyncadd.s32 $0xFFFFD800  }
0x18: {  	[spmem:s15], [sflag:s14] =	dma.local [hbm:s1], $0x1900  }
0x19: {  	_ =	swait.ge [sflag:s13], $0x1900  }
0x1a: {  	[sflag:s13] =	ssyncset.done $0x0  }
0x1b: {  	[sflag:s13] =	ssyncadd.s32 $0xFFFFE700  }
0x1c: {  	[bflag:$0x0] =	sbarrier.arrive $0xFFFF  }
0x1d: {  	[tilespmem:s4], [sflag:$0x2] =	stream.linear.gather [hbm4b:s7+s4], $0x2800, $0x38;
	[tilespmem:$0x14000] =	vst v63  }
0x1e: {  	_ =	swait.ge [sflag:s13], $0x2800  }
0x1f: {  	[sflag:s13] =	ssyncset.done $0x0  }
0x20: {  	s20 =	simm.s32 $0x0;
	[sflag:s13] =	ssyncadd.s32 $0xFFFFD800  }
0x21: {  	[tilespmem:s17], [sflag:$0x1] =	stream.indirect.gather [hbm4b:s5+s16], $0x50, s20, s16, $0xb8;
	[tilespmem:$0x14000] =	vst v63  }
0x22: {  	_ =	swait.ge [sflag:s18], $0x2800  }
0x23: {  	[sflag:s18] =	ssyncset.done $0x0  }
0x24: {  	s31 =	simm.s32 $0x2800;
	[sflag:s18] =	ssyncadd.s32 $0xFFFFD800  }
0x25: {  	[spmem:s3] =	stream.indirect.scatter.add.f32 [tilespmem:s17], [sflag:$0x2], $0x50, s31, s16, $0xb8;
	[tilespmem:$0x14000] =	vst v63  }
0x26: {  	_ =	swait.ge [sflag:s13], $0x2800  }
0x27: {  	s21 =	simm.s32 $0x400;
	s20 =	simm.s32 $0x200;
	[sflag:s13] =	ssyncset.done $0x0  }
.LBB2_2:
0x28: {  	s22 =	sshra.s32 s20, $0x2  }
0x29: {  	[sflag:s13] =	ssyncadd.s32 $0xFFFFD800;
	s20 =	smov.u32 s21;
	s23 =	sadd.s32 $0x200, s21  }
0x2a: {  	[tilespmem:s17], [sflag:$0x1] =	stream.indirect.gather [hbm4b:s5+s16], $0x50, s22, s16, $0xb8;
	[tilespmem:$0x14000] =	vst v63  }
0x2b: {  	p0 =	sne.s32 s21, $0x9E00;
	_ =	swait.ge [sflag:s18], $0x2800  }
.Ltmp0:
0x2c: {  	[sflag:s18] =	ssyncset.done $0x0;
	(pc) =	sbr.rel @p0 .LBB2_2-.Ltmp0, $4  }
0x2d: {  	s21 =	sadd.s32 $0x2800, s22;
	[sflag:s18] =	ssyncadd.s32 $0xFFFFD800  }
0x2e: {  	[spmem:s3] =	stream.indirect.scatter.add.f32 [tilespmem:s17], [sflag:$0x2], $0x50, s21, s16, $0xb8;
	[tilespmem:$0x14000] =	vst v63  }
0x2f: {  	_ =	swait.ge [sflag:s13], $0x2800  }
0x30: {  	s21 =	smov.u32 s23;
	[sflag:s13] =	ssyncset.done $0x0  }
0x31: {  	s20 =	sshra.s32 s20, $0x2;
	[sflag:s13] =	ssyncadd.s32 $0xFFFFD800  }
0x32: {  	[tilespmem:s17], [sflag:$0x1] =	stream.indirect.gather [hbm4b:s5+s16], $0x50, s20, s16, $0xb8;
	[tilespmem:$0x14000] =	vst v63  }
0x33: {  	_ =	swait.ge [sflag:s18], $0x2800  }
0x34: {  	[sflag:s18] =	ssyncset.done $0x0  }
0x35: {  	s20 =	sadd.s32 $0x2800, s20;
	[sflag:s18] =	ssyncadd.s32 $0xFFFFD800  }
0x36: {  	[spmem:s3] =	stream.indirect.scatter.add.f32 [tilespmem:s17], [sflag:$0x2], $0x50, s20, s16, $0xb8;
	[tilespmem:$0x14000] =	vst v63  }
0x37: {  	_ =	swait.ge [sflag:s13], $0x2800  }
0x38: {  	[sflag:s13] =	ssyncset.done $0x0  }
0x39: {  	[sflag:s13] =	ssyncadd.s32 $0xFFFFD800  }
0x3a: {  	[bflag:$0x0] =	sbarrier.arrive $0xFFFF  }
0x3b: {  	[hbm:s8], [sflag:s14] =	dma.local [spmem:s15], $0x1900  }
0x3c: {  	_ =	swait.ge [sflag:s13], $0x1900  }
0x3d: {  	[sflag:s13] =	ssyncset.done $0x0  }
0x3e: {  	[sflag:s13] =	ssyncadd.s32 $0xFFFFE700  }
0x3f: {  	[bflag:$0x0] =	sbarrier.arrive $0xFFFF  }
0x40: {  	[spmem:s15], [sflag:s14] =	dma.local [hbm:s1], $0x1900  }
0x41: {  	_ =	swait.ge [sflag:s13], $0x1900  }
0x42: {  	[sflag:s13] =	ssyncset.done $0x0  }
0x43: {  	[sflag:s13] =	ssyncadd.s32 $0xFFFFE700  }
0x44: {  	s29 =	simm.s32 $0x0;
	[bflag:$0x0] =	sbarrier.arrive $0xFFFF  }
0x45: {  	[tilespmem:s29], [sflag:$0x2] =	stream.linear.gather [hbm4b:s9+s29], $0x2800, $0x38;
	[tilespmem:$0x14000] =	vst v63  }
0x46: {  	_ =	swait.ge [sflag:s13], $0x2800  }
0x47: {  	[sflag:s13] =	ssyncset.done $0x0  }
0x48: {  	s30 =	simm.s32 $0x0;
	[sflag:s13] =	ssyncadd.s32 $0xFFFFD800  }
0x49: {  	[tilespmem:s17], [sflag:$0x1] =	stream.indirect.gather [hbm4b:s5+s16], $0x50, s30, s16, $0xb8;
	[tilespmem:$0x14000] =	vst v63  }
0x4a: {  	_ =	swait.ge [sflag:s18], $0x2800  }
0x4b: {  	[sflag:s18] =	ssyncset.done $0x0  }
0x4c: {  	s31 =	simm.s32 $0x2800;
	[sflag:s18] =	ssyncadd.s32 $0xFFFFD800  }
0x4d: {  	[spmem:s3] =	stream.indirect.scatter.add.f32 [tilespmem:s17], [sflag:$0x2], $0x50, s31, s16, $0xb8;
	[tilespmem:$0x14000] =	vst v63  }
0x4e: {  	_ =	swait.ge [sflag:s13], $0x2800  }
0x4f: {  	s21 =	simm.s32 $0x400;
	s20 =	simm.s32 $0x200;
	[sflag:s13] =	ssyncset.done $0x0  }
.LBB2_4:
0x50: {  	s22 =	sshra.s32 s20, $0x2  }
0x51: {  	[sflag:s13] =	ssyncadd.s32 $0xFFFFD800;
	s20 =	smov.u32 s21;
	s23 =	sadd.s32 $0x200, s21  }
0x52: {  	[tilespmem:s17], [sflag:$0x1] =	stream.indirect.gather [hbm4b:s5+s16], $0x50, s22, s16, $0xb8;
	[tilespmem:$0x14000] =	vst v63  }
0x53: {  	p0 =	sne.s32 s21, $0x9E00;
	_ =	swait.ge [sflag:s18], $0x2800  }
.Ltmp1:
0x54: {  	[sflag:s18] =	ssyncset.done $0x0;
	(pc) =	sbr.rel @p0 .LBB2_4-.Ltmp1, $4  }
0x55: {  	s21 =	sadd.s32 $0x2800, s22;
	[sflag:s18] =	ssyncadd.s32 $0xFFFFD800  }
0x56: {  	[spmem:s3] =	stream.indirect.scatter.add.f32 [tilespmem:s17], [sflag:$0x2], $0x50, s21, s16, $0xb8;
	[tilespmem:$0x14000] =	vst v63  }
0x57: {  	_ =	swait.ge [sflag:s13], $0x2800  }
0x58: {  	s21 =	smov.u32 s23;
	[sflag:s13] =	ssyncset.done $0x0  }
0x59: {  	s20 =	sshra.s32 s20, $0x2;
	[sflag:s13] =	ssyncadd.s32 $0xFFFFD800  }
0x5a: {  	[tilespmem:s17], [sflag:$0x1] =	stream.indirect.gather [hbm4b:s5+s16], $0x50, s20, s16, $0xb8;
	[tilespmem:$0x14000] =	vst v63  }
0x5b: {  	_ =	swait.ge [sflag:s18], $0x2800  }
0x5c: {  	[sflag:s18] =	ssyncset.done $0x0  }
0x5d: {  	s20 =	sadd.s32 $0x2800, s20;
	[sflag:s18] =	ssyncadd.s32 $0xFFFFD800  }
0x5e: {  	[spmem:s3] =	stream.indirect.scatter.add.f32 [tilespmem:s17], [sflag:$0x2], $0x50, s20, s16, $0xb8;
	[tilespmem:$0x14000] =	vst v63  }
0x5f: {  	_ =	swait.ge [sflag:s13], $0x2800  }
0x60: {  	[sflag:s13] =	ssyncset.done $0x0  }
0x61: {  	s19 =	sadd.s32 $0x1, s19;
	[sflag:s13] =	ssyncadd.s32 $0xFFFFD800  }
0x62: {  	p0 =	sne.s32 s19, s11;
	[bflag:$0x0] =	sbarrier.arrive $0xFFFF  }
0x63: {  	[hbm:s10], [sflag:s14] =	dma.local [spmem:s15], $0x1900  }
.Ltmp2:
0x64: {  	_ =	swait.ge [sflag:s13], $0x1900;
	(pc) =	sbr.rel @p0 .LBB2_1-.Ltmp2, $3  }
0x65: {  	[sflag:s13] =	ssyncset.done $0x0  }
0x66: {  	[sflag:s13] =	ssyncadd.s32 $0xFFFFE700  }
0x67: {  	[bflag:$0x0] =	sbarrier.arrive $0xFFFF;
	_ =	sdelay $0x1  }
0x68: {  	_ =	sfence.sel $0x180000  }
0x69: {  	[bflag:$0x0] =	sbarrier.arrive $0xFFFF  }
0x6a: {  	p0 =	sne.s32 s2, $0x0;
	_ =	strace $0x90000050  }
0x6b: {  	s0 =	sadd.s32 @!p0 $0x100000, s0;
	[bflag:$0x2] =	sbarrier.arrive $0xFFFF  }
0x6c: {  	[sflag:s0] =	ssyncadd.tile.s32 @!p0 $0x1;
	_ =	shalt  }
.Lfunc_end2:
_tile_overlayer_lowered:
.L_overlay_start_2:
0x6d: {  	(tag) =	ssettag $0x2  }
0x6e: {  	s0 =	rddreg [dreg:$0x0];
	s2 =	stileid.u32  }
0x6f: {  	s1 =	rddreg [dreg:$0x1];
	p0 =	sne.s32 s2, $0x0  }
0x70: {  	s3 =	rddreg [dreg:$0x2];
	[bflag:$0x3] =	sbarrier.arrive $0xFFFF;
	s2 =	simm.s32 @!p0 $0x1C02  }
0x71: {  	[timem:s3], [sflag:s2] =	dma.local @!p0 [hbm:s0], s1  }
0x72: {  	s0 =	simm.s32 @!p0 $0x2  }
0x73: {  	_ =	swait.ge @!p0 [sflag:s0], s1  }
0x74: {  	s1 =	ssub.s32 @!p0 $0x0, s1;
	[sflag:s0] =	ssyncset.done @!p0 $0x0  }
0x75: {  	[sflag:s0] =	ssyncadd.s32 @!p0 s1  }
0x76: {  	[bflag:$0x3] =	sbarrier.arrive $0xFFFF  }
0x77: {  	_ =	shalt  }

// kernel: kernel.27.cloned.1.call-start
scs
__scs_entry_jumppad:
0x0: {  	(pc) =	sbr.rel $0x88, $3  }
0x1: {  	(tag) =	ssettag $0x0;
	lr =	simm.s32 $0x1  }
0x2: {  	[smem:$0x3F91] =	sst lr;
	_ =	strace $0xD0000000  }
0x3: {  	_ = 	snop  }
0x4: {  	_ = 	snop  }
0x5: {  	_ = 	snop  }
0x6: {  	_ = 	snop  }
0x7: {  	_ = 	snop  }
__scs_overlays_trampoline_lowered:
0x8: {  	[smem:$0x3FA0] =	sst s0  }
0x9: {  	[smem:$0x3FA1] =	sst s1  }
0xa: {  	[smem:$0x3FA2] =	sst s2  }
0xb: {  	[smem:$0x3FA3] =	sst s3  }
0xc: {  	[smem:$0x3FA4] =	sst s4  }
0xd: {  	[smem:$0x3FA5] =	sst s5  }
0xe: {  	[smem:$0x3FA6] =	sst s6  }
0xf: {  	[smem:$0x3FA7] =	sst s7  }
0x10: {  	[smem:$0x3FA8] =	sst s8  }
0x11: {  	[smem:$0x3FA9] =	sst s9;
	s0 =	simm.s32 @!p0 $0x0  }
0x12: {  	s1 =	sld [smem:$0x3F8F];
	s0 =	simm.s32 @p0 $0x1  }
0x13: {  	[smem:$0x3FAA] =	sst s0;
	s0 =	simm.s32 @!p1 $0x0  }
0x14: {  	s2 =	sld [smem:$0x3F8E];
	s0 =	simm.s32 @p1 $0x1  }
0x15: {  	[smem:$0x3FAB] =	sst s0;
	s0 =	simm.s32 @!p2 $0x0  }
0x16: {  	s3 =	sld [smem:$0x3FDB];
	s0 =	simm.s32 @p2 $0x1  }
0x17: {  	s4 =	simm.s32 $0x1BF5;
	[smem:$0x3FAD] =	sst s0  }
0x18: {  	s0 =	sld [smem:$0x3F90];
	_ =	swait.ge [sflag:s4], $0x0  }
0x19: {  	s7 =	sld [smem:$0x3F91]  }
0x1a: {  	s8 =	sadd.s32 $0xFFFFE003, lr  }
0x1b: {  	s9 =	sadd.s32 $0xFFFFFEF7, lr;
	s5 =	simm.s32 $0xFFFFFFFF;
	p2 =	slt.u32 s8, $0xFFFFF086  }
0x1c: {  	p1 =	slt.u32 s9, $0xF7A;
	s5 =	simm.s32 @!p2 $0x0  }
0x1d: {  	s5 =	simm.s32 @p1 $0x1;
	p0 =	seq.s32 s7, s2  }
0x1e: {  	s7 =	smul.u32 @!p0 $0xF7A, s2;
	p2 =	seq.s32 @!p0 s5, $0x0  }
0x1f: {  	s9 =	smul.u32 $0xF7A, s1;
	s8 =	simm.s32 @!p0 $0x1BF5;
	p2 =	por !p2, p0  }
0x20: {  	[sflag:s8] =	ssyncset.s32 @!p0 $0xFFFFF086;
	s6 =	sadd.s32 @!p0 s3, s7;
	s7 =	simm.s32 @!p0 $0x108  }
0x21: {  	s3 =	sadd.s32 s3, s9;
	s6 =	sadd.s32 @!p0 $0x88, s6;
	s7 =	simm.s32 @p2 $0x1082  }
0x22: {  	[simem:s7], [sflag:s8] =	dma.local @!p0 [hbm:s6], $0xF7A  }
0x23: {  	s9 =	sor.u32 $0xD0000000, s2;
	s6 =	simm.s32 $0x108;
	_ =	swait.ge @!p0 [sflag:s8], $0x0  }
0x24: {  	s3 =	sadd.s32 $0x88, s3;
	s6 =	simm.s32 @!p1 $0x1082;
	[sflag:s4] =	ssyncset.s32 $0xFFFFF086  }
0x25: {  	[simem:s6], [sflag:s4] =	dma.local [hbm:s3], $0xF7A  }
0x26: {  	[smem:$0x3F91] =	sst s1;
	(tag) =	ssettag s2;
	_ =	strace s9  }
0x27: {  	s1 =	sld [smem:$0x3FA1]  }
0x28: {  	s2 =	sld [smem:$0x3FA2]  }
0x29: {  	s4 =	sld [smem:$0x3FA4]  }
0x2a: {  	p0 =	seq.s32 s5, $0x0;
	s5 =	sld [smem:$0x3FA5]  }
0x2b: {  	s6 =	sld [smem:$0x3FA6]  }
0x2c: {  	s7 =	sld [smem:$0x3FA7]  }
0x2d: {  	s3 =	simm.s32 $0x108;
	s8 =	sld [smem:$0x3FA8]  }
0x2e: {  	s3 =	simm.s32 @!p0 $0x1082;
	s9 =	sld [smem:$0x3FA9]  }
0x2f: {  	lr =	sadd.s32 s0, s3;
	s0 =	sld [smem:$0x3FA0]  }
0x30: {  	s3 =	sld [smem:$0x3FA3]  }
0x31: {  	[smem:$0x3FAC] =	sst s10  }
0x32: {  	s10 =	sld [smem:$0x3FAA];
	_ =	sdelay $0x3  }
0x33: {  	p0 =	seq.s32 s10, $0x1;
	s10 =	sld [smem:$0x3FAC];
	_ =	sdelay $0x3  }
0x34: {  	[smem:$0x3FAC] =	sst s10  }
0x35: {  	s10 =	sld [smem:$0x3FAB];
	_ =	sdelay $0x3  }
0x36: {  	p1 =	seq.s32 s10, $0x1;
	s10 =	sld [smem:$0x3FAC];
	_ =	sdelay $0x3  }
0x37: {  	[smem:$0x3FAC] =	sst s10  }
0x38: {  	s10 =	sld [smem:$0x3FAD]  }
0x39: {  	_ = 	snop;
	(pc) =	sbr.ind lr, $3  }
0x3a: {  	_ = 	snop  }
0x3b: {  	_ = 	snop  }
0x3c: {  	p2 =	seq.s32 s10, $0x1;
	s10 =	sld [smem:$0x3FAC]  }
0x3d: {  	_ =	shalt  }
0x3e: {  	_ =	shalt  }
0x3f: {  	_ =	shalt  }
0x40: {  	_ =	shalt  }
0x41: {  	_ =	shalt  }
0x42: {  	_ =	shalt  }
0x43: {  	_ =	shalt  }
0x44: {  	_ =	shalt  }
0x45: {  	_ =	shalt  }
0x46: {  	_ =	shalt  }
0x47: {  	_ =	shalt  }
0x48: {  	_ =	shalt  }
0x49: {  	_ =	shalt  }
0x4a: {  	_ =	shalt  }
0x4b: {  	_ =	shalt  }
0x4c: {  	_ =	shalt  }
0x4d: {  	_ =	shalt  }
0x4e: {  	_ =	shalt  }
0x4f: {  	_ =	shalt  }
0x50: {  	_ =	shalt  }
0x51: {  	_ =	shalt  }
0x52: {  	_ =	shalt  }
0x53: {  	_ =	shalt  }
0x54: {  	_ =	shalt  }
0x55: {  	_ =	shalt  }
0x56: {  	_ =	shalt  }
0x57: {  	_ =	shalt  }
0x58: {  	_ =	shalt  }
0x59: {  	_ =	shalt  }
0x5a: {  	_ =	shalt  }
0x5b: {  	_ =	shalt  }
0x5c: {  	_ =	shalt  }
0x5d: {  	_ =	shalt  }
0x5e: {  	_ =	shalt  }
0x5f: {  	_ =	shalt  }
0x60: {  	_ =	shalt  }
0x61: {  	_ =	shalt  }
0x62: {  	_ =	shalt  }
0x63: {  	_ =	shalt  }
0x64: {  	_ =	shalt  }
0x65: {  	_ =	shalt  }
0x66: {  	_ =	shalt  }
0x67: {  	_ =	shalt  }
0x68: {  	_ =	shalt  }
0x69: {  	_ =	shalt  }
0x6a: {  	_ =	shalt  }
0x6b: {  	_ =	shalt  }
0x6c: {  	_ =	shalt  }
0x6d: {  	_ =	shalt  }
0x6e: {  	_ =	shalt  }
0x6f: {  	_ =	shalt  }
0x70: {  	_ =	shalt  }
0x71: {  	_ =	shalt  }
0x72: {  	_ =	shalt  }
0x73: {  	_ =	shalt  }
0x74: {  	_ =	shalt  }
0x75: {  	_ =	shalt  }
0x76: {  	_ =	shalt  }
0x77: {  	_ =	shalt  }
0x78: {  	_ =	shalt  }
0x79: {  	_ =	shalt  }
0x7a: {  	_ =	shalt  }
0x7b: {  	_ =	shalt  }
0x7c: {  	_ =	shalt  }
0x7d: {  	_ =	shalt  }
0x7e: {  	_ =	shalt  }
0x7f: {  	_ =	shalt  }
0x80: {  	_ =	shalt  }
0x81: {  	_ =	shalt  }
0x82: {  	_ =	shalt  }
0x83: {  	_ =	shalt  }
0x84: {  	_ =	shalt  }
0x85: {  	_ =	shalt  }
0x86: {  	_ =	shalt  }
0x87: {  	_ =	shalt  }
.Lfunc_end0:
.L_simem_size_0:
called_computation.4_lowered:
.L_overlay_start_0:
0x88: {  	s2 =	sld [smem:$0x3FD9]  }
0x89: {  	s3 =	sld [smem:$0x3FFE];
	_ =	sdelay $0x1  }
0x8a: {  	s1 =	srdreg.scid  }
0x8b: {  	s0 =	sand.u32 $0x1, s1  }
0x8c: {  	s17 =	sshll.u32 s0, $0xA;
	s2 =	sadd.s32 s3, s2  }
0x8d: {  	s2 =	sadd.s32 s2, s17  }
0x8e: {  	[smem:$0x3FB8] =	sst s2  }
0x8f: {  	_ = 	snop  }
0x90: {  	s2 =	sld [smem:$0x3FD0];
	(tm) =	ssettm $0x1  }
0x91: {  	s18 =	sld [smem:$0x3FFB];
	_ =	sdelay $0x3  }
0x92: {  	_ =	strace s18  }
0x93: {  	s3 =	sld [smem:$0x3FFC];
	_ =	sdelay $0x3  }
0x94: {  	_ =	strace s3  }
0x95: {  	s3 =	sld [smem:$0x3FFD];
	_ =	sdelay $0x3  }
0x96: {  	_ =	strace s3  }
0x97: {  	_ =	strace $0x8FFFFFFF  }
0x98: {  	s19 =	sld [smem:$0x3FDB];
	_ =	sdelay $0x1  }
0x99: {  	s4 =	simm.s32 $_scs_section_size  }
0x9a: {  	s5 =	simm.s32 $_size__tile_overlayer_lowered;
	s6 =	simm.s32 $_tile_overlayer_lowered  }
0x9b: {  	s22 =	simm.s32 $0x1BFF;
	s21 =	sshll.u32 s6, $0x1;
	s3 =	sadd.s32 s4, s19  }
0x9c: {  	s7 =	simm.s32 $0x0;
	s20 =	sshll.u32 s5, $0x1;
	s5 =	sadd.s32 s21, s3  }
0x9d: {  	[timem:s7], [sflag:s22] =	dma.local [hbm:s5], s20  }
0x9e: {  	_ =	swait.ge [sflag:s22], s20  }
0x9f: {  	s4 =	ssub.s32 $0x0, s20;
	[sflag:s22] =	ssyncset.done $0x0  }
0xa0: {  	[sflag:s22] =	ssyncadd.s32 s4;
	_ =	sdelay $0x1  }
0xa1: {  	s23 =	simm.s32 $0x1B8B  }
0xa2: {  	_ =	swait.ge [sflag:s23], $0x1  }
0xa3: {  	[sflag:s23] =	ssyncset.done $0x0  }
0xa4: {  	s25 =	simm.s32 $0x1B8E;
	s24 =	sld [smem:$0x3FFE];
	[sflag:s23] =	ssyncadd.s32 $0xFFFFFFFF  }
0xa5: {  	s26 =	simm.s32 $execute0_lowered;
	[smem:$0x3FD2] =	sst s25  }
0xa6: {  	s5 =	sshll.u32 s26, $0x1;
	_ =	strace $0x80000052;
	[dreg:$0x1] =	wrdreg $0xFFFFFFFF  }
0xa7: {  	s28 =	simm.s32 $_size_execute0_lowered;
	s3 =	sadd.s32 s3, s5;
	[dreg:$0x0] =	wrdreg $0x0  }
0xa8: {  	s5 =	sshll.u32 s28, $0x1;
	[dreg:$0x2] =	wrdreg s3  }
0xa9: {  	[dreg:$0x3] =	wrdreg s5  }
0xaa: {  	[dreg:$0x4] =	wrdreg $0xC0  }
0xab: {  	_ =	task [dreg:s7], $0x5FFFF  }
0xac: {  	[dreg:$0x1] =	wrdreg $0xFFFFFFFF  }
0xad: {  	[dreg:$0x0] =	wrdreg $0x60  }
0xae: {  	[dreg:$0x2] =	wrdreg s24  }
0xaf: {  	[dreg:$0x3] =	wrdreg s2  }
0xb0: {  	[dreg:$0x4] =	wrdreg $0x78000  }
0xb1: {  	[dreg:$0x5] =	wrdreg $0x9  }
0xb2: {  	_ =	task.clear_ibuf [dreg:s7], $0x6FFFF;
	_ =	strace $0x90000052  }
0xb3: {  	s29 =	simm.s32 $0x9;
	_ =	strace $0x80000054  }
0xb4: {  	_ =	swait.ge [sflag:s29], $0x1  }
0xb5: {  	[sflag:s29] =	ssyncadd.s32 $0xFFFFFFFF  }
0xb6: {  	_ =	strace $0x90000054  }
0xb7: {  	_ =	sfence  }
0xb8: {  	s30 =	sld [smem:$0x0];
	_ =	sdelay $0x2  }
0xb9: {  	s31 =	sshll.u32 s1, $0xD;
	s1 =	sshrl.u32 s1, $0x2  }
0xba: {  	s3 =	sand.u32 $0x4000, s31;
	s1 =	sadd.s32 s1, s30  }
0xbb: {  	s0 =	sor.u32 s3, s0;
	s1 =	sshll.u32 s1, $0x11  }
0xbc: {  	s0 =	sor.u32 s1, s0  }
0xbd: {  	s0 =	sadd.s32 $0x8F2B, s0  }
0xbe: {  	[sflag:s0] =	ssyncadd.remote.s32 $0x1  }
0xbf: {  	_ =	sfence.sel $0xFFFF  }
0xc0: {  	[dreg:$0x0] =	wrdreg $0xFFFFFFFF;
	(pc) =	sbr.abs _section_cstart, $3  }
0xc1: {  	[dreg:$0x1] =	wrdreg $0xFFFFFFFF  }
0xc2: {  	_ =	task.clear_ibuf [dreg:s7], $0x2FFFF;
	_ =	strace $0x9FFFFFFF  }
0xc3: {  	(tm) =	ssettm $0x7FFFFFFF  }
tec
execute0_lowered:
.L_overlay_start_1:
0x0: {  	(tag) =	ssettag $0x1  }
0x1: {  	s6 =	rddreg [dreg:$0x0]  }
0x2: {  	s1 =	rddreg [dreg:$0x1]  }
0x3: {  	s3 =	rddreg [dreg:$0x2]  }
0x4: {  	s0 =	rddreg [dreg:$0x3];
	s4 =	simm.s32 $0x0;
	s2 =	stileid.u32  }
0x5: {  	s8 =	srdreg.scid;
	s18 =	simm.s32 $0x1;
	s19 =	simm.s32 $0x0  }
0x6: {  	[smem:$0x7FF] =	sst s4;
	s7 =	smul.u32 $0x2800, s2;
	s5 =	sadd.s32 $0x121400, s6  }
0x7: {  	s9 =	sadd.s32 $0x10D400, s6;
	s8 =	sand.u32 $0x1, s8;
	s11 =	smul.u32 $0x280, s2  }
0x8: {  	s13 =	smul.u32 $0x32000, s2;
	s14 =	sadd.s32 $0x1BD600, s6;
	s31 =	sshll.u32 s2, $0x6  }
0x9: {  	_ =	strace $0x80000053;
	s12 =	ssub.s32 $0x2, s8;
	s15 =	smul.u32 $0x28000, s8  }
0xa: {  	s16 =	smul.u32 $0x2800, s8;
	s8 =	sor.u32 $0x2, s8;
	s10 =	sshrl.u32 s7, $0x3  }
0xb: {  	s23 =	sshrl.u32 s12, $0x1;
	s24 =	sshrl.u32 s13, $0x2;
	s25 =	smul.u32 $0x2800, s8  }
0xc: {  	s8 =	smul.u32 $0x28000, s8;
	s13 =	simm.s32 $0x2;
	s10 =	sadd.s32 s10, s6  }
0xd: {  	s12 =	ssub.s32 s12, s23;
	s17 =	sadd.s32 s24, s3;
	s26 =	sadd.s32 s11, s16  }
0xe: {  	s15 =	sadd.s32 s7, s15;
	s16 =	simm.s32 $0x80;
	s6 =	sadd.s32 $0x108400, s10  }
0xf: {  	s10 =	smul.u32 $0xA, s26;
	s11 =	sadd.s32 s11, s25;
	s28 =	sshrl.u32 s15, $0x3  }
0x10: {  	s29 =	sadd.s32 s7, s8;
	s15 =	sshrl.u32 s17, $0x3;
	s11 =	smul.u32 $0xA, s11  }
0x11: {  	s17 =	simm.s32 $0x5000;
	s7 =	sadd.s32 s9, s28;
	s30 =	sshrl.u32 s29, $0x3  }
0x12: {  	s8 =	sadd.s32 s14, s10;
	s9 =	sadd.s32 s9, s30;
	s10 =	sadd.s32 s14, s11  }
0x13: {  	s11 =	smax.u32 s12, $0x1;
	s12 =	simm.s32 $0x2800;
	s14 =	sor.u32 $0x1C02, s31  }
.LBB2_1:
0x14: {  	[tilespmem:s12], [sflag:$0x2] =	stream.linear.gather [hbm4b:s6+s4], $0x2800, $0x38;
	[tilespmem:$0x14000] =	vst v63  }
0x15: {  	_ =	swait.ge [sflag:s13], $0x2800  }
0x16: {  	[sflag:s13] =	ssyncset.done $0x0  }
0x17: {  	[sflag:s13] =	ssyncadd.s32 $0xFFFFD800  }
0x18: {  	[spmem:s15], [sflag:s14] =	dma.local [hbm:s1], $0x1900  }
0x19: {  	_ =	swait.ge [sflag:s13], $0x1900  }
0x1a: {  	[sflag:s13] =	ssyncset.done $0x0  }
0x1b: {  	[sflag:s13] =	ssyncadd.s32 $0xFFFFE700  }
0x1c: {  	[bflag:$0x0] =	sbarrier.arrive $0xFFFF  }
0x1d: {  	[tilespmem:s4], [sflag:$0x2] =	stream.linear.gather [hbm4b:s7+s4], $0x2800, $0x38;
	[tilespmem:$0x14000] =	vst v63  }
0x1e: {  	_ =	swait.ge [sflag:s13], $0x2800  }
0x1f: {  	[sflag:s13] =	ssyncset.done $0x0  }
0x20: {  	s20 =	simm.s32 $0x0;
	[sflag:s13] =	ssyncadd.s32 $0xFFFFD800  }
0x21: {  	[tilespmem:s17], [sflag:$0x1] =	stream.indirect.gather [hbm4b:s5+s16], $0x50, s20, s16, $0xb8;
	[tilespmem:$0x14000] =	vst v63  }
0x22: {  	_ =	swait.ge [sflag:s18], $0x2800  }
0x23: {  	[sflag:s18] =	ssyncset.done $0x0  }
0x24: {  	s31 =	simm.s32 $0x2800;
	[sflag:s18] =	ssyncadd.s32 $0xFFFFD800  }
0x25: {  	[spmem:s3] =	stream.indirect.scatter.add.f32 [tilespmem:s17], [sflag:$0x2], $0x50, s31, s16, $0xb8;
	[tilespmem:$0x14000] =	vst v63  }
0x26: {  	_ =	swait.ge [sflag:s13], $0x2800  }
0x27: {  	s21 =	simm.s32 $0x400;
	s20 =	simm.s32 $0x200;
	[sflag:s13] =	ssyncset.done $0x0  }
.LBB2_2:
0x28: {  	s22 =	sshra.s32 s20, $0x2  }
0x29: {  	[sflag:s13] =	ssyncadd.s32 $0xFFFFD800;
	s20 =	smov.u32 s21;
	s23 =	sadd.s32 $0x200, s21  }
0x2a: {  	[tilespmem:s17], [sflag:$0x1] =	stream.indirect.gather [hbm4b:s5+s16], $0x50, s22, s16, $0xb8;
	[tilespmem:$0x14000] =	vst v63  }
0x2b: {  	p0 =	sne.s32 s21, $0x9E00;
	_ =	swait.ge [sflag:s18], $0x2800  }
.Ltmp0:
0x2c: {  	[sflag:s18] =	ssyncset.done $0x0;
	(pc) =	sbr.rel @p0 .LBB2_2-.Ltmp0, $4  }
0x2d: {  	s21 =	sadd.s32 $0x2800, s22;
	[sflag:s18] =	ssyncadd.s32 $0xFFFFD800  }
0x2e: {  	[spmem:s3] =	stream.indirect.scatter.add.f32 [tilespmem:s17], [sflag:$0x2], $0x50, s21, s16, $0xb8;
	[tilespmem:$0x14000] =	vst v63  }
0x2f: {  	_ =	swait.ge [sflag:s13], $0x2800  }
0x30: {  	s21 =	smov.u32 s23;
	[sflag:s13] =	ssyncset.done $0x0  }
0x31: {  	s20 =	sshra.s32 s20, $0x2;
	[sflag:s13] =	ssyncadd.s32 $0xFFFFD800  }
0x32: {  	[tilespmem:s17], [sflag:$0x1] =	stream.indirect.gather [hbm4b:s5+s16], $0x50, s20, s16, $0xb8;
	[tilespmem:$0x14000] =	vst v63  }
0x33: {  	_ =	swait.ge [sflag:s18], $0x2800  }
0x34: {  	[sflag:s18] =	ssyncset.done $0x0  }
0x35: {  	s20 =	sadd.s32 $0x2800, s20;
	[sflag:s18] =	ssyncadd.s32 $0xFFFFD800  }
0x36: {  	[spmem:s3] =	stream.indirect.scatter.add.f32 [tilespmem:s17], [sflag:$0x2], $0x50, s20, s16, $0xb8;
	[tilespmem:$0x14000] =	vst v63  }
0x37: {  	_ =	swait.ge [sflag:s13], $0x2800  }
0x38: {  	[sflag:s13] =	ssyncset.done $0x0  }
0x39: {  	[sflag:s13] =	ssyncadd.s32 $0xFFFFD800  }
0x3a: {  	[bflag:$0x0] =	sbarrier.arrive $0xFFFF  }
0x3b: {  	[hbm:s8], [sflag:s14] =	dma.local [spmem:s15], $0x1900  }
0x3c: {  	_ =	swait.ge [sflag:s13], $0x1900  }
0x3d: {  	[sflag:s13] =	ssyncset.done $0x0  }
0x3e: {  	[sflag:s13] =	ssyncadd.s32 $0xFFFFE700  }
0x3f: {  	[bflag:$0x0] =	sbarrier.arrive $0xFFFF  }
0x40: {  	[spmem:s15], [sflag:s14] =	dma.local [hbm:s1], $0x1900  }
0x41: {  	_ =	swait.ge [sflag:s13], $0x1900  }
0x42: {  	[sflag:s13] =	ssyncset.done $0x0  }
0x43: {  	[sflag:s13] =	ssyncadd.s32 $0xFFFFE700  }
0x44: {  	s29 =	simm.s32 $0x0;
	[bflag:$0x0] =	sbarrier.arrive $0xFFFF  }
0x45: {  	[tilespmem:s29], [sflag:$0x2] =	stream.linear.gather [hbm4b:s9+s29], $0x2800, $0x38;
	[tilespmem:$0x14000] =	vst v63  }
0x46: {  	_ =	swait.ge [sflag:s13], $0x2800  }
0x47: {  	[sflag:s13] =	ssyncset.done $0x0  }
0x48: {  	s30 =	simm.s32 $0x0;
	[sflag:s13] =	ssyncadd.s32 $0xFFFFD800  }
0x49: {  	[tilespmem:s17], [sflag:$0x1] =	stream.indirect.gather [hbm4b:s5+s16], $0x50, s30, s16, $0xb8;
	[tilespmem:$0x14000] =	vst v63  }
0x4a: {  	_ =	swait.ge [sflag:s18], $0x2800  }
0x4b: {  	[sflag:s18] =	ssyncset.done $0x0  }
0x4c: {  	s31 =	simm.s32 $0x2800;
	[sflag:s18] =	ssyncadd.s32 $0xFFFFD800  }
0x4d: {  	[spmem:s3] =	stream.indirect.scatter.add.f32 [tilespmem:s17], [sflag:$0x2], $0x50, s31, s16, $0xb8;
	[tilespmem:$0x14000] =	vst v63  }
0x4e: {  	_ =	swait.ge [sflag:s13], $0x2800  }
0x4f: {  	s21 =	simm.s32 $0x400;
	s20 =	simm.s32 $0x200;
	[sflag:s13] =	ssyncset.done $0x0  }
.LBB2_4:
0x50: {  	s22 =	sshra.s32 s20, $0x2  }
0x51: {  	[sflag:s13] =	ssyncadd.s32 $0xFFFFD800;
	s20 =	smov.u32 s21;
	s23 =	sadd.s32 $0x200, s21  }
0x52: {  	[tilespmem:s17], [sflag:$0x1] =	stream.indirect.gather [hbm4b:s5+s16], $0x50, s22, s16, $0xb8;
	[tilespmem:$0x14000] =	vst v63  }
0x53: {  	p0 =	sne.s32 s21, $0x9E00;
	_ =	swait.ge [sflag:s18], $0x2800  }
.Ltmp1:
0x54: {  	[sflag:s18] =	ssyncset.done $0x0;
	(pc) =	sbr.rel @p0 .LBB2_4-.Ltmp1, $4  }
0x55: {  	s21 =	sadd.s32 $0x2800, s22;
	[sflag:s18] =	ssyncadd.s32 $0xFFFFD800  }
0x56: {  	[spmem:s3] =	stream.indirect.scatter.add.f32 [tilespmem:s17], [sflag:$0x2], $0x50, s21, s16, $0xb8;
	[tilespmem:$0x14000] =	vst v63  }
0x57: {  	_ =	swait.ge [sflag:s13], $0x2800  }
0x58: {  	s21 =	smov.u32 s23;
	[sflag:s13] =	ssyncset.done $0x0  }
0x59: {  	s20 =	sshra.s32 s20, $0x2;
	[sflag:s13] =	ssyncadd.s32 $0xFFFFD800  }
0x5a: {  	[tilespmem:s17], [sflag:$0x1] =	stream.indirect.gather [hbm4b:s5+s16], $0x50, s20, s16, $0xb8;
	[tilespmem:$0x14000] =	vst v63  }
0x5b: {  	_ =	swait.ge [sflag:s18], $0x2800  }
0x5c: {  	[sflag:s18] =	ssyncset.done $0x0  }
0x5d: {  	s20 =	sadd.s32 $0x2800, s20;
	[sflag:s18] =	ssyncadd.s32 $0xFFFFD800  }
0x5e: {  	[spmem:s3] =	stream.indirect.scatter.add.f32 [tilespmem:s17], [sflag:$0x2], $0x50, s20, s16, $0xb8;
	[tilespmem:$0x14000] =	vst v63  }
0x5f: {  	_ =	swait.ge [sflag:s13], $0x2800  }
0x60: {  	[sflag:s13] =	ssyncset.done $0x0  }
0x61: {  	s19 =	sadd.s32 $0x1, s19;
	[sflag:s13] =	ssyncadd.s32 $0xFFFFD800  }
0x62: {  	p0 =	sne.s32 s19, s11;
	[bflag:$0x0] =	sbarrier.arrive $0xFFFF  }
0x63: {  	[hbm:s10], [sflag:s14] =	dma.local [spmem:s15], $0x1900  }
.Ltmp2:
0x64: {  	_ =	swait.ge [sflag:s13], $0x1900;
	(pc) =	sbr.rel @p0 .LBB2_1-.Ltmp2, $3  }
0x65: {  	[sflag:s13] =	ssyncset.done $0x0  }
0x66: {  	[sflag:s13] =	ssyncadd.s32 $0xFFFFE700  }
0x67: {  	[bflag:$0x0] =	sbarrier.arrive $0xFFFF;
	_ =	sdelay $0x1  }
0x68: {  	_ =	sfence.sel $0x180000  }
0x69: {  	[bflag:$0x0] =	sbarrier.arrive $0xFFFF  }
0x6a: {  	p0 =	sne.s32 s2, $0x0;
	_ =	strace $0x90000053  }
0x6b: {  	s0 =	sadd.s32 @!p0 $0x100000, s0;
	[bflag:$0x2] =	sbarrier.arrive $0xFFFF  }
0x6c: {  	[sflag:s0] =	ssyncadd.tile.s32 @!p0 $0x1;
	_ =	shalt  }
.Lfunc_end2:
_tile_overlayer_lowered:
.L_overlay_start_2:
0x6d: {  	(tag) =	ssettag $0x2  }
0x6e: {  	s0 =	rddreg [dreg:$0x0];
	s2 =	stileid.u32  }
0x6f: {  	s1 =	rddreg [dreg:$0x1];
	p0 =	sne.s32 s2, $0x0  }
0x70: {  	s3 =	rddreg [dreg:$0x2];
	[bflag:$0x3] =	sbarrier.arrive $0xFFFF;
	s2 =	simm.s32 @!p0 $0x1C02  }
0x71: {  	[timem:s3], [sflag:s2] =	dma.local @!p0 [hbm:s0], s1  }
0x72: {  	s0 =	simm.s32 @!p0 $0x2  }
0x73: {  	_ =	swait.ge @!p0 [sflag:s0], s1  }
0x74: {  	s1 =	ssub.s32 @!p0 $0x0, s1;
	[sflag:s0] =	ssyncset.done @!p0 $0x0  }
0x75: {  	[sflag:s0] =	ssyncadd.s32 @!p0 s1  }
0x76: {  	[bflag:$0x3] =	sbarrier.arrive $0xFFFF  }
0x77: {  	_ =	shalt  }

// kernel: kernel.30.cloned.1.call-start
scs
__scs_entry_jumppad:
0x0: {  	(pc) =	sbr.rel $0x88, $3  }
0x1: {  	(tag) =	ssettag $0x0;
	lr =	simm.s32 $0x1  }
0x2: {  	[smem:$0x3F91] =	sst lr;
	_ =	strace $0xD0000000  }
0x3: {  	_ = 	snop  }
0x4: {  	_ = 	snop  }
0x5: {  	_ = 	snop  }
0x6: {  	_ = 	snop  }
0x7: {  	_ = 	snop  }
__scs_overlays_trampoline_lowered:
0x8: {  	[smem:$0x3FA0] =	sst s0  }
0x9: {  	[smem:$0x3FA1] =	sst s1  }
0xa: {  	[smem:$0x3FA2] =	sst s2  }
0xb: {  	[smem:$0x3FA3] =	sst s3  }
0xc: {  	[smem:$0x3FA4] =	sst s4  }
0xd: {  	[smem:$0x3FA5] =	sst s5  }
0xe: {  	[smem:$0x3FA6] =	sst s6  }
0xf: {  	[smem:$0x3FA7] =	sst s7  }
0x10: {  	[smem:$0x3FA8] =	sst s8  }
0x11: {  	[smem:$0x3FA9] =	sst s9;
	s0 =	simm.s32 @!p0 $0x0  }
0x12: {  	s1 =	sld [smem:$0x3F8F];
	s0 =	simm.s32 @p0 $0x1  }
0x13: {  	[smem:$0x3FAA] =	sst s0;
	s0 =	simm.s32 @!p1 $0x0  }
0x14: {  	s2 =	sld [smem:$0x3F8E];
	s0 =	simm.s32 @p1 $0x1  }
0x15: {  	[smem:$0x3FAB] =	sst s0;
	s0 =	simm.s32 @!p2 $0x0  }
0x16: {  	s3 =	sld [smem:$0x3FDB];
	s0 =	simm.s32 @p2 $0x1  }
0x17: {  	s4 =	simm.s32 $0x1BF5;
	[smem:$0x3FAD] =	sst s0  }
0x18: {  	s0 =	sld [smem:$0x3F90];
	_ =	swait.ge [sflag:s4], $0x0  }
0x19: {  	s7 =	sld [smem:$0x3F91]  }
0x1a: {  	s8 =	sadd.s32 $0xFFFFE003, lr  }
0x1b: {  	s9 =	sadd.s32 $0xFFFFFEF7, lr;
	s5 =	simm.s32 $0xFFFFFFFF;
	p2 =	slt.u32 s8, $0xFFFFF086  }
0x1c: {  	p1 =	slt.u32 s9, $0xF7A;
	s5 =	simm.s32 @!p2 $0x0  }
0x1d: {  	s5 =	simm.s32 @p1 $0x1;
	p0 =	seq.s32 s7, s2  }
0x1e: {  	s7 =	smul.u32 @!p0 $0xF7A, s2;
	p2 =	seq.s32 @!p0 s5, $0x0  }
0x1f: {  	s9 =	smul.u32 $0xF7A, s1;
	s8 =	simm.s32 @!p0 $0x1BF5;
	p2 =	por !p2, p0  }
0x20: {  	[sflag:s8] =	ssyncset.s32 @!p0 $0xFFFFF086;
	s6 =	sadd.s32 @!p0 s3, s7;
	s7 =	simm.s32 @!p0 $0x108  }
0x21: {  	s3 =	sadd.s32 s3, s9;
	s6 =	sadd.s32 @!p0 $0x88, s6;
	s7 =	simm.s32 @p2 $0x1082  }
0x22: {  	[simem:s7], [sflag:s8] =	dma.local @!p0 [hbm:s6], $0xF7A  }
0x23: {  	s9 =	sor.u32 $0xD0000000, s2;
	s6 =	simm.s32 $0x108;
	_ =	swait.ge @!p0 [sflag:s8], $0x0  }
0x24: {  	s3 =	sadd.s32 $0x88, s3;
	s6 =	simm.s32 @!p1 $0x1082;
	[sflag:s4] =	ssyncset.s32 $0xFFFFF086  }
0x25: {  	[simem:s6], [sflag:s4] =	dma.local [hbm:s3], $0xF7A  }
0x26: {  	[smem:$0x3F91] =	sst s1;
	(tag) =	ssettag s2;
	_ =	strace s9  }
0x27: {  	s1 =	sld [smem:$0x3FA1]  }
0x28: {  	s2 =	sld [smem:$0x3FA2]  }
0x29: {  	s4 =	sld [smem:$0x3FA4]  }
0x2a: {  	p0 =	seq.s32 s5, $0x0;
	s5 =	sld [smem:$0x3FA5]  }
0x2b: {  	s6 =	sld [smem:$0x3FA6]  }
0x2c: {  	s7 =	sld [smem:$0x3FA7]  }
0x2d: {  	s3 =	simm.s32 $0x108;
	s8 =	sld [smem:$0x3FA8]  }
0x2e: {  	s3 =	simm.s32 @!p0 $0x1082;
	s9 =	sld [smem:$0x3FA9]  }
0x2f: {  	lr =	sadd.s32 s0, s3;
	s0 =	sld [smem:$0x3FA0]  }
0x30: {  	s3 =	sld [smem:$0x3FA3]  }
0x31: {  	[smem:$0x3FAC] =	sst s10  }
0x32: {  	s10 =	sld [smem:$0x3FAA];
	_ =	sdelay $0x3  }
0x33: {  	p0 =	seq.s32 s10, $0x1;
	s10 =	sld [smem:$0x3FAC];
	_ =	sdelay $0x3  }
0x34: {  	[smem:$0x3FAC] =	sst s10  }
0x35: {  	s10 =	sld [smem:$0x3FAB];
	_ =	sdelay $0x3  }
0x36: {  	p1 =	seq.s32 s10, $0x1;
	s10 =	sld [smem:$0x3FAC];
	_ =	sdelay $0x3  }
0x37: {  	[smem:$0x3FAC] =	sst s10  }
0x38: {  	s10 =	sld [smem:$0x3FAD]  }
0x39: {  	_ = 	snop;
	(pc) =	sbr.ind lr, $3  }
0x3a: {  	_ = 	snop  }
0x3b: {  	_ = 	snop  }
0x3c: {  	p2 =	seq.s32 s10, $0x1;
	s10 =	sld [smem:$0x3FAC]  }
0x3d: {  	_ =	shalt  }
0x3e: {  	_ =	shalt  }
0x3f: {  	_ =	shalt  }
0x40: {  	_ =	shalt  }
0x41: {  	_ =	shalt  }
0x42: {  	_ =	shalt  }
0x43: {  	_ =	shalt  }
0x44: {  	_ =	shalt  }
0x45: {  	_ =	shalt  }
0x46: {  	_ =	shalt  }
0x47: {  	_ =	shalt  }
0x48: {  	_ =	shalt  }
0x49: {  	_ =	shalt  }
0x4a: {  	_ =	shalt  }
0x4b: {  	_ =	shalt  }
0x4c: {  	_ =	shalt  }
0x4d: {  	_ =	shalt  }
0x4e: {  	_ =	shalt  }
0x4f: {  	_ =	shalt  }
0x50: {  	_ =	shalt  }
0x51: {  	_ =	shalt  }
0x52: {  	_ =	shalt  }
0x53: {  	_ =	shalt  }
0x54: {  	_ =	shalt  }
0x55: {  	_ =	shalt  }
0x56: {  	_ =	shalt  }
0x57: {  	_ =	shalt  }
0x58: {  	_ =	shalt  }
0x59: {  	_ =	shalt  }
0x5a: {  	_ =	shalt  }
0x5b: {  	_ =	shalt  }
0x5c: {  	_ =	shalt  }
0x5d: {  	_ =	shalt  }
0x5e: {  	_ =	shalt  }
0x5f: {  	_ =	shalt  }
0x60: {  	_ =	shalt  }
0x61: {  	_ =	shalt  }
0x62: {  	_ =	shalt  }
0x63: {  	_ =	shalt  }
0x64: {  	_ =	shalt  }
0x65: {  	_ =	shalt  }
0x66: {  	_ =	shalt  }
0x67: {  	_ =	shalt  }
0x68: {  	_ =	shalt  }
0x69: {  	_ =	shalt  }
0x6a: {  	_ =	shalt  }
0x6b: {  	_ =	shalt  }
0x6c: {  	_ =	shalt  }
0x6d: {  	_ =	shalt  }
0x6e: {  	_ =	shalt  }
0x6f: {  	_ =	shalt  }
0x70: {  	_ =	shalt  }
0x71: {  	_ =	shalt  }
0x72: {  	_ =	shalt  }
0x73: {  	_ =	shalt  }
0x74: {  	_ =	shalt  }
0x75: {  	_ =	shalt  }
0x76: {  	_ =	shalt  }
0x77: {  	_ =	shalt  }
0x78: {  	_ =	shalt  }
0x79: {  	_ =	shalt  }
0x7a: {  	_ =	shalt  }
0x7b: {  	_ =	shalt  }
0x7c: {  	_ =	shalt  }
0x7d: {  	_ =	shalt  }
0x7e: {  	_ =	shalt  }
0x7f: {  	_ =	shalt  }
0x80: {  	_ =	shalt  }
0x81: {  	_ =	shalt  }
0x82: {  	_ =	shalt  }
0x83: {  	_ =	shalt  }
0x84: {  	_ =	shalt  }
0x85: {  	_ =	shalt  }
0x86: {  	_ =	shalt  }
0x87: {  	_ =	shalt  }
.Lfunc_end0:
.L_simem_size_0:
called_computation.5_lowered:
.L_overlay_start_0:
0x88: {  	s2 =	sld [smem:$0x3FD9]  }
0x89: {  	s3 =	sld [smem:$0x3FFE];
	_ =	sdelay $0x1  }
0x8a: {  	s1 =	srdreg.scid  }
0x8b: {  	s0 =	sand.u32 $0x1, s1  }
0x8c: {  	s17 =	sshll.u32 s0, $0xA;
	s2 =	sadd.s32 s3, s2  }
0x8d: {  	s2 =	sadd.s32 s2, s17  }
0x8e: {  	[smem:$0x3FB8] =	sst s2  }
0x8f: {  	_ = 	snop  }
0x90: {  	s2 =	sld [smem:$0x3FD0];
	(tm) =	ssettm $0x1  }
0x91: {  	s18 =	sld [smem:$0x3FFB];
	_ =	sdelay $0x3  }
0x92: {  	_ =	strace s18  }
0x93: {  	s3 =	sld [smem:$0x3FFC];
	_ =	sdelay $0x3  }
0x94: {  	_ =	strace s3  }
0x95: {  	s3 =	sld [smem:$0x3FFD];
	_ =	sdelay $0x3  }
0x96: {  	_ =	strace s3  }
0x97: {  	_ =	strace $0x8FFFFFFF  }
0x98: {  	s19 =	sld [smem:$0x3FDB];
	_ =	sdelay $0x1  }
0x99: {  	s4 =	simm.s32 $_scs_section_size  }
0x9a: {  	s5 =	simm.s32 $_size__tile_overlayer_lowered;
	s6 =	simm.s32 $_tile_overlayer_lowered  }
0x9b: {  	s22 =	simm.s32 $0x1BFF;
	s21 =	sshll.u32 s6, $0x1;
	s3 =	sadd.s32 s4, s19  }
0x9c: {  	s7 =	simm.s32 $0x0;
	s20 =	sshll.u32 s5, $0x1;
	s5 =	sadd.s32 s21, s3  }
0x9d: {  	[timem:s7], [sflag:s22] =	dma.local [hbm:s5], s20  }
0x9e: {  	_ =	swait.ge [sflag:s22], s20  }
0x9f: {  	s4 =	ssub.s32 $0x0, s20;
	[sflag:s22] =	ssyncset.done $0x0  }
0xa0: {  	[sflag:s22] =	ssyncadd.s32 s4;
	_ =	sdelay $0x1  }
0xa1: {  	s23 =	simm.s32 $0x1B8B  }
0xa2: {  	_ =	swait.ge [sflag:s23], $0x1  }
0xa3: {  	[sflag:s23] =	ssyncset.done $0x0  }
0xa4: {  	s25 =	simm.s32 $0x1B8E;
	s24 =	sld [smem:$0x3FFE];
	[sflag:s23] =	ssyncadd.s32 $0xFFFFFFFF  }
0xa5: {  	s26 =	simm.s32 $execute0_lowered;
	[smem:$0x3FD2] =	sst s25  }
0xa6: {  	s5 =	sshll.u32 s26, $0x1;
	_ =	strace $0x80000055;
	[dreg:$0x1] =	wrdreg $0xFFFFFFFF  }
0xa7: {  	s28 =	simm.s32 $_size_execute0_lowered;
	s3 =	sadd.s32 s3, s5;
	[dreg:$0x0] =	wrdreg $0x0  }
0xa8: {  	s5 =	sshll.u32 s28, $0x1;
	[dreg:$0x2] =	wrdreg s3  }
0xa9: {  	[dreg:$0x3] =	wrdreg s5  }
0xaa: {  	[dreg:$0x4] =	wrdreg $0xC0  }
0xab: {  	_ =	task [dreg:s7], $0x5FFFF  }
0xac: {  	[dreg:$0x1] =	wrdreg $0xFFFFFFFF  }
0xad: {  	[dreg:$0x0] =	wrdreg $0x60  }
0xae: {  	[dreg:$0x2] =	wrdreg s24  }
0xaf: {  	[dreg:$0x3] =	wrdreg s2  }
0xb0: {  	[dreg:$0x4] =	wrdreg $0x78000  }
0xb1: {  	[dreg:$0x5] =	wrdreg $0x9  }
0xb2: {  	_ =	task.clear_ibuf [dreg:s7], $0x6FFFF;
	_ =	strace $0x90000055  }
0xb3: {  	s29 =	simm.s32 $0x9;
	_ =	strace $0x80000057  }
0xb4: {  	_ =	swait.ge [sflag:s29], $0x1  }
0xb5: {  	[sflag:s29] =	ssyncadd.s32 $0xFFFFFFFF  }
0xb6: {  	_ =	strace $0x90000057  }
0xb7: {  	_ =	sfence  }
0xb8: {  	s30 =	sld [smem:$0x0];
	_ =	sdelay $0x2  }
0xb9: {  	s31 =	sshll.u32 s1, $0xD;
	s1 =	sshrl.u32 s1, $0x2  }
0xba: {  	s3 =	sand.u32 $0x4000, s31;
	s1 =	sadd.s32 s1, s30  }
0xbb: {  	s0 =	sor.u32 s3, s0;
	s1 =	sshll.u32 s1, $0x11  }
0xbc: {  	s0 =	sor.u32 s1, s0  }
0xbd: {  	s0 =	sadd.s32 $0x8F2B, s0  }
0xbe: {  	[sflag:s0] =	ssyncadd.remote.s32 $0x1  }
0xbf: {  	_ =	sfence.sel $0xFFFF  }
0xc0: {  	[dreg:$0x0] =	wrdreg $0xFFFFFFFF;
	(pc) =	sbr.abs _section_cstart, $3  }
0xc1: {  	[dreg:$0x1] =	wrdreg $0xFFFFFFFF  }
0xc2: {  	_ =	task.clear_ibuf [dreg:s7], $0x2FFFF;
	_ =	strace $0x9FFFFFFF  }
0xc3: {  	(tm) =	ssettm $0x7FFFFFFF  }
tec
execute0_lowered:
.L_overlay_start_1:
0x0: {  	(tag) =	ssettag $0x1  }
0x1: {  	s6 =	rddreg [dreg:$0x0]  }
0x2: {  	s1 =	rddreg [dreg:$0x1]  }
0x3: {  	s3 =	rddreg [dreg:$0x2]  }
0x4: {  	s0 =	rddreg [dreg:$0x3];
	s4 =	simm.s32 $0x0;
	s2 =	stileid.u32  }
0x5: {  	s8 =	srdreg.scid;
	s18 =	simm.s32 $0x1;
	s19 =	simm.s32 $0x0  }
0x6: {  	[smem:$0x7FF] =	sst s4;
	s7 =	smul.u32 $0x2800, s2;
	s5 =	sadd.s32 $0x121400, s6  }
0x7: {  	s9 =	sadd.s32 $0x10D400, s6;
	s8 =	sand.u32 $0x1, s8;
	s11 =	smul.u32 $0x280, s2  }
0x8: {  	s13 =	smul.u32 $0x32000, s2;
	s14 =	sadd.s32 $0x4400, s6;
	s31 =	sshll.u32 s2, $0x6  }
0x9: {  	_ =	strace $0x80000056;
	s12 =	ssub.s32 $0x2, s8;
	s15 =	smul.u32 $0x28000, s8  }
0xa: {  	s16 =	smul.u32 $0x2800, s8;
	s8 =	sor.u32 $0x2, s8;
	s10 =	sshrl.u32 s7, $0x3  }
0xb: {  	s23 =	sshrl.u32 s12, $0x1;
	s24 =	sshrl.u32 s13, $0x2;
	s25 =	smul.u32 $0x2800, s8  }
0xc: {  	s8 =	smul.u32 $0x28000, s8;
	s13 =	simm.s32 $0x2;
	s10 =	sadd.s32 s10, s6  }
0xd: {  	s12 =	ssub.s32 s12, s23;
	s17 =	sadd.s32 s24, s3;
	s26 =	sadd.s32 s11, s16  }
0xe: {  	s15 =	sadd.s32 s7, s15;
	s16 =	simm.s32 $0x80;
	s6 =	sadd.s32 $0x108400, s10  }
0xf: {  	s10 =	smul.u32 $0xA, s26;
	s11 =	sadd.s32 s11, s25;
	s28 =	sshrl.u32 s15, $0x3  }
0x10: {  	s29 =	sadd.s32 s7, s8;
	s15 =	sshrl.u32 s17, $0x3;
	s11 =	smul.u32 $0xA, s11  }
0x11: {  	s17 =	simm.s32 $0x5000;
	s7 =	sadd.s32 s9, s28;
	s30 =	sshrl.u32 s29, $0x3  }
0x12: {  	s8 =	sadd.s32 s14, s10;
	s9 =	sadd.s32 s9, s30;
	s10 =	sadd.s32 s14, s11  }
0x13: {  	s11 =	smax.u32 s12, $0x1;
	s12 =	simm.s32 $0x2800;
	s14 =	sor.u32 $0x1C02, s31  }
.LBB2_1:
0x14: {  	[tilespmem:s12], [sflag:$0x2] =	stream.linear.gather [hbm4b:s6+s4], $0x2800, $0x38;
	[tilespmem:$0x14000] =	vst v63  }
0x15: {  	_ =	swait.ge [sflag:s13], $0x2800  }
0x16: {  	[sflag:s13] =	ssyncset.done $0x0  }
0x17: {  	[sflag:s13] =	ssyncadd.s32 $0xFFFFD800  }
0x18: {  	[spmem:s15], [sflag:s14] =	dma.local [hbm:s1], $0x1900  }
0x19: {  	_ =	swait.ge [sflag:s13], $0x1900  }
0x1a: {  	[sflag:s13] =	ssyncset.done $0x0  }
0x1b: {  	[sflag:s13] =	ssyncadd.s32 $0xFFFFE700  }
0x1c: {  	[bflag:$0x0] =	sbarrier.arrive $0xFFFF  }
0x1d: {  	[tilespmem:s4], [sflag:$0x2] =	stream.linear.gather [hbm4b:s7+s4], $0x2800, $0x38;
	[tilespmem:$0x14000] =	vst v63  }
0x1e: {  	_ =	swait.ge [sflag:s13], $0x2800  }
0x1f: {  	[sflag:s13] =	ssyncset.done $0x0  }
0x20: {  	s20 =	simm.s32 $0x0;
	[sflag:s13] =	ssyncadd.s32 $0xFFFFD800  }
0x21: {  	[tilespmem:s17], [sflag:$0x1] =	stream.indirect.gather [hbm4b:s5+s16], $0x50, s20, s16, $0xb8;
	[tilespmem:$0x14000] =	vst v63  }
0x22: {  	_ =	swait.ge [sflag:s18], $0x2800  }
0x23: {  	[sflag:s18] =	ssyncset.done $0x0  }
0x24: {  	s31 =	simm.s32 $0x2800;
	[sflag:s18] =	ssyncadd.s32 $0xFFFFD800  }
0x25: {  	[spmem:s3] =	stream.indirect.scatter.add.f32 [tilespmem:s17], [sflag:$0x2], $0x50, s31, s16, $0xb8;
	[tilespmem:$0x14000] =	vst v63  }
0x26: {  	_ =	swait.ge [sflag:s13], $0x2800  }
0x27: {  	s21 =	simm.s32 $0x400;
	s20 =	simm.s32 $0x200;
	[sflag:s13] =	ssyncset.done $0x0  }
.LBB2_2:
0x28: {  	s22 =	sshra.s32 s20, $0x2  }
0x29: {  	[sflag:s13] =	ssyncadd.s32 $0xFFFFD800;
	s20 =	smov.u32 s21;
	s23 =	sadd.s32 $0x200, s21  }
0x2a: {  	[tilespmem:s17], [sflag:$0x1] =	stream.indirect.gather [hbm4b:s5+s16], $0x50, s22, s16, $0xb8;
	[tilespmem:$0x14000] =	vst v63  }
0x2b: {  	p0 =	sne.s32 s21, $0x9E00;
	_ =	swait.ge [sflag:s18], $0x2800  }
.Ltmp0:
0x2c: {  	[sflag:s18] =	ssyncset.done $0x0;
	(pc) =	sbr.rel @p0 .LBB2_2-.Ltmp0, $4  }
0x2d: {  	s21 =	sadd.s32 $0x2800, s22;
	[sflag:s18] =	ssyncadd.s32 $0xFFFFD800  }
0x2e: {  	[spmem:s3] =	stream.indirect.scatter.add.f32 [tilespmem:s17], [sflag:$0x2], $0x50, s21, s16, $0xb8;
	[tilespmem:$0x14000] =	vst v63  }
0x2f: {  	_ =	swait.ge [sflag:s13], $0x2800  }
0x30: {  	s21 =	smov.u32 s23;
	[sflag:s13] =	ssyncset.done $0x0  }
0x31: {  	s20 =	sshra.s32 s20, $0x2;
	[sflag:s13] =	ssyncadd.s32 $0xFFFFD800  }
0x32: {  	[tilespmem:s17], [sflag:$0x1] =	stream.indirect.gather [hbm4b:s5+s16], $0x50, s20, s16, $0xb8;
	[tilespmem:$0x14000] =	vst v63  }
0x33: {  	_ =	swait.ge [sflag:s18], $0x2800  }
0x34: {  	[sflag:s18] =	ssyncset.done $0x0  }
0x35: {  	s20 =	sadd.s32 $0x2800, s20;
	[sflag:s18] =	ssyncadd.s32 $0xFFFFD800  }
0x36: {  	[spmem:s3] =	stream.indirect.scatter.add.f32 [tilespmem:s17], [sflag:$0x2], $0x50, s20, s16, $0xb8;
	[tilespmem:$0x14000] =	vst v63  }
0x37: {  	_ =	swait.ge [sflag:s13], $0x2800  }
0x38: {  	[sflag:s13] =	ssyncset.done $0x0  }
0x39: {  	[sflag:s13] =	ssyncadd.s32 $0xFFFFD800  }
0x3a: {  	[bflag:$0x0] =	sbarrier.arrive $0xFFFF  }
0x3b: {  	[hbm:s8], [sflag:s14] =	dma.local [spmem:s15], $0x1900  }
0x3c: {  	_ =	swait.ge [sflag:s13], $0x1900  }
0x3d: {  	[sflag:s13] =	ssyncset.done $0x0  }
0x3e: {  	[sflag:s13] =	ssyncadd.s32 $0xFFFFE700  }
0x3f: {  	[bflag:$0x0] =	sbarrier.arrive $0xFFFF  }
0x40: {  	[spmem:s15], [sflag:s14] =	dma.local [hbm:s1], $0x1900  }
0x41: {  	_ =	swait.ge [sflag:s13], $0x1900  }
0x42: {  	[sflag:s13] =	ssyncset.done $0x0  }
0x43: {  	[sflag:s13] =	ssyncadd.s32 $0xFFFFE700  }
0x44: {  	s29 =	simm.s32 $0x0;
	[bflag:$0x0] =	sbarrier.arrive $0xFFFF  }
0x45: {  	[tilespmem:s29], [sflag:$0x2] =	stream.linear.gather [hbm4b:s9+s29], $0x2800, $0x38;
	[tilespmem:$0x14000] =	vst v63  }
0x46: {  	_ =	swait.ge [sflag:s13], $0x2800  }
0x47: {  	[sflag:s13] =	ssyncset.done $0x0  }
0x48: {  	s30 =	simm.s32 $0x0;
	[sflag:s13] =	ssyncadd.s32 $0xFFFFD800  }
0x49: {  	[tilespmem:s17], [sflag:$0x1] =	stream.indirect.gather [hbm4b:s5+s16], $0x50, s30, s16, $0xb8;
	[tilespmem:$0x14000] =	vst v63  }
0x4a: {  	_ =	swait.ge [sflag:s18], $0x2800  }
0x4b: {  	[sflag:s18] =	ssyncset.done $0x0  }
0x4c: {  	s31 =	simm.s32 $0x2800;
	[sflag:s18] =	ssyncadd.s32 $0xFFFFD800  }
0x4d: {  	[spmem:s3] =	stream.indirect.scatter.add.f32 [tilespmem:s17], [sflag:$0x2], $0x50, s31, s16, $0xb8;
	[tilespmem:$0x14000] =	vst v63  }
0x4e: {  	_ =	swait.ge [sflag:s13], $0x2800  }
0x4f: {  	s21 =	simm.s32 $0x400;
	s20 =	simm.s32 $0x200;
	[sflag:s13] =	ssyncset.done $0x0  }
.LBB2_4:
0x50: {  	s22 =	sshra.s32 s20, $0x2  }
0x51: {  	[sflag:s13] =	ssyncadd.s32 $0xFFFFD800;
	s20 =	smov.u32 s21;
	s23 =	sadd.s32 $0x200, s21  }
0x52: {  	[tilespmem:s17], [sflag:$0x1] =	stream.indirect.gather [hbm4b:s5+s16], $0x50, s22, s16, $0xb8;
	[tilespmem:$0x14000] =	vst v63  }
0x53: {  	p0 =	sne.s32 s21, $0x9E00;
	_ =	swait.ge [sflag:s18], $0x2800  }
.Ltmp1:
0x54: {  	[sflag:s18] =	ssyncset.done $0x0;
	(pc) =	sbr.rel @p0 .LBB2_4-.Ltmp1, $4  }
0x55: {  	s21 =	sadd.s32 $0x2800, s22;
	[sflag:s18] =	ssyncadd.s32 $0xFFFFD800  }
0x56: {  	[spmem:s3] =	stream.indirect.scatter.add.f32 [tilespmem:s17], [sflag:$0x2], $0x50, s21, s16, $0xb8;
	[tilespmem:$0x14000] =	vst v63  }
0x57: {  	_ =	swait.ge [sflag:s13], $0x2800  }
0x58: {  	s21 =	smov.u32 s23;
	[sflag:s13] =	ssyncset.done $0x0  }
0x59: {  	s20 =	sshra.s32 s20, $0x2;
	[sflag:s13] =	ssyncadd.s32 $0xFFFFD800  }
0x5a: {  	[tilespmem:s17], [sflag:$0x1] =	stream.indirect.gather [hbm4b:s5+s16], $0x50, s20, s16, $0xb8;
	[tilespmem:$0x14000] =	vst v63  }
0x5b: {  	_ =	swait.ge [sflag:s18], $0x2800  }
0x5c: {  	[sflag:s18] =	ssyncset.done $0x0  }
0x5d: {  	s20 =	sadd.s32 $0x2800, s20;
	[sflag:s18] =	ssyncadd.s32 $0xFFFFD800  }
0x5e: {  	[spmem:s3] =	stream.indirect.scatter.add.f32 [tilespmem:s17], [sflag:$0x2], $0x50, s20, s16, $0xb8;
	[tilespmem:$0x14000] =	vst v63  }
0x5f: {  	_ =	swait.ge [sflag:s13], $0x2800  }
0x60: {  	[sflag:s13] =	ssyncset.done $0x0  }
0x61: {  	s19 =	sadd.s32 $0x1, s19;
	[sflag:s13] =	ssyncadd.s32 $0xFFFFD800  }
0x62: {  	p0 =	sne.s32 s19, s11;
	[bflag:$0x0] =	sbarrier.arrive $0xFFFF  }
0x63: {  	[hbm:s10], [sflag:s14] =	dma.local [spmem:s15], $0x1900  }
.Ltmp2:
0x64: {  	_ =	swait.ge [sflag:s13], $0x1900;
	(pc) =	sbr.rel @p0 .LBB2_1-.Ltmp2, $3  }
0x65: {  	[sflag:s13] =	ssyncset.done $0x0  }
0x66: {  	[sflag:s13] =	ssyncadd.s32 $0xFFFFE700  }
0x67: {  	[bflag:$0x0] =	sbarrier.arrive $0xFFFF;
	_ =	sdelay $0x1  }
0x68: {  	_ =	sfence.sel $0x180000  }
0x69: {  	[bflag:$0x0] =	sbarrier.arrive $0xFFFF  }
0x6a: {  	p0 =	sne.s32 s2, $0x0;
	_ =	strace $0x90000056  }
0x6b: {  	s0 =	sadd.s32 @!p0 $0x100000, s0;
	[bflag:$0x2] =	sbarrier.arrive $0xFFFF  }
0x6c: {  	[sflag:s0] =	ssyncadd.tile.s32 @!p0 $0x1;
	_ =	shalt  }
.Lfunc_end2:
_tile_overlayer_lowered:
.L_overlay_start_2:
0x6d: {  	(tag) =	ssettag $0x2  }
0x6e: {  	s0 =	rddreg [dreg:$0x0];
	s2 =	stileid.u32  }
0x6f: {  	s1 =	rddreg [dreg:$0x1];
	p0 =	sne.s32 s2, $0x0  }
0x70: {  	s3 =	rddreg [dreg:$0x2];
	[bflag:$0x3] =	sbarrier.arrive $0xFFFF;
	s2 =	simm.s32 @!p0 $0x1C02  }
0x71: {  	[timem:s3], [sflag:s2] =	dma.local @!p0 [hbm:s0], s1  }
0x72: {  	s0 =	simm.s32 @!p0 $0x2  }
0x73: {  	_ =	swait.ge @!p0 [sflag:s0], s1  }
0x74: {  	s1 =	ssub.s32 @!p0 $0x0, s1;
	[sflag:s0] =	ssyncset.done @!p0 $0x0  }
0x75: {  	[sflag:s0] =	ssyncadd.s32 @!p0 s1  }
0x76: {  	[bflag:$0x3] =	sbarrier.arrive $0xFFFF  }
0x77: {  	_ =	shalt  }

</sc_bundles>
